<compile_context>
chip_gen: v7x
topology: tpu7x:2x2x1
jax: 0.10.2.dev20260603
libtpu: 0.0.44.dev20260713+nightly
codegen_flags: <defaults>
</compile_context>

<pallas_src>
import functools

import jax
import jax.numpy as jnp
from jax import lax
from jax.experimental import pallas as pl
from jax.experimental.pallas import tpu as pltpu
from jax.experimental.pallas import tpu_sc as plsc

_B = 16384
_NNEG = 20
_D = 128
_C2 = 64
_CN = 64
_NBUF = 10


def _run_segment(nchunks, nbuf, start, wait_gather, start_stores,
                 wait_stores):
  look = nbuf - 1
  nblocks = nchunks // nbuf

  for g in range(min(look, nchunks)):
    start(g, g % nbuf)

  def position_full(j, b):
    bg = (b + look) % nbuf
    wait_stores(j + look - nbuf, bg)
    start(j + look, bg)
    wait_gather(j, b)
    start_stores(j, b)

  for b in range(min(nbuf, nchunks)):
    j = b
    g = j + look
    if g < nchunks:
      bg = g % nbuf
      if g >= nbuf:
        wait_stores(g - nbuf, bg)
      start(g, bg)
    wait_gather(j, b)
    start_stores(j, b)

  if nblocks >= 3:
    def body(i, carry):
      j0 = i * nbuf
      for b in range(nbuf):
        position_full(j0 + b, b)
      return carry
    lax.fori_loop(1, nblocks - 1, body, 0)

  if nblocks >= 2:
    j0 = (nblocks - 1) * nbuf
    for b in range(nbuf):
      j = j0 + b
      g = j + look
      if g < nchunks:
        bg = g % nbuf
        wait_stores(g - nbuf, bg)
        start(g, bg)
      wait_gather(j, b)
      start_stores(j, b)

  for j in range(max(0, nchunks - nbuf), nchunks):
    wait_stores(j, j % nbuf)


def _seg(table, idx_v, out, out_base, nrows, chunk, bufs, gsems, ssems):
  nchunks = nrows // chunk

  def start(j, b):
    pltpu.async_copy(table.at[idx_v.at[pl.ds(j * chunk, chunk)]],
                     bufs[b].at[pl.ds(0, chunk)], gsems[b])

  def wait_gather(j, b):
    pltpu.make_async_copy(table.at[idx_v.at[pl.ds(j * chunk, chunk)]],
                          bufs[b].at[pl.ds(0, chunk)], gsems[b]).wait()

  def start_stores(j, b):
    pltpu.async_copy(bufs[b].at[pl.ds(0, chunk)],
                     out.at[pl.ds(out_base + j * chunk, chunk)], ssems[b])

  def wait_stores(j, b):
    pltpu.make_async_copy(bufs[b].at[pl.ds(0, chunk)],
                          out.at[pl.ds(out_base + j * chunk, chunk)],
                          ssems[b]).wait()

  _run_segment(nchunks, len(bufs), start, wait_gather, start_stores,
               wait_stores)


def _make_sc_gather():
  info = plsc.get_sparse_core_info()
  nc, ns = info.num_cores, info.num_subcores
  nw = nc * ns
  bt = _B // nw
  bn = (_B * _NNEG) // nw
  mesh = plsc.VectorSubcoreMesh(core_axis_name="c", subcore_axis_name="s")

  @functools.partial(
      pl.kernel,
      mesh=mesh,
      out_type=(
          jax.ShapeDtypeStruct((_B, _D), jnp.float32),
          jax.ShapeDtypeStruct((_B, _D), jnp.float32),
          jax.ShapeDtypeStruct((_B * _NNEG, _D), jnp.float32),
      ),
      scratch_types=[
          pltpu.VMEM((bt,), jnp.int32),
          pltpu.VMEM((bt,), jnp.int32),
          pltpu.VMEM((bn,), jnp.int32),
      ] + [pltpu.VMEM((_CN, _D), jnp.float32) for _ in range(_NBUF)]
        + [pltpu.SemaphoreType.DMA for _ in range(2 * _NBUF)],
      compiler_params=pltpu.CompilerParams(use_tc_tiling_on_sc=True),
  )
  def sc_gather(tgt_hbm, ctx_hbm, noise_hbm, in_emb, out_emb,
                out_t, out_c, out_n,
                idx_t, idx_c, idx_n,
                b0, b1, b2, b3, b4, b5, b6, b7, b8, b9,
                g0, g1, g2, g3, g4, g5, g6, g7, g8, g9,
                s0, s1, s2, s3, s4, s5, s6, s7, s8, s9):
    wid = lax.axis_index("s") * nc + lax.axis_index("c")
    bufs = (b0, b1, b2, b3, b4, b5, b6, b7, b8, b9)
    gsems = (g0, g1, g2, g3, g4, g5, g6, g7, g8, g9)
    ssems = (s0, s1, s2, s3, s4, s5, s6, s7, s8, s9)
    pltpu.sync_copy(tgt_hbm.at[pl.ds(wid * bt, bt)], idx_t)
    pltpu.async_copy(ctx_hbm.at[pl.ds(wid * bt, bt)], idx_c, ssems[4])
    pltpu.async_copy(noise_hbm.at[pl.ds(wid * bn, bn)], idx_n, ssems[5])
    _seg(in_emb, idx_t, out_t, wid * bt, bt, _C2, bufs[:4], gsems[:4],
         ssems[:4])
    pltpu.make_async_copy(ctx_hbm.at[pl.ds(wid * bt, bt)], idx_c,
                          ssems[4]).wait()
    _seg(out_emb, idx_c, out_c, wid * bt, bt, _C2, bufs[:4], gsems[:4],
         ssems[:4])
    pltpu.make_async_copy(noise_hbm.at[pl.ds(wid * bn, bn)], idx_n,
                          ssems[5]).wait()
    _seg(out_emb, idx_n, out_n, wid * bn, bn, _CN, bufs, gsems, ssems)

  return sc_gather


_sc_gather = _make_sc_gather()


def kernel(target, context, noise, input_embedding, output_embedding):
  noise_t = jnp.transpose(noise.astype(jnp.int32)).reshape(-1)
  out_t, out_c, out_n = _sc_gather(
      target.astype(jnp.int32),
      context.astype(jnp.int32),
      noise_t,
      input_embedding,
      output_embedding,
  )
  return (out_t, out_c,
          jnp.transpose(out_n.reshape(_NNEG, _B, _D), (1, 0, 2)))

# --- scband reference (transcript-rebuilt; emitter-appended) ---
"""Pipeline reference for scband-skip-gram-negative-sampling-16681652977783 (READ-ONLY COPY).

The authoritative reference and input builder live on the scoring server;
editing this copy changes nothing except your own understanding.
"""

import jax, jax.numpy as jnp
import numpy as np

VOCAB_SIZE = 100000
EMBED_SIZE = 128
BATCH = 16384
NUM_NEG = 20


def setup_inputs(seed: int = 0) -> dict:
    key = jax.random.key(seed)
    k1, k2, k3, k4, k5 = jax.random.split(key, 5)
    target = jax.random.randint(k1, (BATCH,), 0, VOCAB_SIZE, dtype=jnp.int64 if jax.config.jax_enable_x64 else jnp.int32)
    context = jax.random.randint(k2, (BATCH,), 0, VOCAB_SIZE, dtype=jnp.int64 if jax.config.jax_enable_x64 else jnp.int32)
    noise = jax.random.randint(k3, (BATCH, NUM_NEG), 0, VOCAB_SIZE, dtype=jnp.int64 if jax.config.jax_enable_x64 else jnp.int32)
    # Embedding tables initialized uniform(-1, 1) as in the torch module
    input_embedding = jax.random.uniform(k4, (VOCAB_SIZE, EMBED_SIZE), dtype=jnp.float32, minval=-1.0, maxval=1.0)
    output_embedding = jax.random.uniform(k5, (VOCAB_SIZE, EMBED_SIZE), dtype=jnp.float32, minval=-1.0, maxval=1.0)
    return {
        "target": target,
        "context": context,
        "noise": noise,
        "input_embedding": input_embedding,
        "output_embedding": output_embedding,
    }


def reference(target, context, noise, input_embedding, output_embedding):
    target_embed = jnp.take(input_embedding, target, axis=0)
    context_embed = jnp.take(output_embedding, context, axis=0)
    noise_embed = jnp.take(output_embedding, noise, axis=0)
    return (target_embed, context_embed, noise_embed)

if __name__ == "__main__":
    import jax
    _d = setup_inputs()
    print(jax.jit(kernel)(*tuple(_d.values())))

</pallas_src>

<mosaic_0001>
#map = affine_map<(d0, d1) -> (0)>
#map1 = affine_map<(d0, d1) -> (0, 0)>
module attributes {stable_mosaic.version = 14 : i64} {
  func.func @sc_gather(%arg0: i32, %arg1: i32, %arg2: memref<16384xi32, #tpu.memory_space<hbm>>, %arg3: memref<16384xi32, #tpu.memory_space<hbm>>, %arg4: memref<327680xi32, #tpu.memory_space<hbm>>, %arg5: memref<100000x128xf32, #tpu.memory_space<hbm>>, %arg6: memref<100000x128xf32, #tpu.memory_space<hbm>>, %arg7: memref<16384x128xf32, #tpu.memory_space<hbm>>, %arg8: memref<16384x128xf32, #tpu.memory_space<hbm>>, %arg9: memref<327680x128xf32, #tpu.memory_space<hbm>>, %arg10: memref<512xi32, #tpu.memory_space<vmem>>, %arg11: memref<512xi32, #tpu.memory_space<vmem>>, %arg12: memref<10240xi32, #tpu.memory_space<vmem>>, %arg13: memref<64x128xf32, #tpu.memory_space<vmem>>, %arg14: memref<64x128xf32, #tpu.memory_space<vmem>>, %arg15: memref<64x128xf32, #tpu.memory_space<vmem>>, %arg16: memref<64x128xf32, #tpu.memory_space<vmem>>, %arg17: memref<64x128xf32, #tpu.memory_space<vmem>>, %arg18: memref<64x128xf32, #tpu.memory_space<vmem>>, %arg19: memref<64x128xf32, #tpu.memory_space<vmem>>, %arg20: memref<64x128xf32, #tpu.memory_space<vmem>>, %arg21: memref<64x128xf32, #tpu.memory_space<vmem>>, %arg22: memref<64x128xf32, #tpu.memory_space<vmem>>, %arg23: memref<!tpu.dma_semaphore, #tpu.memory_space<semaphore_mem>>, %arg24: memref<!tpu.dma_semaphore, #tpu.memory_space<semaphore_mem>>, %arg25: memref<!tpu.dma_semaphore, #tpu.memory_space<semaphore_mem>>, %arg26: memref<!tpu.dma_semaphore, #tpu.memory_space<semaphore_mem>>, %arg27: memref<!tpu.dma_semaphore, #tpu.memory_space<semaphore_mem>>, %arg28: memref<!tpu.dma_semaphore, #tpu.memory_space<semaphore_mem>>, %arg29: memref<!tpu.dma_semaphore, #tpu.memory_space<semaphore_mem>>, %arg30: memref<!tpu.dma_semaphore, #tpu.memory_space<semaphore_mem>>, %arg31: memref<!tpu.dma_semaphore, #tpu.memory_space<semaphore_mem>>, %arg32: memref<!tpu.dma_semaphore, #tpu.memory_space<semaphore_mem>>, %arg33: memref<!tpu.dma_semaphore, #tpu.memory_space<semaphore_mem>>, %arg34: memref<!tpu.dma_semaphore, #tpu.memory_space<semaphore_mem>>, %arg35: memref<!tpu.dma_semaphore, #tpu.memory_space<semaphore_mem>>, %arg36: memref<!tpu.dma_semaphore, #tpu.memory_space<semaphore_mem>>, %arg37: memref<!tpu.dma_semaphore, #tpu.memory_space<semaphore_mem>>, %arg38: memref<!tpu.dma_semaphore, #tpu.memory_space<semaphore_mem>>, %arg39: memref<!tpu.dma_semaphore, #tpu.memory_space<semaphore_mem>>, %arg40: memref<!tpu.dma_semaphore, #tpu.memory_space<semaphore_mem>>, %arg41: memref<!tpu.dma_semaphore, #tpu.memory_space<semaphore_mem>>, %arg42: memref<!tpu.dma_semaphore, #tpu.memory_space<semaphore_mem>>) attributes {dimension_semantics = [#tpu.dimension_semantics<core_parallel>, #tpu.dimension_semantics<subcore_parallel>], iteration_bounds = array<i64: 2, 16>, scalar_prefetch = 0 : i64, scratch_operands = 33 : i64, tpu.core_type = #tpu.core_type<sc_vector_subcore>, window_params = [{transform_indices = #map}, {transform_indices = #map}, {transform_indices = #map}, {transform_indices = #map1}, {transform_indices = #map1}, {transform_indices = #map1}, {transform_indices = #map1}, {transform_indices = #map1}]} {
    %mul3A = arith.constant 2 : i32
    %mul3A_0 = arith.muli %arg1, %mul3A : i32
    %add3A = arith.addi %mul3A_0, %arg0 : i32
    %mul3A_1 = arith.constant 512 : i32
    %mul3A_2 = arith.muli %add3A, %mul3A_1 : i32
    "tpu.region"() ({
      %run_scoped3A = tpu.sem_alloc : memref<!tpu.dma_semaphore, #tpu.memory_space<semaphore_mem>>
      %dma_start3A_1468 = tpu.memref_slice %arg2[%mul3A_2] : memref<16384xi32, #tpu.memory_space<hbm>> -> memref<512xi32, #tpu.memory_space<hbm>>
      %dma_start3A_1469 = tpu.memref_slice %arg2[%mul3A_2] : memref<16384xi32, #tpu.memory_space<hbm>> -> memref<512xi32, #tpu.memory_space<hbm>>
      tpu.enqueue_dma source(%dma_start3A_1469 : memref<512xi32, #tpu.memory_space<hbm>>) target(%arg10 : memref<512xi32, #tpu.memory_space<vmem>>) target_semaphore(%run_scoped3A : memref<!tpu.dma_semaphore, #tpu.memory_space<semaphore_mem>>)
      %dma_wait3A_1470 = tpu.memref_slice %arg2[%mul3A_2] : memref<16384xi32, #tpu.memory_space<hbm>> -> memref<512xi32, #tpu.memory_space<hbm>>
      %dma_wait3A_1471 = tpu.memref_slice %arg2[%mul3A_2] : memref<16384xi32, #tpu.memory_space<hbm>> -> memref<512xi32, #tpu.memory_space<hbm>>
      tpu.wait_dma2 semaphore(%run_scoped3A : memref<!tpu.dma_semaphore, #tpu.memory_space<semaphore_mem>>) src(%dma_wait3A_1471 : memref<512xi32, #tpu.memory_space<hbm>>) dst(%arg10 : memref<512xi32, #tpu.memory_space<vmem>>)
      tpu.yield
    }) : () -> ()
    %mul3A_3 = arith.constant 512 : i32
    %mul3A_4 = arith.muli %add3A, %mul3A_3 : i32
    %dma_start3A = tpu.memref_slice %arg3[%mul3A_4] : memref<16384xi32, #tpu.memory_space<hbm>> -> memref<512xi32, #tpu.memory_space<hbm>>
    %dma_start3A_5 = tpu.memref_slice %arg3[%mul3A_4] : memref<16384xi32, #tpu.memory_space<hbm>> -> memref<512xi32, #tpu.memory_space<hbm>>
    tpu.enqueue_dma source(%dma_start3A_5 : memref<512xi32, #tpu.memory_space<hbm>>) target(%arg11 : memref<512xi32, #tpu.memory_space<vmem>>) target_semaphore(%arg37 : memref<!tpu.dma_semaphore, #tpu.memory_space<semaphore_mem>>)
    %mul3A_6 = arith.constant 10240 : i32
    %mul3A_7 = arith.muli %add3A, %mul3A_6 : i32
    %dma_start3A_8 = tpu.memref_slice %arg4[%mul3A_7] : memref<327680xi32, #tpu.memory_space<hbm>> -> memref<10240xi32, #tpu.memory_space<hbm>>
    %dma_start3A_9 = tpu.memref_slice %arg4[%mul3A_7] : memref<327680xi32, #tpu.memory_space<hbm>> -> memref<10240xi32, #tpu.memory_space<hbm>>
    tpu.enqueue_dma source(%dma_start3A_9 : memref<10240xi32, #tpu.memory_space<hbm>>) target(%arg12 : memref<10240xi32, #tpu.memory_space<vmem>>) target_semaphore(%arg38 : memref<!tpu.dma_semaphore, #tpu.memory_space<semaphore_mem>>)
    %mul3A_10 = arith.constant 512 : i32
    %mul3A_11 = arith.muli %add3A, %mul3A_10 : i32
    %dma_start3A_12 = arith.constant 0 : i32
    %dma_start3A_13 = arith.constant 0 : i32
    %dma_start3A_14 = tpu.memref_slice %arg13[%dma_start3A_12, %dma_start3A_13] : memref<64x128xf32, #tpu.memory_space<vmem>> -> memref<64x128xf32, #tpu.memory_space<vmem>>
    %dma_start3A_15 = arith.constant 0 : i32
    %dma_start3A_16 = tpu.memref_slice %arg10[%dma_start3A_15] : memref<512xi32, #tpu.memory_space<vmem>> -> memref<64xi32, #tpu.memory_space<vmem>>
    %dma_start3A_17 = arith.constant 0 : i32
    %dma_start3A_18 = arith.constant 0 : i32
    %dma_start3A_19 = tpu.memref_slice %arg5[%dma_start3A_17, %dma_start3A_18] : memref<100000x128xf32, #tpu.memory_space<hbm>> -> memref<100000x128xf32, #tpu.memory_space<hbm>>
    tpu.enqueue_indirect_dma source(%dma_start3A_19 : memref<100000x128xf32, #tpu.memory_space<hbm>>) target(%dma_start3A_14 : memref<64x128xf32, #tpu.memory_space<vmem>>) offsets(%dma_start3A_16 : memref<64xi32, #tpu.memory_space<vmem>>) semaphore(%arg23 : memref<!tpu.dma_semaphore, #tpu.memory_space<semaphore_mem>>)
    %dma_start3A_20 = arith.constant 0 : i32
    %dma_start3A_21 = arith.constant 0 : i32
    %dma_start3A_22 = tpu.memref_slice %arg14[%dma_start3A_20, %dma_start3A_21] : memref<64x128xf32, #tpu.memory_space<vmem>> -> memref<64x128xf32, #tpu.memory_space<vmem>>
    %dma_start3A_23 = arith.constant 64 : i32
    %dma_start3A_24 = tpu.memref_slice %arg10[%dma_start3A_23] : memref<512xi32, #tpu.memory_space<vmem>> -> memref<64xi32, #tpu.memory_space<vmem>>
    %dma_start3A_25 = arith.constant 0 : i32
    %dma_start3A_26 = arith.constant 0 : i32
    %dma_start3A_27 = tpu.memref_slice %arg5[%dma_start3A_25, %dma_start3A_26] : memref<100000x128xf32, #tpu.memory_space<hbm>> -> memref<100000x128xf32, #tpu.memory_space<hbm>>
    tpu.enqueue_indirect_dma source(%dma_start3A_27 : memref<100000x128xf32, #tpu.memory_space<hbm>>) target(%dma_start3A_22 : memref<64x128xf32, #tpu.memory_space<vmem>>) offsets(%dma_start3A_24 : memref<64xi32, #tpu.memory_space<vmem>>) semaphore(%arg24 : memref<!tpu.dma_semaphore, #tpu.memory_space<semaphore_mem>>)
    %dma_start3A_28 = arith.constant 0 : i32
    %dma_start3A_29 = arith.constant 0 : i32
    %dma_start3A_30 = tpu.memref_slice %arg15[%dma_start3A_28, %dma_start3A_29] : memref<64x128xf32, #tpu.memory_space<vmem>> -> memref<64x128xf32, #tpu.memory_space<vmem>>
    %dma_start3A_31 = arith.constant 128 : i32
    %dma_start3A_32 = tpu.memref_slice %arg10[%dma_start3A_31] : memref<512xi32, #tpu.memory_space<vmem>> -> memref<64xi32, #tpu.memory_space<vmem>>
    %dma_start3A_33 = arith.constant 0 : i32
    %dma_start3A_34 = arith.constant 0 : i32
    %dma_start3A_35 = tpu.memref_slice %arg5[%dma_start3A_33, %dma_start3A_34] : memref<100000x128xf32, #tpu.memory_space<hbm>> -> memref<100000x128xf32, #tpu.memory_space<hbm>>
    tpu.enqueue_indirect_dma source(%dma_start3A_35 : memref<100000x128xf32, #tpu.memory_space<hbm>>) target(%dma_start3A_30 : memref<64x128xf32, #tpu.memory_space<vmem>>) offsets(%dma_start3A_32 : memref<64xi32, #tpu.memory_space<vmem>>) semaphore(%arg25 : memref<!tpu.dma_semaphore, #tpu.memory_space<semaphore_mem>>)
    %dma_start3A_36 = arith.constant 0 : i32
    %dma_start3A_37 = arith.constant 0 : i32
    %dma_start3A_38 = tpu.memref_slice %arg16[%dma_start3A_36, %dma_start3A_37] : memref<64x128xf32, #tpu.memory_space<vmem>> -> memref<64x128xf32, #tpu.memory_space<vmem>>
    %dma_start3A_39 = arith.constant 192 : i32
    %dma_start3A_40 = tpu.memref_slice %arg10[%dma_start3A_39] : memref<512xi32, #tpu.memory_space<vmem>> -> memref<64xi32, #tpu.memory_space<vmem>>
    %dma_start3A_41 = arith.constant 0 : i32
    %dma_start3A_42 = arith.constant 0 : i32
    %dma_start3A_43 = tpu.memref_slice %arg5[%dma_start3A_41, %dma_start3A_42] : memref<100000x128xf32, #tpu.memory_space<hbm>> -> memref<100000x128xf32, #tpu.memory_space<hbm>>
    tpu.enqueue_indirect_dma source(%dma_start3A_43 : memref<100000x128xf32, #tpu.memory_space<hbm>>) target(%dma_start3A_38 : memref<64x128xf32, #tpu.memory_space<vmem>>) offsets(%dma_start3A_40 : memref<64xi32, #tpu.memory_space<vmem>>) semaphore(%arg26 : memref<!tpu.dma_semaphore, #tpu.memory_space<semaphore_mem>>)
    %dma_wait3A = arith.constant 0 : i32
    %dma_wait3A_44 = arith.constant 0 : i32
    %dma_wait3A_45 = tpu.memref_slice %arg13[%dma_wait3A, %dma_wait3A_44] : memref<64x128xf32, #tpu.memory_space<vmem>> -> memref<64x128xf32, #tpu.memory_space<vmem>>
    %dma_wait3A_46 = arith.constant 0 : i32
    %dma_wait3A_47 = tpu.memref_slice %arg10[%dma_wait3A_46] : memref<512xi32, #tpu.memory_space<vmem>> -> memref<64xi32, #tpu.memory_space<vmem>>
    %dma_wait3A_48 = arith.constant 0 : i32
    %dma_wait3A_49 = arith.constant 0 : i32
    %dma_wait3A_50 = tpu.memref_slice %arg5[%dma_wait3A_48, %dma_wait3A_49] : memref<100000x128xf32, #tpu.memory_space<hbm>> -> memref<100000x128xf32, #tpu.memory_space<hbm>>
    tpu.wait_indirect_dma semaphore(%arg23 : memref<!tpu.dma_semaphore, #tpu.memory_space<semaphore_mem>>) src(%dma_wait3A_50 : memref<100000x128xf32, #tpu.memory_space<hbm>>) dst(%dma_wait3A_45 : memref<64x128xf32, #tpu.memory_space<vmem>>)
    %add3A_51 = arith.constant 0 : i32
    %add3A_52 = arith.addi %mul3A_11, %add3A_51 : i32
    %dma_start3A_53 = arith.constant 0 : i32
    %dma_start3A_54 = arith.constant 0 : i32
    %dma_start3A_55 = tpu.memref_slice %arg13[%dma_start3A_53, %dma_start3A_54] : memref<64x128xf32, #tpu.memory_space<vmem>> -> memref<64x128xf32, #tpu.memory_space<vmem>>
    %dma_start3A_56 = arith.constant 0 : i32
    %dma_start3A_57 = tpu.memref_slice %arg7[%add3A_52, %dma_start3A_56] : memref<16384x128xf32, #tpu.memory_space<hbm>> -> memref<64x128xf32, #tpu.memory_space<hbm>>
    %dma_start3A_58 = arith.constant 0 : i32
    %dma_start3A_59 = tpu.memref_slice %arg7[%add3A_52, %dma_start3A_58] : memref<16384x128xf32, #tpu.memory_space<hbm>> -> memref<64x128xf32, #tpu.memory_space<hbm>>
    %dma_start3A_60 = arith.constant 0 : i32
    %dma_start3A_61 = arith.constant 0 : i32
    %dma_start3A_62 = tpu.memref_slice %arg13[%dma_start3A_60, %dma_start3A_61] : memref<64x128xf32, #tpu.memory_space<vmem>> -> memref<64x128xf32, #tpu.memory_space<vmem>>
    tpu.enqueue_dma source(%dma_start3A_62 : memref<64x128xf32, #tpu.memory_space<vmem>>) target(%dma_start3A_59 : memref<64x128xf32, #tpu.memory_space<hbm>>) target_semaphore(%arg33 : memref<!tpu.dma_semaphore, #tpu.memory_space<semaphore_mem>>)
    %add3A_63 = arith.constant 0 : i32
    %add3A_64 = arith.addi %mul3A_11, %add3A_63 : i32
    %dma_wait3A_65 = arith.constant 0 : i32
    %dma_wait3A_66 = arith.constant 0 : i32
    %dma_wait3A_67 = tpu.memref_slice %arg13[%dma_wait3A_65, %dma_wait3A_66] : memref<64x128xf32, #tpu.memory_space<vmem>> -> memref<64x128xf32, #tpu.memory_space<vmem>>
    %dma_wait3A_68 = arith.constant 0 : i32
    %dma_wait3A_69 = tpu.memref_slice %arg7[%add3A_64, %dma_wait3A_68] : memref<16384x128xf32, #tpu.memory_space<hbm>> -> memref<64x128xf32, #tpu.memory_space<hbm>>
    %dma_wait3A_70 = arith.constant 0 : i32
    %dma_wait3A_71 = tpu.memref_slice %arg7[%add3A_64, %dma_wait3A_70] : memref<16384x128xf32, #tpu.memory_space<hbm>> -> memref<64x128xf32, #tpu.memory_space<hbm>>
    %dma_wait3A_72 = arith.constant 0 : i32
    %dma_wait3A_73 = arith.constant 0 : i32
    %dma_wait3A_74 = tpu.memref_slice %arg13[%dma_wait3A_72, %dma_wait3A_73] : memref<64x128xf32, #tpu.memory_space<vmem>> -> memref<64x128xf32, #tpu.memory_space<vmem>>
    tpu.wait_dma2 semaphore(%arg33 : memref<!tpu.dma_semaphore, #tpu.memory_space<semaphore_mem>>) src(%dma_wait3A_74 : memref<64x128xf32, #tpu.memory_space<vmem>>) dst(%dma_wait3A_71 : memref<64x128xf32, #tpu.memory_space<hbm>>)
    %dma_start3A_75 = arith.constant 0 : i32
    %dma_start3A_76 = arith.constant 0 : i32
    %dma_start3A_77 = tpu.memref_slice %arg13[%dma_start3A_75, %dma_start3A_76] : memref<64x128xf32, #tpu.memory_space<vmem>> -> memref<64x128xf32, #tpu.memory_space<vmem>>
    %dma_start3A_78 = arith.constant 256 : i32
    %dma_start3A_79 = tpu.memref_slice %arg10[%dma_start3A_78] : memref<512xi32, #tpu.memory_space<vmem>> -> memref<64xi32, #tpu.memory_space<vmem>>
    %dma_start3A_80 = arith.constant 0 : i32
    %dma_start3A_81 = arith.constant 0 : i32
    %dma_start3A_82 = tpu.memref_slice %arg5[%dma_start3A_80, %dma_start3A_81] : memref<100000x128xf32, #tpu.memory_space<hbm>> -> memref<100000x128xf32, #tpu.memory_space<hbm>>
    tpu.enqueue_indirect_dma source(%dma_start3A_82 : memref<100000x128xf32, #tpu.memory_space<hbm>>) target(%dma_start3A_77 : memref<64x128xf32, #tpu.memory_space<vmem>>) offsets(%dma_start3A_79 : memref<64xi32, #tpu.memory_space<vmem>>) semaphore(%arg23 : memref<!tpu.dma_semaphore, #tpu.memory_space<semaphore_mem>>)
    %dma_wait3A_83 = arith.constant 0 : i32
    %dma_wait3A_84 = arith.constant 0 : i32
    %dma_wait3A_85 = tpu.memref_slice %arg14[%dma_wait3A_83, %dma_wait3A_84] : memref<64x128xf32, #tpu.memory_space<vmem>> -> memref<64x128xf32, #tpu.memory_space<vmem>>
    %dma_wait3A_86 = arith.constant 64 : i32
    %dma_wait3A_87 = tpu.memref_slice %arg10[%dma_wait3A_86] : memref<512xi32, #tpu.memory_space<vmem>> -> memref<64xi32, #tpu.memory_space<vmem>>
    %dma_wait3A_88 = arith.constant 0 : i32
    %dma_wait3A_89 = arith.constant 0 : i32
    %dma_wait3A_90 = tpu.memref_slice %arg5[%dma_wait3A_88, %dma_wait3A_89] : memref<100000x128xf32, #tpu.memory_space<hbm>> -> memref<100000x128xf32, #tpu.memory_space<hbm>>
    tpu.wait_indirect_dma semaphore(%arg24 : memref<!tpu.dma_semaphore, #tpu.memory_space<semaphore_mem>>) src(%dma_wait3A_90 : memref<100000x128xf32, #tpu.memory_space<hbm>>) dst(%dma_wait3A_85 : memref<64x128xf32, #tpu.memory_space<vmem>>)
    %add3A_91 = arith.constant 64 : i32
    %add3A_92 = arith.addi %mul3A_11, %add3A_91 : i32
    %dma_start3A_93 = arith.constant 0 : i32
    %dma_start3A_94 = arith.constant 0 : i32
    %dma_start3A_95 = tpu.memref_slice %arg14[%dma_start3A_93, %dma_start3A_94] : memref<64x128xf32, #tpu.memory_space<vmem>> -> memref<64x128xf32, #tpu.memory_space<vmem>>
    %dma_start3A_96 = arith.constant 0 : i32
    %dma_start3A_97 = tpu.memref_slice %arg7[%add3A_92, %dma_start3A_96] : memref<16384x128xf32, #tpu.memory_space<hbm>> -> memref<64x128xf32, #tpu.memory_space<hbm>>
    %dma_start3A_98 = arith.constant 0 : i32
    %dma_start3A_99 = tpu.memref_slice %arg7[%add3A_92, %dma_start3A_98] : memref<16384x128xf32, #tpu.memory_space<hbm>> -> memref<64x128xf32, #tpu.memory_space<hbm>>
    %dma_start3A_100 = arith.constant 0 : i32
    %dma_start3A_101 = arith.constant 0 : i32
    %dma_start3A_102 = tpu.memref_slice %arg14[%dma_start3A_100, %dma_start3A_101] : memref<64x128xf32, #tpu.memory_space<vmem>> -> memref<64x128xf32, #tpu.memory_space<vmem>>
    tpu.enqueue_dma source(%dma_start3A_102 : memref<64x128xf32, #tpu.memory_space<vmem>>) target(%dma_start3A_99 : memref<64x128xf32, #tpu.memory_space<hbm>>) target_semaphore(%arg34 : memref<!tpu.dma_semaphore, #tpu.memory_space<semaphore_mem>>)
    %add3A_103 = arith.constant 64 : i32
    %add3A_104 = arith.addi %mul3A_11, %add3A_103 : i32
    %dma_wait3A_105 = arith.constant 0 : i32
    %dma_wait3A_106 = arith.constant 0 : i32
    %dma_wait3A_107 = tpu.memref_slice %arg14[%dma_wait3A_105, %dma_wait3A_106] : memref<64x128xf32, #tpu.memory_space<vmem>> -> memref<64x128xf32, #tpu.memory_space<vmem>>
    %dma_wait3A_108 = arith.constant 0 : i32
    %dma_wait3A_109 = tpu.memref_slice %arg7[%add3A_104, %dma_wait3A_108] : memref<16384x128xf32, #tpu.memory_space<hbm>> -> memref<64x128xf32, #tpu.memory_space<hbm>>
    %dma_wait3A_110 = arith.constant 0 : i32
    %dma_wait3A_111 = tpu.memref_slice %arg7[%add3A_104, %dma_wait3A_110] : memref<16384x128xf32, #tpu.memory_space<hbm>> -> memref<64x128xf32, #tpu.memory_space<hbm>>
    %dma_wait3A_112 = arith.constant 0 : i32
    %dma_wait3A_113 = arith.constant 0 : i32
    %dma_wait3A_114 = tpu.memref_slice %arg14[%dma_wait3A_112, %dma_wait3A_113] : memref<64x128xf32, #tpu.memory_space<vmem>> -> memref<64x128xf32, #tpu.memory_space<vmem>>
    tpu.wait_dma2 semaphore(%arg34 : memref<!tpu.dma_semaphore, #tpu.memory_space<semaphore_mem>>) src(%dma_wait3A_114 : memref<64x128xf32, #tpu.memory_space<vmem>>) dst(%dma_wait3A_111 : memref<64x128xf32, #tpu.memory_space<hbm>>)
    %dma_start3A_115 = arith.constant 0 : i32
    %dma_start3A_116 = arith.constant 0 : i32
    %dma_start3A_117 = tpu.memref_slice %arg14[%dma_start3A_115, %dma_start3A_116] : memref<64x128xf32, #tpu.memory_space<vmem>> -> memref<64x128xf32, #tpu.memory_space<vmem>>
    %dma_start3A_118 = arith.constant 320 : i32
    %dma_start3A_119 = tpu.memref_slice %arg10[%dma_start3A_118] : memref<512xi32, #tpu.memory_space<vmem>> -> memref<64xi32, #tpu.memory_space<vmem>>
    %dma_start3A_120 = arith.constant 0 : i32
    %dma_start3A_121 = arith.constant 0 : i32
    %dma_start3A_122 = tpu.memref_slice %arg5[%dma_start3A_120, %dma_start3A_121] : memref<100000x128xf32, #tpu.memory_space<hbm>> -> memref<100000x128xf32, #tpu.memory_space<hbm>>
    tpu.enqueue_indirect_dma source(%dma_start3A_122 : memref<100000x128xf32, #tpu.memory_space<hbm>>) target(%dma_start3A_117 : memref<64x128xf32, #tpu.memory_space<vmem>>) offsets(%dma_start3A_119 : memref<64xi32, #tpu.memory_space<vmem>>) semaphore(%arg24 : memref<!tpu.dma_semaphore, #tpu.memory_space<semaphore_mem>>)
    %dma_wait3A_123 = arith.constant 0 : i32
    %dma_wait3A_124 = arith.constant 0 : i32
    %dma_wait3A_125 = tpu.memref_slice %arg15[%dma_wait3A_123, %dma_wait3A_124] : memref<64x128xf32, #tpu.memory_space<vmem>> -> memref<64x128xf32, #tpu.memory_space<vmem>>
    %dma_wait3A_126 = arith.constant 128 : i32
    %dma_wait3A_127 = tpu.memref_slice %arg10[%dma_wait3A_126] : memref<512xi32, #tpu.memory_space<vmem>> -> memref<64xi32, #tpu.memory_space<vmem>>
    %dma_wait3A_128 = arith.constant 0 : i32
    %dma_wait3A_129 = arith.constant 0 : i32
    %dma_wait3A_130 = tpu.memref_slice %arg5[%dma_wait3A_128, %dma_wait3A_129] : memref<100000x128xf32, #tpu.memory_space<hbm>> -> memref<100000x128xf32, #tpu.memory_space<hbm>>
    tpu.wait_indirect_dma semaphore(%arg25 : memref<!tpu.dma_semaphore, #tpu.memory_space<semaphore_mem>>) src(%dma_wait3A_130 : memref<100000x128xf32, #tpu.memory_space<hbm>>) dst(%dma_wait3A_125 : memref<64x128xf32, #tpu.memory_space<vmem>>)
    %add3A_131 = arith.constant 128 : i32
    %add3A_132 = arith.addi %mul3A_11, %add3A_131 : i32
    %dma_start3A_133 = arith.constant 0 : i32
    %dma_start3A_134 = arith.constant 0 : i32
    %dma_start3A_135 = tpu.memref_slice %arg15[%dma_start3A_133, %dma_start3A_134] : memref<64x128xf32, #tpu.memory_space<vmem>> -> memref<64x128xf32, #tpu.memory_space<vmem>>
    %dma_start3A_136 = arith.constant 0 : i32
    %dma_start3A_137 = tpu.memref_slice %arg7[%add3A_132, %dma_start3A_136] : memref<16384x128xf32, #tpu.memory_space<hbm>> -> memref<64x128xf32, #tpu.memory_space<hbm>>
    %dma_start3A_138 = arith.constant 0 : i32
    %dma_start3A_139 = tpu.memref_slice %arg7[%add3A_132, %dma_start3A_138] : memref<16384x128xf32, #tpu.memory_space<hbm>> -> memref<64x128xf32, #tpu.memory_space<hbm>>
    %dma_start3A_140 = arith.constant 0 : i32
    %dma_start3A_141 = arith.constant 0 : i32
    %dma_start3A_142 = tpu.memref_slice %arg15[%dma_start3A_140, %dma_start3A_141] : memref<64x128xf32, #tpu.memory_space<vmem>> -> memref<64x128xf32, #tpu.memory_space<vmem>>
    tpu.enqueue_dma source(%dma_start3A_142 : memref<64x128xf32, #tpu.memory_space<vmem>>) target(%dma_start3A_139 : memref<64x128xf32, #tpu.memory_space<hbm>>) target_semaphore(%arg35 : memref<!tpu.dma_semaphore, #tpu.memory_space<semaphore_mem>>)
    %add3A_143 = arith.constant 128 : i32
    %add3A_144 = arith.addi %mul3A_11, %add3A_143 : i32
    %dma_wait3A_145 = arith.constant 0 : i32
    %dma_wait3A_146 = arith.constant 0 : i32
    %dma_wait3A_147 = tpu.memref_slice %arg15[%dma_wait3A_145, %dma_wait3A_146] : memref<64x128xf32, #tpu.memory_space<vmem>> -> memref<64x128xf32, #tpu.memory_space<vmem>>
    %dma_wait3A_148 = arith.constant 0 : i32
    %dma_wait3A_149 = tpu.memref_slice %arg7[%add3A_144, %dma_wait3A_148] : memref<16384x128xf32, #tpu.memory_space<hbm>> -> memref<64x128xf32, #tpu.memory_space<hbm>>
    %dma_wait3A_150 = arith.constant 0 : i32
    %dma_wait3A_151 = tpu.memref_slice %arg7[%add3A_144, %dma_wait3A_150] : memref<16384x128xf32, #tpu.memory_space<hbm>> -> memref<64x128xf32, #tpu.memory_space<hbm>>
    %dma_wait3A_152 = arith.constant 0 : i32
    %dma_wait3A_153 = arith.constant 0 : i32
    %dma_wait3A_154 = tpu.memref_slice %arg15[%dma_wait3A_152, %dma_wait3A_153] : memref<64x128xf32, #tpu.memory_space<vmem>> -> memref<64x128xf32, #tpu.memory_space<vmem>>
    tpu.wait_dma2 semaphore(%arg35 : memref<!tpu.dma_semaphore, #tpu.memory_space<semaphore_mem>>) src(%dma_wait3A_154 : memref<64x128xf32, #tpu.memory_space<vmem>>) dst(%dma_wait3A_151 : memref<64x128xf32, #tpu.memory_space<hbm>>)
    %dma_start3A_155 = arith.constant 0 : i32
    %dma_start3A_156 = arith.constant 0 : i32
    %dma_start3A_157 = tpu.memref_slice %arg15[%dma_start3A_155, %dma_start3A_156] : memref<64x128xf32, #tpu.memory_space<vmem>> -> memref<64x128xf32, #tpu.memory_space<vmem>>
    %dma_start3A_158 = arith.constant 384 : i32
    %dma_start3A_159 = tpu.memref_slice %arg10[%dma_start3A_158] : memref<512xi32, #tpu.memory_space<vmem>> -> memref<64xi32, #tpu.memory_space<vmem>>
    %dma_start3A_160 = arith.constant 0 : i32
    %dma_start3A_161 = arith.constant 0 : i32
    %dma_start3A_162 = tpu.memref_slice %arg5[%dma_start3A_160, %dma_start3A_161] : memref<100000x128xf32, #tpu.memory_space<hbm>> -> memref<100000x128xf32, #tpu.memory_space<hbm>>
    tpu.enqueue_indirect_dma source(%dma_start3A_162 : memref<100000x128xf32, #tpu.memory_space<hbm>>) target(%dma_start3A_157 : memref<64x128xf32, #tpu.memory_space<vmem>>) offsets(%dma_start3A_159 : memref<64xi32, #tpu.memory_space<vmem>>) semaphore(%arg25 : memref<!tpu.dma_semaphore, #tpu.memory_space<semaphore_mem>>)
    %dma_wait3A_163 = arith.constant 0 : i32
    %dma_wait3A_164 = arith.constant 0 : i32
    %dma_wait3A_165 = tpu.memref_slice %arg16[%dma_wait3A_163, %dma_wait3A_164] : memref<64x128xf32, #tpu.memory_space<vmem>> -> memref<64x128xf32, #tpu.memory_space<vmem>>
    %dma_wait3A_166 = arith.constant 192 : i32
    %dma_wait3A_167 = tpu.memref_slice %arg10[%dma_wait3A_166] : memref<512xi32, #tpu.memory_space<vmem>> -> memref<64xi32, #tpu.memory_space<vmem>>
    %dma_wait3A_168 = arith.constant 0 : i32
    %dma_wait3A_169 = arith.constant 0 : i32
    %dma_wait3A_170 = tpu.memref_slice %arg5[%dma_wait3A_168, %dma_wait3A_169] : memref<100000x128xf32, #tpu.memory_space<hbm>> -> memref<100000x128xf32, #tpu.memory_space<hbm>>
    tpu.wait_indirect_dma semaphore(%arg26 : memref<!tpu.dma_semaphore, #tpu.memory_space<semaphore_mem>>) src(%dma_wait3A_170 : memref<100000x128xf32, #tpu.memory_space<hbm>>) dst(%dma_wait3A_165 : memref<64x128xf32, #tpu.memory_space<vmem>>)
    %add3A_171 = arith.constant 192 : i32
    %add3A_172 = arith.addi %mul3A_11, %add3A_171 : i32
    %dma_start3A_173 = arith.constant 0 : i32
    %dma_start3A_174 = arith.constant 0 : i32
    %dma_start3A_175 = tpu.memref_slice %arg16[%dma_start3A_173, %dma_start3A_174] : memref<64x128xf32, #tpu.memory_space<vmem>> -> memref<64x128xf32, #tpu.memory_space<vmem>>
    %dma_start3A_176 = arith.constant 0 : i32
    %dma_start3A_177 = tpu.memref_slice %arg7[%add3A_172, %dma_start3A_176] : memref<16384x128xf32, #tpu.memory_space<hbm>> -> memref<64x128xf32, #tpu.memory_space<hbm>>
    %dma_start3A_178 = arith.constant 0 : i32
    %dma_start3A_179 = tpu.memref_slice %arg7[%add3A_172, %dma_start3A_178] : memref<16384x128xf32, #tpu.memory_space<hbm>> -> memref<64x128xf32, #tpu.memory_space<hbm>>
    %dma_start3A_180 = arith.constant 0 : i32
    %dma_start3A_181 = arith.constant 0 : i32
    %dma_start3A_182 = tpu.memref_slice %arg16[%dma_start3A_180, %dma_start3A_181] : memref<64x128xf32, #tpu.memory_space<vmem>> -> memref<64x128xf32, #tpu.memory_space<vmem>>
    tpu.enqueue_dma source(%dma_start3A_182 : memref<64x128xf32, #tpu.memory_space<vmem>>) target(%dma_start3A_179 : memref<64x128xf32, #tpu.memory_space<hbm>>) target_semaphore(%arg36 : memref<!tpu.dma_semaphore, #tpu.memory_space<semaphore_mem>>)
    %add3A_183 = arith.constant 192 : i32
    %add3A_184 = arith.addi %mul3A_11, %add3A_183 : i32
    %dma_wait3A_185 = arith.constant 0 : i32
    %dma_wait3A_186 = arith.constant 0 : i32
    %dma_wait3A_187 = tpu.memref_slice %arg16[%dma_wait3A_185, %dma_wait3A_186] : memref<64x128xf32, #tpu.memory_space<vmem>> -> memref<64x128xf32, #tpu.memory_space<vmem>>
    %dma_wait3A_188 = arith.constant 0 : i32
    %dma_wait3A_189 = tpu.memref_slice %arg7[%add3A_184, %dma_wait3A_188] : memref<16384x128xf32, #tpu.memory_space<hbm>> -> memref<64x128xf32, #tpu.memory_space<hbm>>
    %dma_wait3A_190 = arith.constant 0 : i32
    %dma_wait3A_191 = tpu.memref_slice %arg7[%add3A_184, %dma_wait3A_190] : memref<16384x128xf32, #tpu.memory_space<hbm>> -> memref<64x128xf32, #tpu.memory_space<hbm>>
    %dma_wait3A_192 = arith.constant 0 : i32
    %dma_wait3A_193 = arith.constant 0 : i32
    %dma_wait3A_194 = tpu.memref_slice %arg16[%dma_wait3A_192, %dma_wait3A_193] : memref<64x128xf32, #tpu.memory_space<vmem>> -> memref<64x128xf32, #tpu.memory_space<vmem>>
    tpu.wait_dma2 semaphore(%arg36 : memref<!tpu.dma_semaphore, #tpu.memory_space<semaphore_mem>>) src(%dma_wait3A_194 : memref<64x128xf32, #tpu.memory_space<vmem>>) dst(%dma_wait3A_191 : memref<64x128xf32, #tpu.memory_space<hbm>>)
    %dma_start3A_195 = arith.constant 0 : i32
    %dma_start3A_196 = arith.constant 0 : i32
    %dma_start3A_197 = tpu.memref_slice %arg16[%dma_start3A_195, %dma_start3A_196] : memref<64x128xf32, #tpu.memory_space<vmem>> -> memref<64x128xf32, #tpu.memory_space<vmem>>
    %dma_start3A_198 = arith.constant 448 : i32
    %dma_start3A_199 = tpu.memref_slice %arg10[%dma_start3A_198] : memref<512xi32, #tpu.memory_space<vmem>> -> memref<64xi32, #tpu.memory_space<vmem>>
    %dma_start3A_200 = arith.constant 0 : i32
    %dma_start3A_201 = arith.constant 0 : i32
    %dma_start3A_202 = tpu.memref_slice %arg5[%dma_start3A_200, %dma_start3A_201] : memref<100000x128xf32, #tpu.memory_space<hbm>> -> memref<100000x128xf32, #tpu.memory_space<hbm>>
    tpu.enqueue_indirect_dma source(%dma_start3A_202 : memref<100000x128xf32, #tpu.memory_space<hbm>>) target(%dma_start3A_197 : memref<64x128xf32, #tpu.memory_space<vmem>>) offsets(%dma_start3A_199 : memref<64xi32, #tpu.memory_space<vmem>>) semaphore(%arg26 : memref<!tpu.dma_semaphore, #tpu.memory_space<semaphore_mem>>)
    %dma_wait3A_203 = arith.constant 0 : i32
    %dma_wait3A_204 = arith.constant 0 : i32
    %dma_wait3A_205 = tpu.memref_slice %arg13[%dma_wait3A_203, %dma_wait3A_204] : memref<64x128xf32, #tpu.memory_space<vmem>> -> memref<64x128xf32, #tpu.memory_space<vmem>>
    %dma_wait3A_206 = arith.constant 256 : i32
    %dma_wait3A_207 = tpu.memref_slice %arg10[%dma_wait3A_206] : memref<512xi32, #tpu.memory_space<vmem>> -> memref<64xi32, #tpu.memory_space<vmem>>
    %dma_wait3A_208 = arith.constant 0 : i32
    %dma_wait3A_209 = arith.constant 0 : i32
    %dma_wait3A_210 = tpu.memref_slice %arg5[%dma_wait3A_208, %dma_wait3A_209] : memref<100000x128xf32, #tpu.memory_space<hbm>> -> memref<100000x128xf32, #tpu.memory_space<hbm>>
    tpu.wait_indirect_dma semaphore(%arg23 : memref<!tpu.dma_semaphore, #tpu.memory_space<semaphore_mem>>) src(%dma_wait3A_210 : memref<100000x128xf32, #tpu.memory_space<hbm>>) dst(%dma_wait3A_205 : memref<64x128xf32, #tpu.memory_space<vmem>>)
    %add3A_211 = arith.constant 256 : i32
    %add3A_212 = arith.addi %mul3A_11, %add3A_211 : i32
    %dma_start3A_213 = arith.constant 0 : i32
    %dma_start3A_214 = arith.constant 0 : i32
    %dma_start3A_215 = tpu.memref_slice %arg13[%dma_start3A_213, %dma_start3A_214] : memref<64x128xf32, #tpu.memory_space<vmem>> -> memref<64x128xf32, #tpu.memory_space<vmem>>
    %dma_start3A_216 = arith.constant 0 : i32
    %dma_start3A_217 = tpu.memref_slice %arg7[%add3A_212, %dma_start3A_216] : memref<16384x128xf32, #tpu.memory_space<hbm>> -> memref<64x128xf32, #tpu.memory_space<hbm>>
    %dma_start3A_218 = arith.constant 0 : i32
    %dma_start3A_219 = tpu.memref_slice %arg7[%add3A_212, %dma_start3A_218] : memref<16384x128xf32, #tpu.memory_space<hbm>> -> memref<64x128xf32, #tpu.memory_space<hbm>>
    %dma_start3A_220 = arith.constant 0 : i32
    %dma_start3A_221 = arith.constant 0 : i32
    %dma_start3A_222 = tpu.memref_slice %arg13[%dma_start3A_220, %dma_start3A_221] : memref<64x128xf32, #tpu.memory_space<vmem>> -> memref<64x128xf32, #tpu.memory_space<vmem>>
    tpu.enqueue_dma source(%dma_start3A_222 : memref<64x128xf32, #tpu.memory_space<vmem>>) target(%dma_start3A_219 : memref<64x128xf32, #tpu.memory_space<hbm>>) target_semaphore(%arg33 : memref<!tpu.dma_semaphore, #tpu.memory_space<semaphore_mem>>)
    %dma_wait3A_223 = arith.constant 0 : i32
    %dma_wait3A_224 = arith.constant 0 : i32
    %dma_wait3A_225 = tpu.memref_slice %arg14[%dma_wait3A_223, %dma_wait3A_224] : memref<64x128xf32, #tpu.memory_space<vmem>> -> memref<64x128xf32, #tpu.memory_space<vmem>>
    %dma_wait3A_226 = arith.constant 320 : i32
    %dma_wait3A_227 = tpu.memref_slice %arg10[%dma_wait3A_226] : memref<512xi32, #tpu.memory_space<vmem>> -> memref<64xi32, #tpu.memory_space<vmem>>
    %dma_wait3A_228 = arith.constant 0 : i32
    %dma_wait3A_229 = arith.constant 0 : i32
    %dma_wait3A_230 = tpu.memref_slice %arg5[%dma_wait3A_228, %dma_wait3A_229] : memref<100000x128xf32, #tpu.memory_space<hbm>> -> memref<100000x128xf32, #tpu.memory_space<hbm>>
    tpu.wait_indirect_dma semaphore(%arg24 : memref<!tpu.dma_semaphore, #tpu.memory_space<semaphore_mem>>) src(%dma_wait3A_230 : memref<100000x128xf32, #tpu.memory_space<hbm>>) dst(%dma_wait3A_225 : memref<64x128xf32, #tpu.memory_space<vmem>>)
    %add3A_231 = arith.constant 320 : i32
    %add3A_232 = arith.addi %mul3A_11, %add3A_231 : i32
    %dma_start3A_233 = arith.constant 0 : i32
    %dma_start3A_234 = arith.constant 0 : i32
    %dma_start3A_235 = tpu.memref_slice %arg14[%dma_start3A_233, %dma_start3A_234] : memref<64x128xf32, #tpu.memory_space<vmem>> -> memref<64x128xf32, #tpu.memory_space<vmem>>
    %dma_start3A_236 = arith.constant 0 : i32
    %dma_start3A_237 = tpu.memref_slice %arg7[%add3A_232, %dma_start3A_236] : memref<16384x128xf32, #tpu.memory_space<hbm>> -> memref<64x128xf32, #tpu.memory_space<hbm>>
    %dma_start3A_238 = arith.constant 0 : i32
    %dma_start3A_239 = tpu.memref_slice %arg7[%add3A_232, %dma_start3A_238] : memref<16384x128xf32, #tpu.memory_space<hbm>> -> memref<64x128xf32, #tpu.memory_space<hbm>>
    %dma_start3A_240 = arith.constant 0 : i32
    %dma_start3A_241 = arith.constant 0 : i32
    %dma_start3A_242 = tpu.memref_slice %arg14[%dma_start3A_240, %dma_start3A_241] : memref<64x128xf32, #tpu.memory_space<vmem>> -> memref<64x128xf32, #tpu.memory_space<vmem>>
    tpu.enqueue_dma source(%dma_start3A_242 : memref<64x128xf32, #tpu.memory_space<vmem>>) target(%dma_start3A_239 : memref<64x128xf32, #tpu.memory_space<hbm>>) target_semaphore(%arg34 : memref<!tpu.dma_semaphore, #tpu.memory_space<semaphore_mem>>)
    %dma_wait3A_243 = arith.constant 0 : i32
    %dma_wait3A_244 = arith.constant 0 : i32
    %dma_wait3A_245 = tpu.memref_slice %arg15[%dma_wait3A_243, %dma_wait3A_244] : memref<64x128xf32, #tpu.memory_space<vmem>> -> memref<64x128xf32, #tpu.memory_space<vmem>>
    %dma_wait3A_246 = arith.constant 384 : i32
    %dma_wait3A_247 = tpu.memref_slice %arg10[%dma_wait3A_246] : memref<512xi32, #tpu.memory_space<vmem>> -> memref<64xi32, #tpu.memory_space<vmem>>
    %dma_wait3A_248 = arith.constant 0 : i32
    %dma_wait3A_249 = arith.constant 0 : i32
    %dma_wait3A_250 = tpu.memref_slice %arg5[%dma_wait3A_248, %dma_wait3A_249] : memref<100000x128xf32, #tpu.memory_space<hbm>> -> memref<100000x128xf32, #tpu.memory_space<hbm>>
    tpu.wait_indirect_dma semaphore(%arg25 : memref<!tpu.dma_semaphore, #tpu.memory_space<semaphore_mem>>) src(%dma_wait3A_250 : memref<100000x128xf32, #tpu.memory_space<hbm>>) dst(%dma_wait3A_245 : memref<64x128xf32, #tpu.memory_space<vmem>>)
    %add3A_251 = arith.constant 384 : i32
    %add3A_252 = arith.addi %mul3A_11, %add3A_251 : i32
    %dma_start3A_253 = arith.constant 0 : i32
    %dma_start3A_254 = arith.constant 0 : i32
    %dma_start3A_255 = tpu.memref_slice %arg15[%dma_start3A_253, %dma_start3A_254] : memref<64x128xf32, #tpu.memory_space<vmem>> -> memref<64x128xf32, #tpu.memory_space<vmem>>
    %dma_start3A_256 = arith.constant 0 : i32
    %dma_start3A_257 = tpu.memref_slice %arg7[%add3A_252, %dma_start3A_256] : memref<16384x128xf32, #tpu.memory_space<hbm>> -> memref<64x128xf32, #tpu.memory_space<hbm>>
    %dma_start3A_258 = arith.constant 0 : i32
    %dma_start3A_259 = tpu.memref_slice %arg7[%add3A_252, %dma_start3A_258] : memref<16384x128xf32, #tpu.memory_space<hbm>> -> memref<64x128xf32, #tpu.memory_space<hbm>>
    %dma_start3A_260 = arith.constant 0 : i32
    %dma_start3A_261 = arith.constant 0 : i32
    %dma_start3A_262 = tpu.memref_slice %arg15[%dma_start3A_260, %dma_start3A_261] : memref<64x128xf32, #tpu.memory_space<vmem>> -> memref<64x128xf32, #tpu.memory_space<vmem>>
    tpu.enqueue_dma source(%dma_start3A_262 : memref<64x128xf32, #tpu.memory_space<vmem>>) target(%dma_start3A_259 : memref<64x128xf32, #tpu.memory_space<hbm>>) target_semaphore(%arg35 : memref<!tpu.dma_semaphore, #tpu.memory_space<semaphore_mem>>)
    %dma_wait3A_263 = arith.constant 0 : i32
    %dma_wait3A_264 = arith.constant 0 : i32
    %dma_wait3A_265 = tpu.memref_slice %arg16[%dma_wait3A_263, %dma_wait3A_264] : memref<64x128xf32, #tpu.memory_space<vmem>> -> memref<64x128xf32, #tpu.memory_space<vmem>>
    %dma_wait3A_266 = arith.constant 448 : i32
    %dma_wait3A_267 = tpu.memref_slice %arg10[%dma_wait3A_266] : memref<512xi32, #tpu.memory_space<vmem>> -> memref<64xi32, #tpu.memory_space<vmem>>
    %dma_wait3A_268 = arith.constant 0 : i32
    %dma_wait3A_269 = arith.constant 0 : i32
    %dma_wait3A_270 = tpu.memref_slice %arg5[%dma_wait3A_268, %dma_wait3A_269] : memref<100000x128xf32, #tpu.memory_space<hbm>> -> memref<100000x128xf32, #tpu.memory_space<hbm>>
    tpu.wait_indirect_dma semaphore(%arg26 : memref<!tpu.dma_semaphore, #tpu.memory_space<semaphore_mem>>) src(%dma_wait3A_270 : memref<100000x128xf32, #tpu.memory_space<hbm>>) dst(%dma_wait3A_265 : memref<64x128xf32, #tpu.memory_space<vmem>>)
    %add3A_271 = arith.constant 448 : i32
    %add3A_272 = arith.addi %mul3A_11, %add3A_271 : i32
    %dma_start3A_273 = arith.constant 0 : i32
    %dma_start3A_274 = arith.constant 0 : i32
    %dma_start3A_275 = tpu.memref_slice %arg16[%dma_start3A_273, %dma_start3A_274] : memref<64x128xf32, #tpu.memory_space<vmem>> -> memref<64x128xf32, #tpu.memory_space<vmem>>
    %dma_start3A_276 = arith.constant 0 : i32
    %dma_start3A_277 = tpu.memref_slice %arg7[%add3A_272, %dma_start3A_276] : memref<16384x128xf32, #tpu.memory_space<hbm>> -> memref<64x128xf32, #tpu.memory_space<hbm>>
    %dma_start3A_278 = arith.constant 0 : i32
    %dma_start3A_279 = tpu.memref_slice %arg7[%add3A_272, %dma_start3A_278] : memref<16384x128xf32, #tpu.memory_space<hbm>> -> memref<64x128xf32, #tpu.memory_space<hbm>>
    %dma_start3A_280 = arith.constant 0 : i32
    %dma_start3A_281 = arith.constant 0 : i32
    %dma_start3A_282 = tpu.memref_slice %arg16[%dma_start3A_280, %dma_start3A_281] : memref<64x128xf32, #tpu.memory_space<vmem>> -> memref<64x128xf32, #tpu.memory_space<vmem>>
    tpu.enqueue_dma source(%dma_start3A_282 : memref<64x128xf32, #tpu.memory_space<vmem>>) target(%dma_start3A_279 : memref<64x128xf32, #tpu.memory_space<hbm>>) target_semaphore(%arg36 : memref<!tpu.dma_semaphore, #tpu.memory_space<semaphore_mem>>)
    %add3A_283 = arith.constant 256 : i32
    %add3A_284 = arith.addi %mul3A_11, %add3A_283 : i32
    %dma_wait3A_285 = arith.constant 0 : i32
    %dma_wait3A_286 = arith.constant 0 : i32
    %dma_wait3A_287 = tpu.memref_slice %arg13[%dma_wait3A_285, %dma_wait3A_286] : memref<64x128xf32, #tpu.memory_space<vmem>> -> memref<64x128xf32, #tpu.memory_space<vmem>>
    %dma_wait3A_288 = arith.constant 0 : i32
    %dma_wait3A_289 = tpu.memref_slice %arg7[%add3A_284, %dma_wait3A_288] : memref<16384x128xf32, #tpu.memory_space<hbm>> -> memref<64x128xf32, #tpu.memory_space<hbm>>
    %dma_wait3A_290 = arith.constant 0 : i32
    %dma_wait3A_291 = tpu.memref_slice %arg7[%add3A_284, %dma_wait3A_290] : memref<16384x128xf32, #tpu.memory_space<hbm>> -> memref<64x128xf32, #tpu.memory_space<hbm>>
    %dma_wait3A_292 = arith.constant 0 : i32
    %dma_wait3A_293 = arith.constant 0 : i32
    %dma_wait3A_294 = tpu.memref_slice %arg13[%dma_wait3A_292, %dma_wait3A_293] : memref<64x128xf32, #tpu.memory_space<vmem>> -> memref<64x128xf32, #tpu.memory_space<vmem>>
    tpu.wait_dma2 semaphore(%arg33 : memref<!tpu.dma_semaphore, #tpu.memory_space<semaphore_mem>>) src(%dma_wait3A_294 : memref<64x128xf32, #tpu.memory_space<vmem>>) dst(%dma_wait3A_291 : memref<64x128xf32, #tpu.memory_space<hbm>>)
    %add3A_295 = arith.constant 320 : i32
    %add3A_296 = arith.addi %mul3A_11, %add3A_295 : i32
    %dma_wait3A_297 = arith.constant 0 : i32
    %dma_wait3A_298 = arith.constant 0 : i32
    %dma_wait3A_299 = tpu.memref_slice %arg14[%dma_wait3A_297, %dma_wait3A_298] : memref<64x128xf32, #tpu.memory_space<vmem>> -> memref<64x128xf32, #tpu.memory_space<vmem>>
    %dma_wait3A_300 = arith.constant 0 : i32
    %dma_wait3A_301 = tpu.memref_slice %arg7[%add3A_296, %dma_wait3A_300] : memref<16384x128xf32, #tpu.memory_space<hbm>> -> memref<64x128xf32, #tpu.memory_space<hbm>>
    %dma_wait3A_302 = arith.constant 0 : i32
    %dma_wait3A_303 = tpu.memref_slice %arg7[%add3A_296, %dma_wait3A_302] : memref<16384x128xf32, #tpu.memory_space<hbm>> -> memref<64x128xf32, #tpu.memory_space<hbm>>
    %dma_wait3A_304 = arith.constant 0 : i32
    %dma_wait3A_305 = arith.constant 0 : i32
    %dma_wait3A_306 = tpu.memref_slice %arg14[%dma_wait3A_304, %dma_wait3A_305] : memref<64x128xf32, #tpu.memory_space<vmem>> -> memref<64x128xf32, #tpu.memory_space<vmem>>
    tpu.wait_dma2 semaphore(%arg34 : memref<!tpu.dma_semaphore, #tpu.memory_space<semaphore_mem>>) src(%dma_wait3A_306 : memref<64x128xf32, #tpu.memory_space<vmem>>) dst(%dma_wait3A_303 : memref<64x128xf32, #tpu.memory_space<hbm>>)
    %add3A_307 = arith.constant 384 : i32
    %add3A_308 = arith.addi %mul3A_11, %add3A_307 : i32
    %dma_wait3A_309 = arith.constant 0 : i32
    %dma_wait3A_310 = arith.constant 0 : i32
    %dma_wait3A_311 = tpu.memref_slice %arg15[%dma_wait3A_309, %dma_wait3A_310] : memref<64x128xf32, #tpu.memory_space<vmem>> -> memref<64x128xf32, #tpu.memory_space<vmem>>
    %dma_wait3A_312 = arith.constant 0 : i32
    %dma_wait3A_313 = tpu.memref_slice %arg7[%add3A_308, %dma_wait3A_312] : memref<16384x128xf32, #tpu.memory_space<hbm>> -> memref<64x128xf32, #tpu.memory_space<hbm>>
    %dma_wait3A_314 = arith.constant 0 : i32
    %dma_wait3A_315 = tpu.memref_slice %arg7[%add3A_308, %dma_wait3A_314] : memref<16384x128xf32, #tpu.memory_space<hbm>> -> memref<64x128xf32, #tpu.memory_space<hbm>>
    %dma_wait3A_316 = arith.constant 0 : i32
    %dma_wait3A_317 = arith.constant 0 : i32
    %dma_wait3A_318 = tpu.memref_slice %arg15[%dma_wait3A_316, %dma_wait3A_317] : memref<64x128xf32, #tpu.memory_space<vmem>> -> memref<64x128xf32, #tpu.memory_space<vmem>>
    tpu.wait_dma2 semaphore(%arg35 : memref<!tpu.dma_semaphore, #tpu.memory_space<semaphore_mem>>) src(%dma_wait3A_318 : memref<64x128xf32, #tpu.memory_space<vmem>>) dst(%dma_wait3A_315 : memref<64x128xf32, #tpu.memory_space<hbm>>)
    %add3A_319 = arith.constant 448 : i32
    %add3A_320 = arith.addi %mul3A_11, %add3A_319 : i32
    %dma_wait3A_321 = arith.constant 0 : i32
    %dma_wait3A_322 = arith.constant 0 : i32
    %dma_wait3A_323 = tpu.memref_slice %arg16[%dma_wait3A_321, %dma_wait3A_322] : memref<64x128xf32, #tpu.memory_space<vmem>> -> memref<64x128xf32, #tpu.memory_space<vmem>>
    %dma_wait3A_324 = arith.constant 0 : i32
    %dma_wait3A_325 = tpu.memref_slice %arg7[%add3A_320, %dma_wait3A_324] : memref<16384x128xf32, #tpu.memory_space<hbm>> -> memref<64x128xf32, #tpu.memory_space<hbm>>
    %dma_wait3A_326 = arith.constant 0 : i32
    %dma_wait3A_327 = tpu.memref_slice %arg7[%add3A_320, %dma_wait3A_326] : memref<16384x128xf32, #tpu.memory_space<hbm>> -> memref<64x128xf32, #tpu.memory_space<hbm>>
    %dma_wait3A_328 = arith.constant 0 : i32
    %dma_wait3A_329 = arith.constant 0 : i32
    %dma_wait3A_330 = tpu.memref_slice %arg16[%dma_wait3A_328, %dma_wait3A_329] : memref<64x128xf32, #tpu.memory_space<vmem>> -> memref<64x128xf32, #tpu.memory_space<vmem>>
    tpu.wait_dma2 semaphore(%arg36 : memref<!tpu.dma_semaphore, #tpu.memory_space<semaphore_mem>>) src(%dma_wait3A_330 : memref<64x128xf32, #tpu.memory_space<vmem>>) dst(%dma_wait3A_327 : memref<64x128xf32, #tpu.memory_space<hbm>>)
    %mul3A_331 = arith.constant 512 : i32
    %mul3A_332 = arith.muli %add3A, %mul3A_331 : i32
    %dma_wait3A_333 = tpu.memref_slice %arg3[%mul3A_332] : memref<16384xi32, #tpu.memory_space<hbm>> -> memref<512xi32, #tpu.memory_space<hbm>>
    %dma_wait3A_334 = tpu.memref_slice %arg3[%mul3A_332] : memref<16384xi32, #tpu.memory_space<hbm>> -> memref<512xi32, #tpu.memory_space<hbm>>
    tpu.wait_dma2 semaphore(%arg37 : memref<!tpu.dma_semaphore, #tpu.memory_space<semaphore_mem>>) src(%dma_wait3A_334 : memref<512xi32, #tpu.memory_space<hbm>>) dst(%arg11 : memref<512xi32, #tpu.memory_space<vmem>>)
    %mul3A_335 = arith.constant 512 : i32
    %mul3A_336 = arith.muli %add3A, %mul3A_335 : i32
    %dma_start3A_337 = arith.constant 0 : i32
    %dma_start3A_338 = arith.constant 0 : i32
    %dma_start3A_339 = tpu.memref_slice %arg13[%dma_start3A_337, %dma_start3A_338] : memref<64x128xf32, #tpu.memory_space<vmem>> -> memref<64x128xf32, #tpu.memory_space<vmem>>
    %dma_start3A_340 = arith.constant 0 : i32
    %dma_start3A_341 = tpu.memref_slice %arg11[%dma_start3A_340] : memref<512xi32, #tpu.memory_space<vmem>> -> memref<64xi32, #tpu.memory_space<vmem>>
    %dma_start3A_342 = arith.constant 0 : i32
    %dma_start3A_343 = arith.constant 0 : i32
    %dma_start3A_344 = tpu.memref_slice %arg6[%dma_start3A_342, %dma_start3A_343] : memref<100000x128xf32, #tpu.memory_space<hbm>> -> memref<100000x128xf32, #tpu.memory_space<hbm>>
    tpu.enqueue_indirect_dma source(%dma_start3A_344 : memref<100000x128xf32, #tpu.memory_space<hbm>>) target(%dma_start3A_339 : memref<64x128xf32, #tpu.memory_space<vmem>>) offsets(%dma_start3A_341 : memref<64xi32, #tpu.memory_space<vmem>>) semaphore(%arg23 : memref<!tpu.dma_semaphore, #tpu.memory_space<semaphore_mem>>)
    %dma_start3A_345 = arith.constant 0 : i32
    %dma_start3A_346 = arith.constant 0 : i32
    %dma_start3A_347 = tpu.memref_slice %arg14[%dma_start3A_345, %dma_start3A_346] : memref<64x128xf32, #tpu.memory_space<vmem>> -> memref<64x128xf32, #tpu.memory_space<vmem>>
    %dma_start3A_348 = arith.constant 64 : i32
    %dma_start3A_349 = tpu.memref_slice %arg11[%dma_start3A_348] : memref<512xi32, #tpu.memory_space<vmem>> -> memref<64xi32, #tpu.memory_space<vmem>>
    %dma_start3A_350 = arith.constant 0 : i32
    %dma_start3A_351 = arith.constant 0 : i32
    %dma_start3A_352 = tpu.memref_slice %arg6[%dma_start3A_350, %dma_start3A_351] : memref<100000x128xf32, #tpu.memory_space<hbm>> -> memref<100000x128xf32, #tpu.memory_space<hbm>>
    tpu.enqueue_indirect_dma source(%dma_start3A_352 : memref<100000x128xf32, #tpu.memory_space<hbm>>) target(%dma_start3A_347 : memref<64x128xf32, #tpu.memory_space<vmem>>) offsets(%dma_start3A_349 : memref<64xi32, #tpu.memory_space<vmem>>) semaphore(%arg24 : memref<!tpu.dma_semaphore, #tpu.memory_space<semaphore_mem>>)
    %dma_start3A_353 = arith.constant 0 : i32
    %dma_start3A_354 = arith.constant 0 : i32
    %dma_start3A_355 = tpu.memref_slice %arg15[%dma_start3A_353, %dma_start3A_354] : memref<64x128xf32, #tpu.memory_space<vmem>> -> memref<64x128xf32, #tpu.memory_space<vmem>>
    %dma_start3A_356 = arith.constant 128 : i32
    %dma_start3A_357 = tpu.memref_slice %arg11[%dma_start3A_356] : memref<512xi32, #tpu.memory_space<vmem>> -> memref<64xi32, #tpu.memory_space<vmem>>
    %dma_start3A_358 = arith.constant 0 : i32
    %dma_start3A_359 = arith.constant 0 : i32
    %dma_start3A_360 = tpu.memref_slice %arg6[%dma_start3A_358, %dma_start3A_359] : memref<100000x128xf32, #tpu.memory_space<hbm>> -> memref<100000x128xf32, #tpu.memory_space<hbm>>
    tpu.enqueue_indirect_dma source(%dma_start3A_360 : memref<100000x128xf32, #tpu.memory_space<hbm>>) target(%dma_start3A_355 : memref<64x128xf32, #tpu.memory_space<vmem>>) offsets(%dma_start3A_357 : memref<64xi32, #tpu.memory_space<vmem>>) semaphore(%arg25 : memref<!tpu.dma_semaphore, #tpu.memory_space<semaphore_mem>>)
    %dma_start3A_361 = arith.constant 0 : i32
    %dma_start3A_362 = arith.constant 0 : i32
    %dma_start3A_363 = tpu.memref_slice %arg16[%dma_start3A_361, %dma_start3A_362] : memref<64x128xf32, #tpu.memory_space<vmem>> -> memref<64x128xf32, #tpu.memory_space<vmem>>
    %dma_start3A_364 = arith.constant 192 : i32
    %dma_start3A_365 = tpu.memref_slice %arg11[%dma_start3A_364] : memref<512xi32, #tpu.memory_space<vmem>> -> memref<64xi32, #tpu.memory_space<vmem>>
    %dma_start3A_366 = arith.constant 0 : i32
    %dma_start3A_367 = arith.constant 0 : i32
    %dma_start3A_368 = tpu.memref_slice %arg6[%dma_start3A_366, %dma_start3A_367] : memref<100000x128xf32, #tpu.memory_space<hbm>> -> memref<100000x128xf32, #tpu.memory_space<hbm>>
    tpu.enqueue_indirect_dma source(%dma_start3A_368 : memref<100000x128xf32, #tpu.memory_space<hbm>>) target(%dma_start3A_363 : memref<64x128xf32, #tpu.memory_space<vmem>>) offsets(%dma_start3A_365 : memref<64xi32, #tpu.memory_space<vmem>>) semaphore(%arg26 : memref<!tpu.dma_semaphore, #tpu.memory_space<semaphore_mem>>)
    %dma_wait3A_369 = arith.constant 0 : i32
    %dma_wait3A_370 = arith.constant 0 : i32
    %dma_wait3A_371 = tpu.memref_slice %arg13[%dma_wait3A_369, %dma_wait3A_370] : memref<64x128xf32, #tpu.memory_space<vmem>> -> memref<64x128xf32, #tpu.memory_space<vmem>>
    %dma_wait3A_372 = arith.constant 0 : i32
    %dma_wait3A_373 = tpu.memref_slice %arg11[%dma_wait3A_372] : memref<512xi32, #tpu.memory_space<vmem>> -> memref<64xi32, #tpu.memory_space<vmem>>
    %dma_wait3A_374 = arith.constant 0 : i32
    %dma_wait3A_375 = arith.constant 0 : i32
    %dma_wait3A_376 = tpu.memref_slice %arg6[%dma_wait3A_374, %dma_wait3A_375] : memref<100000x128xf32, #tpu.memory_space<hbm>> -> memref<100000x128xf32, #tpu.memory_space<hbm>>
    tpu.wait_indirect_dma semaphore(%arg23 : memref<!tpu.dma_semaphore, #tpu.memory_space<semaphore_mem>>) src(%dma_wait3A_376 : memref<100000x128xf32, #tpu.memory_space<hbm>>) dst(%dma_wait3A_371 : memref<64x128xf32, #tpu.memory_space<vmem>>)
    %add3A_377 = arith.constant 0 : i32
    %add3A_378 = arith.addi %mul3A_336, %add3A_377 : i32
    %dma_start3A_379 = arith.constant 0 : i32
    %dma_start3A_380 = arith.constant 0 : i32
    %dma_start3A_381 = tpu.memref_slice %arg13[%dma_start3A_379, %dma_start3A_380] : memref<64x128xf32, #tpu.memory_space<vmem>> -> memref<64x128xf32, #tpu.memory_space<vmem>>
    %dma_start3A_382 = arith.constant 0 : i32
    %dma_start3A_383 = tpu.memref_slice %arg8[%add3A_378, %dma_start3A_382] : memref<16384x128xf32, #tpu.memory_space<hbm>> -> memref<64x128xf32, #tpu.memory_space<hbm>>
    %dma_start3A_384 = arith.constant 0 : i32
    %dma_start3A_385 = tpu.memref_slice %arg8[%add3A_378, %dma_start3A_384] : memref<16384x128xf32, #tpu.memory_space<hbm>> -> memref<64x128xf32, #tpu.memory_space<hbm>>
    %dma_start3A_386 = arith.constant 0 : i32
    %dma_start3A_387 = arith.constant 0 : i32
    %dma_start3A_388 = tpu.memref_slice %arg13[%dma_start3A_386, %dma_start3A_387] : memref<64x128xf32, #tpu.memory_space<vmem>> -> memref<64x128xf32, #tpu.memory_space<vmem>>
    tpu.enqueue_dma source(%dma_start3A_388 : memref<64x128xf32, #tpu.memory_space<vmem>>) target(%dma_start3A_385 : memref<64x128xf32, #tpu.memory_space<hbm>>) target_semaphore(%arg33 : memref<!tpu.dma_semaphore, #tpu.memory_space<semaphore_mem>>)
    %add3A_389 = arith.constant 0 : i32
    %add3A_390 = arith.addi %mul3A_336, %add3A_389 : i32
    %dma_wait3A_391 = arith.constant 0 : i32
    %dma_wait3A_392 = arith.constant 0 : i32
    %dma_wait3A_393 = tpu.memref_slice %arg13[%dma_wait3A_391, %dma_wait3A_392] : memref<64x128xf32, #tpu.memory_space<vmem>> -> memref<64x128xf32, #tpu.memory_space<vmem>>
    %dma_wait3A_394 = arith.constant 0 : i32
    %dma_wait3A_395 = tpu.memref_slice %arg8[%add3A_390, %dma_wait3A_394] : memref<16384x128xf32, #tpu.memory_space<hbm>> -> memref<64x128xf32, #tpu.memory_space<hbm>>
    %dma_wait3A_396 = arith.constant 0 : i32
    %dma_wait3A_397 = tpu.memref_slice %arg8[%add3A_390, %dma_wait3A_396] : memref<16384x128xf32, #tpu.memory_space<hbm>> -> memref<64x128xf32, #tpu.memory_space<hbm>>
    %dma_wait3A_398 = arith.constant 0 : i32
    %dma_wait3A_399 = arith.constant 0 : i32
    %dma_wait3A_400 = tpu.memref_slice %arg13[%dma_wait3A_398, %dma_wait3A_399] : memref<64x128xf32, #tpu.memory_space<vmem>> -> memref<64x128xf32, #tpu.memory_space<vmem>>
    tpu.wait_dma2 semaphore(%arg33 : memref<!tpu.dma_semaphore, #tpu.memory_space<semaphore_mem>>) src(%dma_wait3A_400 : memref<64x128xf32, #tpu.memory_space<vmem>>) dst(%dma_wait3A_397 : memref<64x128xf32, #tpu.memory_space<hbm>>)
    %dma_start3A_401 = arith.constant 0 : i32
    %dma_start3A_402 = arith.constant 0 : i32
    %dma_start3A_403 = tpu.memref_slice %arg13[%dma_start3A_401, %dma_start3A_402] : memref<64x128xf32, #tpu.memory_space<vmem>> -> memref<64x128xf32, #tpu.memory_space<vmem>>
    %dma_start3A_404 = arith.constant 256 : i32
    %dma_start3A_405 = tpu.memref_slice %arg11[%dma_start3A_404] : memref<512xi32, #tpu.memory_space<vmem>> -> memref<64xi32, #tpu.memory_space<vmem>>
    %dma_start3A_406 = arith.constant 0 : i32
    %dma_start3A_407 = arith.constant 0 : i32
    %dma_start3A_408 = tpu.memref_slice %arg6[%dma_start3A_406, %dma_start3A_407] : memref<100000x128xf32, #tpu.memory_space<hbm>> -> memref<100000x128xf32, #tpu.memory_space<hbm>>
    tpu.enqueue_indirect_dma source(%dma_start3A_408 : memref<100000x128xf32, #tpu.memory_space<hbm>>) target(%dma_start3A_403 : memref<64x128xf32, #tpu.memory_space<vmem>>) offsets(%dma_start3A_405 : memref<64xi32, #tpu.memory_space<vmem>>) semaphore(%arg23 : memref<!tpu.dma_semaphore, #tpu.memory_space<semaphore_mem>>)
    %dma_wait3A_409 = arith.constant 0 : i32
    %dma_wait3A_410 = arith.constant 0 : i32
    %dma_wait3A_411 = tpu.memref_slice %arg14[%dma_wait3A_409, %dma_wait3A_410] : memref<64x128xf32, #tpu.memory_space<vmem>> -> memref<64x128xf32, #tpu.memory_space<vmem>>
    %dma_wait3A_412 = arith.constant 64 : i32
    %dma_wait3A_413 = tpu.memref_slice %arg11[%dma_wait3A_412] : memref<512xi32, #tpu.memory_space<vmem>> -> memref<64xi32, #tpu.memory_space<vmem>>
    %dma_wait3A_414 = arith.constant 0 : i32
    %dma_wait3A_415 = arith.constant 0 : i32
    %dma_wait3A_416 = tpu.memref_slice %arg6[%dma_wait3A_414, %dma_wait3A_415] : memref<100000x128xf32, #tpu.memory_space<hbm>> -> memref<100000x128xf32, #tpu.memory_space<hbm>>
    tpu.wait_indirect_dma semaphore(%arg24 : memref<!tpu.dma_semaphore, #tpu.memory_space<semaphore_mem>>) src(%dma_wait3A_416 : memref<100000x128xf32, #tpu.memory_space<hbm>>) dst(%dma_wait3A_411 : memref<64x128xf32, #tpu.memory_space<vmem>>)
    %add3A_417 = arith.constant 64 : i32
    %add3A_418 = arith.addi %mul3A_336, %add3A_417 : i32
    %dma_start3A_419 = arith.constant 0 : i32
    %dma_start3A_420 = arith.constant 0 : i32
    %dma_start3A_421 = tpu.memref_slice %arg14[%dma_start3A_419, %dma_start3A_420] : memref<64x128xf32, #tpu.memory_space<vmem>> -> memref<64x128xf32, #tpu.memory_space<vmem>>
    %dma_start3A_422 = arith.constant 0 : i32
    %dma_start3A_423 = tpu.memref_slice %arg8[%add3A_418, %dma_start3A_422] : memref<16384x128xf32, #tpu.memory_space<hbm>> -> memref<64x128xf32, #tpu.memory_space<hbm>>
    %dma_start3A_424 = arith.constant 0 : i32
    %dma_start3A_425 = tpu.memref_slice %arg8[%add3A_418, %dma_start3A_424] : memref<16384x128xf32, #tpu.memory_space<hbm>> -> memref<64x128xf32, #tpu.memory_space<hbm>>
    %dma_start3A_426 = arith.constant 0 : i32
    %dma_start3A_427 = arith.constant 0 : i32
    %dma_start3A_428 = tpu.memref_slice %arg14[%dma_start3A_426, %dma_start3A_427] : memref<64x128xf32, #tpu.memory_space<vmem>> -> memref<64x128xf32, #tpu.memory_space<vmem>>
    tpu.enqueue_dma source(%dma_start3A_428 : memref<64x128xf32, #tpu.memory_space<vmem>>) target(%dma_start3A_425 : memref<64x128xf32, #tpu.memory_space<hbm>>) target_semaphore(%arg34 : memref<!tpu.dma_semaphore, #tpu.memory_space<semaphore_mem>>)
    %add3A_429 = arith.constant 64 : i32
    %add3A_430 = arith.addi %mul3A_336, %add3A_429 : i32
    %dma_wait3A_431 = arith.constant 0 : i32
    %dma_wait3A_432 = arith.constant 0 : i32
    %dma_wait3A_433 = tpu.memref_slice %arg14[%dma_wait3A_431, %dma_wait3A_432] : memref<64x128xf32, #tpu.memory_space<vmem>> -> memref<64x128xf32, #tpu.memory_space<vmem>>
    %dma_wait3A_434 = arith.constant 0 : i32
    %dma_wait3A_435 = tpu.memref_slice %arg8[%add3A_430, %dma_wait3A_434] : memref<16384x128xf32, #tpu.memory_space<hbm>> -> memref<64x128xf32, #tpu.memory_space<hbm>>
    %dma_wait3A_436 = arith.constant 0 : i32
    %dma_wait3A_437 = tpu.memref_slice %arg8[%add3A_430, %dma_wait3A_436] : memref<16384x128xf32, #tpu.memory_space<hbm>> -> memref<64x128xf32, #tpu.memory_space<hbm>>
    %dma_wait3A_438 = arith.constant 0 : i32
    %dma_wait3A_439 = arith.constant 0 : i32
    %dma_wait3A_440 = tpu.memref_slice %arg14[%dma_wait3A_438, %dma_wait3A_439] : memref<64x128xf32, #tpu.memory_space<vmem>> -> memref<64x128xf32, #tpu.memory_space<vmem>>
    tpu.wait_dma2 semaphore(%arg34 : memref<!tpu.dma_semaphore, #tpu.memory_space<semaphore_mem>>) src(%dma_wait3A_440 : memref<64x128xf32, #tpu.memory_space<vmem>>) dst(%dma_wait3A_437 : memref<64x128xf32, #tpu.memory_space<hbm>>)
    %dma_start3A_441 = arith.constant 0 : i32
    %dma_start3A_442 = arith.constant 0 : i32
    %dma_start3A_443 = tpu.memref_slice %arg14[%dma_start3A_441, %dma_start3A_442] : memref<64x128xf32, #tpu.memory_space<vmem>> -> memref<64x128xf32, #tpu.memory_space<vmem>>
    %dma_start3A_444 = arith.constant 320 : i32
    %dma_start3A_445 = tpu.memref_slice %arg11[%dma_start3A_444] : memref<512xi32, #tpu.memory_space<vmem>> -> memref<64xi32, #tpu.memory_space<vmem>>
    %dma_start3A_446 = arith.constant 0 : i32
    %dma_start3A_447 = arith.constant 0 : i32
    %dma_start3A_448 = tpu.memref_slice %arg6[%dma_start3A_446, %dma_start3A_447] : memref<100000x128xf32, #tpu.memory_space<hbm>> -> memref<100000x128xf32, #tpu.memory_space<hbm>>
    tpu.enqueue_indirect_dma source(%dma_start3A_448 : memref<100000x128xf32, #tpu.memory_space<hbm>>) target(%dma_start3A_443 : memref<64x128xf32, #tpu.memory_space<vmem>>) offsets(%dma_start3A_445 : memref<64xi32, #tpu.memory_space<vmem>>) semaphore(%arg24 : memref<!tpu.dma_semaphore, #tpu.memory_space<semaphore_mem>>)
    %dma_wait3A_449 = arith.constant 0 : i32
    %dma_wait3A_450 = arith.constant 0 : i32
    %dma_wait3A_451 = tpu.memref_slice %arg15[%dma_wait3A_449, %dma_wait3A_450] : memref<64x128xf32, #tpu.memory_space<vmem>> -> memref<64x128xf32, #tpu.memory_space<vmem>>
    %dma_wait3A_452 = arith.constant 128 : i32
    %dma_wait3A_453 = tpu.memref_slice %arg11[%dma_wait3A_452] : memref<512xi32, #tpu.memory_space<vmem>> -> memref<64xi32, #tpu.memory_space<vmem>>
    %dma_wait3A_454 = arith.constant 0 : i32
    %dma_wait3A_455 = arith.constant 0 : i32
    %dma_wait3A_456 = tpu.memref_slice %arg6[%dma_wait3A_454, %dma_wait3A_455] : memref<100000x128xf32, #tpu.memory_space<hbm>> -> memref<100000x128xf32, #tpu.memory_space<hbm>>
    tpu.wait_indirect_dma semaphore(%arg25 : memref<!tpu.dma_semaphore, #tpu.memory_space<semaphore_mem>>) src(%dma_wait3A_456 : memref<100000x128xf32, #tpu.memory_space<hbm>>) dst(%dma_wait3A_451 : memref<64x128xf32, #tpu.memory_space<vmem>>)
    %add3A_457 = arith.constant 128 : i32
    %add3A_458 = arith.addi %mul3A_336, %add3A_457 : i32
    %dma_start3A_459 = arith.constant 0 : i32
    %dma_start3A_460 = arith.constant 0 : i32
    %dma_start3A_461 = tpu.memref_slice %arg15[%dma_start3A_459, %dma_start3A_460] : memref<64x128xf32, #tpu.memory_space<vmem>> -> memref<64x128xf32, #tpu.memory_space<vmem>>
    %dma_start3A_462 = arith.constant 0 : i32
    %dma_start3A_463 = tpu.memref_slice %arg8[%add3A_458, %dma_start3A_462] : memref<16384x128xf32, #tpu.memory_space<hbm>> -> memref<64x128xf32, #tpu.memory_space<hbm>>
    %dma_start3A_464 = arith.constant 0 : i32
    %dma_start3A_465 = tpu.memref_slice %arg8[%add3A_458, %dma_start3A_464] : memref<16384x128xf32, #tpu.memory_space<hbm>> -> memref<64x128xf32, #tpu.memory_space<hbm>>
    %dma_start3A_466 = arith.constant 0 : i32
    %dma_start3A_467 = arith.constant 0 : i32
    %dma_start3A_468 = tpu.memref_slice %arg15[%dma_start3A_466, %dma_start3A_467] : memref<64x128xf32, #tpu.memory_space<vmem>> -> memref<64x128xf32, #tpu.memory_space<vmem>>
    tpu.enqueue_dma source(%dma_start3A_468 : memref<64x128xf32, #tpu.memory_space<vmem>>) target(%dma_start3A_465 : memref<64x128xf32, #tpu.memory_space<hbm>>) target_semaphore(%arg35 : memref<!tpu.dma_semaphore, #tpu.memory_space<semaphore_mem>>)
    %add3A_469 = arith.constant 128 : i32
    %add3A_470 = arith.addi %mul3A_336, %add3A_469 : i32
    %dma_wait3A_471 = arith.constant 0 : i32
    %dma_wait3A_472 = arith.constant 0 : i32
    %dma_wait3A_473 = tpu.memref_slice %arg15[%dma_wait3A_471, %dma_wait3A_472] : memref<64x128xf32, #tpu.memory_space<vmem>> -> memref<64x128xf32, #tpu.memory_space<vmem>>
    %dma_wait3A_474 = arith.constant 0 : i32
    %dma_wait3A_475 = tpu.memref_slice %arg8[%add3A_470, %dma_wait3A_474] : memref<16384x128xf32, #tpu.memory_space<hbm>> -> memref<64x128xf32, #tpu.memory_space<hbm>>
    %dma_wait3A_476 = arith.constant 0 : i32
    %dma_wait3A_477 = tpu.memref_slice %arg8[%add3A_470, %dma_wait3A_476] : memref<16384x128xf32, #tpu.memory_space<hbm>> -> memref<64x128xf32, #tpu.memory_space<hbm>>
    %dma_wait3A_478 = arith.constant 0 : i32
    %dma_wait3A_479 = arith.constant 0 : i32
    %dma_wait3A_480 = tpu.memref_slice %arg15[%dma_wait3A_478, %dma_wait3A_479] : memref<64x128xf32, #tpu.memory_space<vmem>> -> memref<64x128xf32, #tpu.memory_space<vmem>>
    tpu.wait_dma2 semaphore(%arg35 : memref<!tpu.dma_semaphore, #tpu.memory_space<semaphore_mem>>) src(%dma_wait3A_480 : memref<64x128xf32, #tpu.memory_space<vmem>>) dst(%dma_wait3A_477 : memref<64x128xf32, #tpu.memory_space<hbm>>)
    %dma_start3A_481 = arith.constant 0 : i32
    %dma_start3A_482 = arith.constant 0 : i32
    %dma_start3A_483 = tpu.memref_slice %arg15[%dma_start3A_481, %dma_start3A_482] : memref<64x128xf32, #tpu.memory_space<vmem>> -> memref<64x128xf32, #tpu.memory_space<vmem>>
    %dma_start3A_484 = arith.constant 384 : i32
    %dma_start3A_485 = tpu.memref_slice %arg11[%dma_start3A_484] : memref<512xi32, #tpu.memory_space<vmem>> -> memref<64xi32, #tpu.memory_space<vmem>>
    %dma_start3A_486 = arith.constant 0 : i32
    %dma_start3A_487 = arith.constant 0 : i32
    %dma_start3A_488 = tpu.memref_slice %arg6[%dma_start3A_486, %dma_start3A_487] : memref<100000x128xf32, #tpu.memory_space<hbm>> -> memref<100000x128xf32, #tpu.memory_space<hbm>>
    tpu.enqueue_indirect_dma source(%dma_start3A_488 : memref<100000x128xf32, #tpu.memory_space<hbm>>) target(%dma_start3A_483 : memref<64x128xf32, #tpu.memory_space<vmem>>) offsets(%dma_start3A_485 : memref<64xi32, #tpu.memory_space<vmem>>) semaphore(%arg25 : memref<!tpu.dma_semaphore, #tpu.memory_space<semaphore_mem>>)
    %dma_wait3A_489 = arith.constant 0 : i32
    %dma_wait3A_490 = arith.constant 0 : i32
    %dma_wait3A_491 = tpu.memref_slice %arg16[%dma_wait3A_489, %dma_wait3A_490] : memref<64x128xf32, #tpu.memory_space<vmem>> -> memref<64x128xf32, #tpu.memory_space<vmem>>
    %dma_wait3A_492 = arith.constant 192 : i32
    %dma_wait3A_493 = tpu.memref_slice %arg11[%dma_wait3A_492] : memref<512xi32, #tpu.memory_space<vmem>> -> memref<64xi32, #tpu.memory_space<vmem>>
    %dma_wait3A_494 = arith.constant 0 : i32
    %dma_wait3A_495 = arith.constant 0 : i32
    %dma_wait3A_496 = tpu.memref_slice %arg6[%dma_wait3A_494, %dma_wait3A_495] : memref<100000x128xf32, #tpu.memory_space<hbm>> -> memref<100000x128xf32, #tpu.memory_space<hbm>>
    tpu.wait_indirect_dma semaphore(%arg26 : memref<!tpu.dma_semaphore, #tpu.memory_space<semaphore_mem>>) src(%dma_wait3A_496 : memref<100000x128xf32, #tpu.memory_space<hbm>>) dst(%dma_wait3A_491 : memref<64x128xf32, #tpu.memory_space<vmem>>)
    %add3A_497 = arith.constant 192 : i32
    %add3A_498 = arith.addi %mul3A_336, %add3A_497 : i32
    %dma_start3A_499 = arith.constant 0 : i32
    %dma_start3A_500 = arith.constant 0 : i32
    %dma_start3A_501 = tpu.memref_slice %arg16[%dma_start3A_499, %dma_start3A_500] : memref<64x128xf32, #tpu.memory_space<vmem>> -> memref<64x128xf32, #tpu.memory_space<vmem>>
    %dma_start3A_502 = arith.constant 0 : i32
    %dma_start3A_503 = tpu.memref_slice %arg8[%add3A_498, %dma_start3A_502] : memref<16384x128xf32, #tpu.memory_space<hbm>> -> memref<64x128xf32, #tpu.memory_space<hbm>>
    %dma_start3A_504 = arith.constant 0 : i32
    %dma_start3A_505 = tpu.memref_slice %arg8[%add3A_498, %dma_start3A_504] : memref<16384x128xf32, #tpu.memory_space<hbm>> -> memref<64x128xf32, #tpu.memory_space<hbm>>
    %dma_start3A_506 = arith.constant 0 : i32
    %dma_start3A_507 = arith.constant 0 : i32
    %dma_start3A_508 = tpu.memref_slice %arg16[%dma_start3A_506, %dma_start3A_507] : memref<64x128xf32, #tpu.memory_space<vmem>> -> memref<64x128xf32, #tpu.memory_space<vmem>>
    tpu.enqueue_dma source(%dma_start3A_508 : memref<64x128xf32, #tpu.memory_space<vmem>>) target(%dma_start3A_505 : memref<64x128xf32, #tpu.memory_space<hbm>>) target_semaphore(%arg36 : memref<!tpu.dma_semaphore, #tpu.memory_space<semaphore_mem>>)
    %add3A_509 = arith.constant 192 : i32
    %add3A_510 = arith.addi %mul3A_336, %add3A_509 : i32
    %dma_wait3A_511 = arith.constant 0 : i32
    %dma_wait3A_512 = arith.constant 0 : i32
    %dma_wait3A_513 = tpu.memref_slice %arg16[%dma_wait3A_511, %dma_wait3A_512] : memref<64x128xf32, #tpu.memory_space<vmem>> -> memref<64x128xf32, #tpu.memory_space<vmem>>
    %dma_wait3A_514 = arith.constant 0 : i32
    %dma_wait3A_515 = tpu.memref_slice %arg8[%add3A_510, %dma_wait3A_514] : memref<16384x128xf32, #tpu.memory_space<hbm>> -> memref<64x128xf32, #tpu.memory_space<hbm>>
    %dma_wait3A_516 = arith.constant 0 : i32
    %dma_wait3A_517 = tpu.memref_slice %arg8[%add3A_510, %dma_wait3A_516] : memref<16384x128xf32, #tpu.memory_space<hbm>> -> memref<64x128xf32, #tpu.memory_space<hbm>>
    %dma_wait3A_518 = arith.constant 0 : i32
    %dma_wait3A_519 = arith.constant 0 : i32
    %dma_wait3A_520 = tpu.memref_slice %arg16[%dma_wait3A_518, %dma_wait3A_519] : memref<64x128xf32, #tpu.memory_space<vmem>> -> memref<64x128xf32, #tpu.memory_space<vmem>>
    tpu.wait_dma2 semaphore(%arg36 : memref<!tpu.dma_semaphore, #tpu.memory_space<semaphore_mem>>) src(%dma_wait3A_520 : memref<64x128xf32, #tpu.memory_space<vmem>>) dst(%dma_wait3A_517 : memref<64x128xf32, #tpu.memory_space<hbm>>)
    %dma_start3A_521 = arith.constant 0 : i32
    %dma_start3A_522 = arith.constant 0 : i32
    %dma_start3A_523 = tpu.memref_slice %arg16[%dma_start3A_521, %dma_start3A_522] : memref<64x128xf32, #tpu.memory_space<vmem>> -> memref<64x128xf32, #tpu.memory_space<vmem>>
    %dma_start3A_524 = arith.constant 448 : i32
    %dma_start3A_525 = tpu.memref_slice %arg11[%dma_start3A_524] : memref<512xi32, #tpu.memory_space<vmem>> -> memref<64xi32, #tpu.memory_space<vmem>>
    %dma_start3A_526 = arith.constant 0 : i32
    %dma_start3A_527 = arith.constant 0 : i32
    %dma_start3A_528 = tpu.memref_slice %arg6[%dma_start3A_526, %dma_start3A_527] : memref<100000x128xf32, #tpu.memory_space<hbm>> -> memref<100000x128xf32, #tpu.memory_space<hbm>>
    tpu.enqueue_indirect_dma source(%dma_start3A_528 : memref<100000x128xf32, #tpu.memory_space<hbm>>) target(%dma_start3A_523 : memref<64x128xf32, #tpu.memory_space<vmem>>) offsets(%dma_start3A_525 : memref<64xi32, #tpu.memory_space<vmem>>) semaphore(%arg26 : memref<!tpu.dma_semaphore, #tpu.memory_space<semaphore_mem>>)
    %dma_wait3A_529 = arith.constant 0 : i32
    %dma_wait3A_530 = arith.constant 0 : i32
    %dma_wait3A_531 = tpu.memref_slice %arg13[%dma_wait3A_529, %dma_wait3A_530] : memref<64x128xf32, #tpu.memory_space<vmem>> -> memref<64x128xf32, #tpu.memory_space<vmem>>
    %dma_wait3A_532 = arith.constant 256 : i32
    %dma_wait3A_533 = tpu.memref_slice %arg11[%dma_wait3A_532] : memref<512xi32, #tpu.memory_space<vmem>> -> memref<64xi32, #tpu.memory_space<vmem>>
    %dma_wait3A_534 = arith.constant 0 : i32
    %dma_wait3A_535 = arith.constant 0 : i32
    %dma_wait3A_536 = tpu.memref_slice %arg6[%dma_wait3A_534, %dma_wait3A_535] : memref<100000x128xf32, #tpu.memory_space<hbm>> -> memref<100000x128xf32, #tpu.memory_space<hbm>>
    tpu.wait_indirect_dma semaphore(%arg23 : memref<!tpu.dma_semaphore, #tpu.memory_space<semaphore_mem>>) src(%dma_wait3A_536 : memref<100000x128xf32, #tpu.memory_space<hbm>>) dst(%dma_wait3A_531 : memref<64x128xf32, #tpu.memory_space<vmem>>)
    %add3A_537 = arith.constant 256 : i32
    %add3A_538 = arith.addi %mul3A_336, %add3A_537 : i32
    %dma_start3A_539 = arith.constant 0 : i32
    %dma_start3A_540 = arith.constant 0 : i32
    %dma_start3A_541 = tpu.memref_slice %arg13[%dma_start3A_539, %dma_start3A_540] : memref<64x128xf32, #tpu.memory_space<vmem>> -> memref<64x128xf32, #tpu.memory_space<vmem>>
    %dma_start3A_542 = arith.constant 0 : i32
    %dma_start3A_543 = tpu.memref_slice %arg8[%add3A_538, %dma_start3A_542] : memref<16384x128xf32, #tpu.memory_space<hbm>> -> memref<64x128xf32, #tpu.memory_space<hbm>>
    %dma_start3A_544 = arith.constant 0 : i32
    %dma_start3A_545 = tpu.memref_slice %arg8[%add3A_538, %dma_start3A_544] : memref<16384x128xf32, #tpu.memory_space<hbm>> -> memref<64x128xf32, #tpu.memory_space<hbm>>
    %dma_start3A_546 = arith.constant 0 : i32
    %dma_start3A_547 = arith.constant 0 : i32
    %dma_start3A_548 = tpu.memref_slice %arg13[%dma_start3A_546, %dma_start3A_547] : memref<64x128xf32, #tpu.memory_space<vmem>> -> memref<64x128xf32, #tpu.memory_space<vmem>>
    tpu.enqueue_dma source(%dma_start3A_548 : memref<64x128xf32, #tpu.memory_space<vmem>>) target(%dma_start3A_545 : memref<64x128xf32, #tpu.memory_space<hbm>>) target_semaphore(%arg33 : memref<!tpu.dma_semaphore, #tpu.memory_space<semaphore_mem>>)
    %dma_wait3A_549 = arith.constant 0 : i32
    %dma_wait3A_550 = arith.constant 0 : i32
    %dma_wait3A_551 = tpu.memref_slice %arg14[%dma_wait3A_549, %dma_wait3A_550] : memref<64x128xf32, #tpu.memory_space<vmem>> -> memref<64x128xf32, #tpu.memory_space<vmem>>
    %dma_wait3A_552 = arith.constant 320 : i32
    %dma_wait3A_553 = tpu.memref_slice %arg11[%dma_wait3A_552] : memref<512xi32, #tpu.memory_space<vmem>> -> memref<64xi32, #tpu.memory_space<vmem>>
    %dma_wait3A_554 = arith.constant 0 : i32
    %dma_wait3A_555 = arith.constant 0 : i32
    %dma_wait3A_556 = tpu.memref_slice %arg6[%dma_wait3A_554, %dma_wait3A_555] : memref<100000x128xf32, #tpu.memory_space<hbm>> -> memref<100000x128xf32, #tpu.memory_space<hbm>>
    tpu.wait_indirect_dma semaphore(%arg24 : memref<!tpu.dma_semaphore, #tpu.memory_space<semaphore_mem>>) src(%dma_wait3A_556 : memref<100000x128xf32, #tpu.memory_space<hbm>>) dst(%dma_wait3A_551 : memref<64x128xf32, #tpu.memory_space<vmem>>)
    %add3A_557 = arith.constant 320 : i32
    %add3A_558 = arith.addi %mul3A_336, %add3A_557 : i32
    %dma_start3A_559 = arith.constant 0 : i32
    %dma_start3A_560 = arith.constant 0 : i32
    %dma_start3A_561 = tpu.memref_slice %arg14[%dma_start3A_559, %dma_start3A_560] : memref<64x128xf32, #tpu.memory_space<vmem>> -> memref<64x128xf32, #tpu.memory_space<vmem>>
    %dma_start3A_562 = arith.constant 0 : i32
    %dma_start3A_563 = tpu.memref_slice %arg8[%add3A_558, %dma_start3A_562] : memref<16384x128xf32, #tpu.memory_space<hbm>> -> memref<64x128xf32, #tpu.memory_space<hbm>>
    %dma_start3A_564 = arith.constant 0 : i32
    %dma_start3A_565 = tpu.memref_slice %arg8[%add3A_558, %dma_start3A_564] : memref<16384x128xf32, #tpu.memory_space<hbm>> -> memref<64x128xf32, #tpu.memory_space<hbm>>
    %dma_start3A_566 = arith.constant 0 : i32
    %dma_start3A_567 = arith.constant 0 : i32
    %dma_start3A_568 = tpu.memref_slice %arg14[%dma_start3A_566, %dma_start3A_567] : memref<64x128xf32, #tpu.memory_space<vmem>> -> memref<64x128xf32, #tpu.memory_space<vmem>>
    tpu.enqueue_dma source(%dma_start3A_568 : memref<64x128xf32, #tpu.memory_space<vmem>>) target(%dma_start3A_565 : memref<64x128xf32, #tpu.memory_space<hbm>>) target_semaphore(%arg34 : memref<!tpu.dma_semaphore, #tpu.memory_space<semaphore_mem>>)
    %dma_wait3A_569 = arith.constant 0 : i32
    %dma_wait3A_570 = arith.constant 0 : i32
    %dma_wait3A_571 = tpu.memref_slice %arg15[%dma_wait3A_569, %dma_wait3A_570] : memref<64x128xf32, #tpu.memory_space<vmem>> -> memref<64x128xf32, #tpu.memory_space<vmem>>
    %dma_wait3A_572 = arith.constant 384 : i32
    %dma_wait3A_573 = tpu.memref_slice %arg11[%dma_wait3A_572] : memref<512xi32, #tpu.memory_space<vmem>> -> memref<64xi32, #tpu.memory_space<vmem>>
    %dma_wait3A_574 = arith.constant 0 : i32
    %dma_wait3A_575 = arith.constant 0 : i32
    %dma_wait3A_576 = tpu.memref_slice %arg6[%dma_wait3A_574, %dma_wait3A_575] : memref<100000x128xf32, #tpu.memory_space<hbm>> -> memref<100000x128xf32, #tpu.memory_space<hbm>>
    tpu.wait_indirect_dma semaphore(%arg25 : memref<!tpu.dma_semaphore, #tpu.memory_space<semaphore_mem>>) src(%dma_wait3A_576 : memref<100000x128xf32, #tpu.memory_space<hbm>>) dst(%dma_wait3A_571 : memref<64x128xf32, #tpu.memory_space<vmem>>)
    %add3A_577 = arith.constant 384 : i32
    %add3A_578 = arith.addi %mul3A_336, %add3A_577 : i32
    %dma_start3A_579 = arith.constant 0 : i32
    %dma_start3A_580 = arith.constant 0 : i32
    %dma_start3A_581 = tpu.memref_slice %arg15[%dma_start3A_579, %dma_start3A_580] : memref<64x128xf32, #tpu.memory_space<vmem>> -> memref<64x128xf32, #tpu.memory_space<vmem>>
    %dma_start3A_582 = arith.constant 0 : i32
    %dma_start3A_583 = tpu.memref_slice %arg8[%add3A_578, %dma_start3A_582] : memref<16384x128xf32, #tpu.memory_space<hbm>> -> memref<64x128xf32, #tpu.memory_space<hbm>>
    %dma_start3A_584 = arith.constant 0 : i32
    %dma_start3A_585 = tpu.memref_slice %arg8[%add3A_578, %dma_start3A_584] : memref<16384x128xf32, #tpu.memory_space<hbm>> -> memref<64x128xf32, #tpu.memory_space<hbm>>
    %dma_start3A_586 = arith.constant 0 : i32
    %dma_start3A_587 = arith.constant 0 : i32
    %dma_start3A_588 = tpu.memref_slice %arg15[%dma_start3A_586, %dma_start3A_587] : memref<64x128xf32, #tpu.memory_space<vmem>> -> memref<64x128xf32, #tpu.memory_space<vmem>>
    tpu.enqueue_dma source(%dma_start3A_588 : memref<64x128xf32, #tpu.memory_space<vmem>>) target(%dma_start3A_585 : memref<64x128xf32, #tpu.memory_space<hbm>>) target_semaphore(%arg35 : memref<!tpu.dma_semaphore, #tpu.memory_space<semaphore_mem>>)
    %dma_wait3A_589 = arith.constant 0 : i32
    %dma_wait3A_590 = arith.constant 0 : i32
    %dma_wait3A_591 = tpu.memref_slice %arg16[%dma_wait3A_589, %dma_wait3A_590] : memref<64x128xf32, #tpu.memory_space<vmem>> -> memref<64x128xf32, #tpu.memory_space<vmem>>
    %dma_wait3A_592 = arith.constant 448 : i32
    %dma_wait3A_593 = tpu.memref_slice %arg11[%dma_wait3A_592] : memref<512xi32, #tpu.memory_space<vmem>> -> memref<64xi32, #tpu.memory_space<vmem>>
    %dma_wait3A_594 = arith.constant 0 : i32
    %dma_wait3A_595 = arith.constant 0 : i32
    %dma_wait3A_596 = tpu.memref_slice %arg6[%dma_wait3A_594, %dma_wait3A_595] : memref<100000x128xf32, #tpu.memory_space<hbm>> -> memref<100000x128xf32, #tpu.memory_space<hbm>>
    tpu.wait_indirect_dma semaphore(%arg26 : memref<!tpu.dma_semaphore, #tpu.memory_space<semaphore_mem>>) src(%dma_wait3A_596 : memref<100000x128xf32, #tpu.memory_space<hbm>>) dst(%dma_wait3A_591 : memref<64x128xf32, #tpu.memory_space<vmem>>)
    %add3A_597 = arith.constant 448 : i32
    %add3A_598 = arith.addi %mul3A_336, %add3A_597 : i32
    %dma_start3A_599 = arith.constant 0 : i32
    %dma_start3A_600 = arith.constant 0 : i32
    %dma_start3A_601 = tpu.memref_slice %arg16[%dma_start3A_599, %dma_start3A_600] : memref<64x128xf32, #tpu.memory_space<vmem>> -> memref<64x128xf32, #tpu.memory_space<vmem>>
    %dma_start3A_602 = arith.constant 0 : i32
    %dma_start3A_603 = tpu.memref_slice %arg8[%add3A_598, %dma_start3A_602] : memref<16384x128xf32, #tpu.memory_space<hbm>> -> memref<64x128xf32, #tpu.memory_space<hbm>>
    %dma_start3A_604 = arith.constant 0 : i32
    %dma_start3A_605 = tpu.memref_slice %arg8[%add3A_598, %dma_start3A_604] : memref<16384x128xf32, #tpu.memory_space<hbm>> -> memref<64x128xf32, #tpu.memory_space<hbm>>
    %dma_start3A_606 = arith.constant 0 : i32
    %dma_start3A_607 = arith.constant 0 : i32
    %dma_start3A_608 = tpu.memref_slice %arg16[%dma_start3A_606, %dma_start3A_607] : memref<64x128xf32, #tpu.memory_space<vmem>> -> memref<64x128xf32, #tpu.memory_space<vmem>>
    tpu.enqueue_dma source(%dma_start3A_608 : memref<64x128xf32, #tpu.memory_space<vmem>>) target(%dma_start3A_605 : memref<64x128xf32, #tpu.memory_space<hbm>>) target_semaphore(%arg36 : memref<!tpu.dma_semaphore, #tpu.memory_space<semaphore_mem>>)
    %add3A_609 = arith.constant 256 : i32
    %add3A_610 = arith.addi %mul3A_336, %add3A_609 : i32
    %dma_wait3A_611 = arith.constant 0 : i32
    %dma_wait3A_612 = arith.constant 0 : i32
    %dma_wait3A_613 = tpu.memref_slice %arg13[%dma_wait3A_611, %dma_wait3A_612] : memref<64x128xf32, #tpu.memory_space<vmem>> -> memref<64x128xf32, #tpu.memory_space<vmem>>
    %dma_wait3A_614 = arith.constant 0 : i32
    %dma_wait3A_615 = tpu.memref_slice %arg8[%add3A_610, %dma_wait3A_614] : memref<16384x128xf32, #tpu.memory_space<hbm>> -> memref<64x128xf32, #tpu.memory_space<hbm>>
    %dma_wait3A_616 = arith.constant 0 : i32
    %dma_wait3A_617 = tpu.memref_slice %arg8[%add3A_610, %dma_wait3A_616] : memref<16384x128xf32, #tpu.memory_space<hbm>> -> memref<64x128xf32, #tpu.memory_space<hbm>>
    %dma_wait3A_618 = arith.constant 0 : i32
    %dma_wait3A_619 = arith.constant 0 : i32
    %dma_wait3A_620 = tpu.memref_slice %arg13[%dma_wait3A_618, %dma_wait3A_619] : memref<64x128xf32, #tpu.memory_space<vmem>> -> memref<64x128xf32, #tpu.memory_space<vmem>>
    tpu.wait_dma2 semaphore(%arg33 : memref<!tpu.dma_semaphore, #tpu.memory_space<semaphore_mem>>) src(%dma_wait3A_620 : memref<64x128xf32, #tpu.memory_space<vmem>>) dst(%dma_wait3A_617 : memref<64x128xf32, #tpu.memory_space<hbm>>)
    %add3A_621 = arith.constant 320 : i32
    %add3A_622 = arith.addi %mul3A_336, %add3A_621 : i32
    %dma_wait3A_623 = arith.constant 0 : i32
    %dma_wait3A_624 = arith.constant 0 : i32
    %dma_wait3A_625 = tpu.memref_slice %arg14[%dma_wait3A_623, %dma_wait3A_624] : memref<64x128xf32, #tpu.memory_space<vmem>> -> memref<64x128xf32, #tpu.memory_space<vmem>>
    %dma_wait3A_626 = arith.constant 0 : i32
    %dma_wait3A_627 = tpu.memref_slice %arg8[%add3A_622, %dma_wait3A_626] : memref<16384x128xf32, #tpu.memory_space<hbm>> -> memref<64x128xf32, #tpu.memory_space<hbm>>
    %dma_wait3A_628 = arith.constant 0 : i32
    %dma_wait3A_629 = tpu.memref_slice %arg8[%add3A_622, %dma_wait3A_628] : memref<16384x128xf32, #tpu.memory_space<hbm>> -> memref<64x128xf32, #tpu.memory_space<hbm>>
    %dma_wait3A_630 = arith.constant 0 : i32
    %dma_wait3A_631 = arith.constant 0 : i32
    %dma_wait3A_632 = tpu.memref_slice %arg14[%dma_wait3A_630, %dma_wait3A_631] : memref<64x128xf32, #tpu.memory_space<vmem>> -> memref<64x128xf32, #tpu.memory_space<vmem>>
    tpu.wait_dma2 semaphore(%arg34 : memref<!tpu.dma_semaphore, #tpu.memory_space<semaphore_mem>>) src(%dma_wait3A_632 : memref<64x128xf32, #tpu.memory_space<vmem>>) dst(%dma_wait3A_629 : memref<64x128xf32, #tpu.memory_space<hbm>>)
    %add3A_633 = arith.constant 384 : i32
    %add3A_634 = arith.addi %mul3A_336, %add3A_633 : i32
    %dma_wait3A_635 = arith.constant 0 : i32
    %dma_wait3A_636 = arith.constant 0 : i32
    %dma_wait3A_637 = tpu.memref_slice %arg15[%dma_wait3A_635, %dma_wait3A_636] : memref<64x128xf32, #tpu.memory_space<vmem>> -> memref<64x128xf32, #tpu.memory_space<vmem>>
    %dma_wait3A_638 = arith.constant 0 : i32
    %dma_wait3A_639 = tpu.memref_slice %arg8[%add3A_634, %dma_wait3A_638] : memref<16384x128xf32, #tpu.memory_space<hbm>> -> memref<64x128xf32, #tpu.memory_space<hbm>>
    %dma_wait3A_640 = arith.constant 0 : i32
    %dma_wait3A_641 = tpu.memref_slice %arg8[%add3A_634, %dma_wait3A_640] : memref<16384x128xf32, #tpu.memory_space<hbm>> -> memref<64x128xf32, #tpu.memory_space<hbm>>
    %dma_wait3A_642 = arith.constant 0 : i32
    %dma_wait3A_643 = arith.constant 0 : i32
    %dma_wait3A_644 = tpu.memref_slice %arg15[%dma_wait3A_642, %dma_wait3A_643] : memref<64x128xf32, #tpu.memory_space<vmem>> -> memref<64x128xf32, #tpu.memory_space<vmem>>
    tpu.wait_dma2 semaphore(%arg35 : memref<!tpu.dma_semaphore, #tpu.memory_space<semaphore_mem>>) src(%dma_wait3A_644 : memref<64x128xf32, #tpu.memory_space<vmem>>) dst(%dma_wait3A_641 : memref<64x128xf32, #tpu.memory_space<hbm>>)
    %add3A_645 = arith.constant 448 : i32
    %add3A_646 = arith.addi %mul3A_336, %add3A_645 : i32
    %dma_wait3A_647 = arith.constant 0 : i32
    %dma_wait3A_648 = arith.constant 0 : i32
    %dma_wait3A_649 = tpu.memref_slice %arg16[%dma_wait3A_647, %dma_wait3A_648] : memref<64x128xf32, #tpu.memory_space<vmem>> -> memref<64x128xf32, #tpu.memory_space<vmem>>
    %dma_wait3A_650 = arith.constant 0 : i32
    %dma_wait3A_651 = tpu.memref_slice %arg8[%add3A_646, %dma_wait3A_650] : memref<16384x128xf32, #tpu.memory_space<hbm>> -> memref<64x128xf32, #tpu.memory_space<hbm>>
    %dma_wait3A_652 = arith.constant 0 : i32
    %dma_wait3A_653 = tpu.memref_slice %arg8[%add3A_646, %dma_wait3A_652] : memref<16384x128xf32, #tpu.memory_space<hbm>> -> memref<64x128xf32, #tpu.memory_space<hbm>>
    %dma_wait3A_654 = arith.constant 0 : i32
    %dma_wait3A_655 = arith.constant 0 : i32
    %dma_wait3A_656 = tpu.memref_slice %arg16[%dma_wait3A_654, %dma_wait3A_655] : memref<64x128xf32, #tpu.memory_space<vmem>> -> memref<64x128xf32, #tpu.memory_space<vmem>>
    tpu.wait_dma2 semaphore(%arg36 : memref<!tpu.dma_semaphore, #tpu.memory_space<semaphore_mem>>) src(%dma_wait3A_656 : memref<64x128xf32, #tpu.memory_space<vmem>>) dst(%dma_wait3A_653 : memref<64x128xf32, #tpu.memory_space<hbm>>)
    %mul3A_657 = arith.constant 10240 : i32
    %mul3A_658 = arith.muli %add3A, %mul3A_657 : i32
    %dma_wait3A_659 = tpu.memref_slice %arg4[%mul3A_658] : memref<327680xi32, #tpu.memory_space<hbm>> -> memref<10240xi32, #tpu.memory_space<hbm>>
    %dma_wait3A_660 = tpu.memref_slice %arg4[%mul3A_658] : memref<327680xi32, #tpu.memory_space<hbm>> -> memref<10240xi32, #tpu.memory_space<hbm>>
    tpu.wait_dma2 semaphore(%arg38 : memref<!tpu.dma_semaphore, #tpu.memory_space<semaphore_mem>>) src(%dma_wait3A_660 : memref<10240xi32, #tpu.memory_space<hbm>>) dst(%arg12 : memref<10240xi32, #tpu.memory_space<vmem>>)
    %mul3A_661 = arith.constant 10240 : i32
    %mul3A_662 = arith.muli %add3A, %mul3A_661 : i32
    %dma_start3A_663 = arith.constant 0 : i32
    %dma_start3A_664 = arith.constant 0 : i32
    %dma_start3A_665 = tpu.memref_slice %arg13[%dma_start3A_663, %dma_start3A_664] : memref<64x128xf32, #tpu.memory_space<vmem>> -> memref<64x128xf32, #tpu.memory_space<vmem>>
    %dma_start3A_666 = arith.constant 0 : i32
    %dma_start3A_667 = tpu.memref_slice %arg12[%dma_start3A_666] : memref<10240xi32, #tpu.memory_space<vmem>> -> memref<64xi32, #tpu.memory_space<vmem>>
    %dma_start3A_668 = arith.constant 0 : i32
    %dma_start3A_669 = arith.constant 0 : i32
    %dma_start3A_670 = tpu.memref_slice %arg6[%dma_start3A_668, %dma_start3A_669] : memref<100000x128xf32, #tpu.memory_space<hbm>> -> memref<100000x128xf32, #tpu.memory_space<hbm>>
    tpu.enqueue_indirect_dma source(%dma_start3A_670 : memref<100000x128xf32, #tpu.memory_space<hbm>>) target(%dma_start3A_665 : memref<64x128xf32, #tpu.memory_space<vmem>>) offsets(%dma_start3A_667 : memref<64xi32, #tpu.memory_space<vmem>>) semaphore(%arg23 : memref<!tpu.dma_semaphore, #tpu.memory_space<semaphore_mem>>)
    %dma_start3A_671 = arith.constant 0 : i32
    %dma_start3A_672 = arith.constant 0 : i32
    %dma_start3A_673 = tpu.memref_slice %arg14[%dma_start3A_671, %dma_start3A_672] : memref<64x128xf32, #tpu.memory_space<vmem>> -> memref<64x128xf32, #tpu.memory_space<vmem>>
    %dma_start3A_674 = arith.constant 64 : i32
    %dma_start3A_675 = tpu.memref_slice %arg12[%dma_start3A_674] : memref<10240xi32, #tpu.memory_space<vmem>> -> memref<64xi32, #tpu.memory_space<vmem>>
    %dma_start3A_676 = arith.constant 0 : i32
    %dma_start3A_677 = arith.constant 0 : i32
    %dma_start3A_678 = tpu.memref_slice %arg6[%dma_start3A_676, %dma_start3A_677] : memref<100000x128xf32, #tpu.memory_space<hbm>> -> memref<100000x128xf32, #tpu.memory_space<hbm>>
    tpu.enqueue_indirect_dma source(%dma_start3A_678 : memref<100000x128xf32, #tpu.memory_space<hbm>>) target(%dma_start3A_673 : memref<64x128xf32, #tpu.memory_space<vmem>>) offsets(%dma_start3A_675 : memref<64xi32, #tpu.memory_space<vmem>>) semaphore(%arg24 : memref<!tpu.dma_semaphore, #tpu.memory_space<semaphore_mem>>)
    %dma_start3A_679 = arith.constant 0 : i32
    %dma_start3A_680 = arith.constant 0 : i32
    %dma_start3A_681 = tpu.memref_slice %arg15[%dma_start3A_679, %dma_start3A_680] : memref<64x128xf32, #tpu.memory_space<vmem>> -> memref<64x128xf32, #tpu.memory_space<vmem>>
    %dma_start3A_682 = arith.constant 128 : i32
    %dma_start3A_683 = tpu.memref_slice %arg12[%dma_start3A_682] : memref<10240xi32, #tpu.memory_space<vmem>> -> memref<64xi32, #tpu.memory_space<vmem>>
    %dma_start3A_684 = arith.constant 0 : i32
    %dma_start3A_685 = arith.constant 0 : i32
    %dma_start3A_686 = tpu.memref_slice %arg6[%dma_start3A_684, %dma_start3A_685] : memref<100000x128xf32, #tpu.memory_space<hbm>> -> memref<100000x128xf32, #tpu.memory_space<hbm>>
    tpu.enqueue_indirect_dma source(%dma_start3A_686 : memref<100000x128xf32, #tpu.memory_space<hbm>>) target(%dma_start3A_681 : memref<64x128xf32, #tpu.memory_space<vmem>>) offsets(%dma_start3A_683 : memref<64xi32, #tpu.memory_space<vmem>>) semaphore(%arg25 : memref<!tpu.dma_semaphore, #tpu.memory_space<semaphore_mem>>)
    %dma_start3A_687 = arith.constant 0 : i32
    %dma_start3A_688 = arith.constant 0 : i32
    %dma_start3A_689 = tpu.memref_slice %arg16[%dma_start3A_687, %dma_start3A_688] : memref<64x128xf32, #tpu.memory_space<vmem>> -> memref<64x128xf32, #tpu.memory_space<vmem>>
    %dma_start3A_690 = arith.constant 192 : i32
    %dma_start3A_691 = tpu.memref_slice %arg12[%dma_start3A_690] : memref<10240xi32, #tpu.memory_space<vmem>> -> memref<64xi32, #tpu.memory_space<vmem>>
    %dma_start3A_692 = arith.constant 0 : i32
    %dma_start3A_693 = arith.constant 0 : i32
    %dma_start3A_694 = tpu.memref_slice %arg6[%dma_start3A_692, %dma_start3A_693] : memref<100000x128xf32, #tpu.memory_space<hbm>> -> memref<100000x128xf32, #tpu.memory_space<hbm>>
    tpu.enqueue_indirect_dma source(%dma_start3A_694 : memref<100000x128xf32, #tpu.memory_space<hbm>>) target(%dma_start3A_689 : memref<64x128xf32, #tpu.memory_space<vmem>>) offsets(%dma_start3A_691 : memref<64xi32, #tpu.memory_space<vmem>>) semaphore(%arg26 : memref<!tpu.dma_semaphore, #tpu.memory_space<semaphore_mem>>)
    %dma_start3A_695 = arith.constant 0 : i32
    %dma_start3A_696 = arith.constant 0 : i32
    %dma_start3A_697 = tpu.memref_slice %arg17[%dma_start3A_695, %dma_start3A_696] : memref<64x128xf32, #tpu.memory_space<vmem>> -> memref<64x128xf32, #tpu.memory_space<vmem>>
    %dma_start3A_698 = arith.constant 256 : i32
    %dma_start3A_699 = tpu.memref_slice %arg12[%dma_start3A_698] : memref<10240xi32, #tpu.memory_space<vmem>> -> memref<64xi32, #tpu.memory_space<vmem>>
    %dma_start3A_700 = arith.constant 0 : i32
    %dma_start3A_701 = arith.constant 0 : i32
    %dma_start3A_702 = tpu.memref_slice %arg6[%dma_start3A_700, %dma_start3A_701] : memref<100000x128xf32, #tpu.memory_space<hbm>> -> memref<100000x128xf32, #tpu.memory_space<hbm>>
    tpu.enqueue_indirect_dma source(%dma_start3A_702 : memref<100000x128xf32, #tpu.memory_space<hbm>>) target(%dma_start3A_697 : memref<64x128xf32, #tpu.memory_space<vmem>>) offsets(%dma_start3A_699 : memref<64xi32, #tpu.memory_space<vmem>>) semaphore(%arg27 : memref<!tpu.dma_semaphore, #tpu.memory_space<semaphore_mem>>)
    %dma_start3A_703 = arith.constant 0 : i32
    %dma_start3A_704 = arith.constant 0 : i32
    %dma_start3A_705 = tpu.memref_slice %arg18[%dma_start3A_703, %dma_start3A_704] : memref<64x128xf32, #tpu.memory_space<vmem>> -> memref<64x128xf32, #tpu.memory_space<vmem>>
    %dma_start3A_706 = arith.constant 320 : i32
    %dma_start3A_707 = tpu.memref_slice %arg12[%dma_start3A_706] : memref<10240xi32, #tpu.memory_space<vmem>> -> memref<64xi32, #tpu.memory_space<vmem>>
    %dma_start3A_708 = arith.constant 0 : i32
    %dma_start3A_709 = arith.constant 0 : i32
    %dma_start3A_710 = tpu.memref_slice %arg6[%dma_start3A_708, %dma_start3A_709] : memref<100000x128xf32, #tpu.memory_space<hbm>> -> memref<100000x128xf32, #tpu.memory_space<hbm>>
    tpu.enqueue_indirect_dma source(%dma_start3A_710 : memref<100000x128xf32, #tpu.memory_space<hbm>>) target(%dma_start3A_705 : memref<64x128xf32, #tpu.memory_space<vmem>>) offsets(%dma_start3A_707 : memref<64xi32, #tpu.memory_space<vmem>>) semaphore(%arg28 : memref<!tpu.dma_semaphore, #tpu.memory_space<semaphore_mem>>)
    %dma_start3A_711 = arith.constant 0 : i32
    %dma_start3A_712 = arith.constant 0 : i32
    %dma_start3A_713 = tpu.memref_slice %arg19[%dma_start3A_711, %dma_start3A_712] : memref<64x128xf32, #tpu.memory_space<vmem>> -> memref<64x128xf32, #tpu.memory_space<vmem>>
    %dma_start3A_714 = arith.constant 384 : i32
    %dma_start3A_715 = tpu.memref_slice %arg12[%dma_start3A_714] : memref<10240xi32, #tpu.memory_space<vmem>> -> memref<64xi32, #tpu.memory_space<vmem>>
    %dma_start3A_716 = arith.constant 0 : i32
    %dma_start3A_717 = arith.constant 0 : i32
    %dma_start3A_718 = tpu.memref_slice %arg6[%dma_start3A_716, %dma_start3A_717] : memref<100000x128xf32, #tpu.memory_space<hbm>> -> memref<100000x128xf32, #tpu.memory_space<hbm>>
    tpu.enqueue_indirect_dma source(%dma_start3A_718 : memref<100000x128xf32, #tpu.memory_space<hbm>>) target(%dma_start3A_713 : memref<64x128xf32, #tpu.memory_space<vmem>>) offsets(%dma_start3A_715 : memref<64xi32, #tpu.memory_space<vmem>>) semaphore(%arg29 : memref<!tpu.dma_semaphore, #tpu.memory_space<semaphore_mem>>)
    %dma_start3A_719 = arith.constant 0 : i32
    %dma_start3A_720 = arith.constant 0 : i32
    %dma_start3A_721 = tpu.memref_slice %arg20[%dma_start3A_719, %dma_start3A_720] : memref<64x128xf32, #tpu.memory_space<vmem>> -> memref<64x128xf32, #tpu.memory_space<vmem>>
    %dma_start3A_722 = arith.constant 448 : i32
    %dma_start3A_723 = tpu.memref_slice %arg12[%dma_start3A_722] : memref<10240xi32, #tpu.memory_space<vmem>> -> memref<64xi32, #tpu.memory_space<vmem>>
    %dma_start3A_724 = arith.constant 0 : i32
    %dma_start3A_725 = arith.constant 0 : i32
    %dma_start3A_726 = tpu.memref_slice %arg6[%dma_start3A_724, %dma_start3A_725] : memref<100000x128xf32, #tpu.memory_space<hbm>> -> memref<100000x128xf32, #tpu.memory_space<hbm>>
    tpu.enqueue_indirect_dma source(%dma_start3A_726 : memref<100000x128xf32, #tpu.memory_space<hbm>>) target(%dma_start3A_721 : memref<64x128xf32, #tpu.memory_space<vmem>>) offsets(%dma_start3A_723 : memref<64xi32, #tpu.memory_space<vmem>>) semaphore(%arg30 : memref<!tpu.dma_semaphore, #tpu.memory_space<semaphore_mem>>)
    %dma_start3A_727 = arith.constant 0 : i32
    %dma_start3A_728 = arith.constant 0 : i32
    %dma_start3A_729 = tpu.memref_slice %arg21[%dma_start3A_727, %dma_start3A_728] : memref<64x128xf32, #tpu.memory_space<vmem>> -> memref<64x128xf32, #tpu.memory_space<vmem>>
    %dma_start3A_730 = arith.constant 512 : i32
    %dma_start3A_731 = tpu.memref_slice %arg12[%dma_start3A_730] : memref<10240xi32, #tpu.memory_space<vmem>> -> memref<64xi32, #tpu.memory_space<vmem>>
    %dma_start3A_732 = arith.constant 0 : i32
    %dma_start3A_733 = arith.constant 0 : i32
    %dma_start3A_734 = tpu.memref_slice %arg6[%dma_start3A_732, %dma_start3A_733] : memref<100000x128xf32, #tpu.memory_space<hbm>> -> memref<100000x128xf32, #tpu.memory_space<hbm>>
    tpu.enqueue_indirect_dma source(%dma_start3A_734 : memref<100000x128xf32, #tpu.memory_space<hbm>>) target(%dma_start3A_729 : memref<64x128xf32, #tpu.memory_space<vmem>>) offsets(%dma_start3A_731 : memref<64xi32, #tpu.memory_space<vmem>>) semaphore(%arg31 : memref<!tpu.dma_semaphore, #tpu.memory_space<semaphore_mem>>)
    %dma_start3A_735 = arith.constant 0 : i32
    %dma_start3A_736 = arith.constant 0 : i32
    %dma_start3A_737 = tpu.memref_slice %arg22[%dma_start3A_735, %dma_start3A_736] : memref<64x128xf32, #tpu.memory_space<vmem>> -> memref<64x128xf32, #tpu.memory_space<vmem>>
    %dma_start3A_738 = arith.constant 576 : i32
    %dma_start3A_739 = tpu.memref_slice %arg12[%dma_start3A_738] : memref<10240xi32, #tpu.memory_space<vmem>> -> memref<64xi32, #tpu.memory_space<vmem>>
    %dma_start3A_740 = arith.constant 0 : i32
    %dma_start3A_741 = arith.constant 0 : i32
    %dma_start3A_742 = tpu.memref_slice %arg6[%dma_start3A_740, %dma_start3A_741] : memref<100000x128xf32, #tpu.memory_space<hbm>> -> memref<100000x128xf32, #tpu.memory_space<hbm>>
    tpu.enqueue_indirect_dma source(%dma_start3A_742 : memref<100000x128xf32, #tpu.memory_space<hbm>>) target(%dma_start3A_737 : memref<64x128xf32, #tpu.memory_space<vmem>>) offsets(%dma_start3A_739 : memref<64xi32, #tpu.memory_space<vmem>>) semaphore(%arg32 : memref<!tpu.dma_semaphore, #tpu.memory_space<semaphore_mem>>)
    %dma_wait3A_743 = arith.constant 0 : i32
    %dma_wait3A_744 = arith.constant 0 : i32
    %dma_wait3A_745 = tpu.memref_slice %arg13[%dma_wait3A_743, %dma_wait3A_744] : memref<64x128xf32, #tpu.memory_space<vmem>> -> memref<64x128xf32, #tpu.memory_space<vmem>>
    %dma_wait3A_746 = arith.constant 0 : i32
    %dma_wait3A_747 = tpu.memref_slice %arg12[%dma_wait3A_746] : memref<10240xi32, #tpu.memory_space<vmem>> -> memref<64xi32, #tpu.memory_space<vmem>>
    %dma_wait3A_748 = arith.constant 0 : i32
    %dma_wait3A_749 = arith.constant 0 : i32
    %dma_wait3A_750 = tpu.memref_slice %arg6[%dma_wait3A_748, %dma_wait3A_749] : memref<100000x128xf32, #tpu.memory_space<hbm>> -> memref<100000x128xf32, #tpu.memory_space<hbm>>
    tpu.wait_indirect_dma semaphore(%arg23 : memref<!tpu.dma_semaphore, #tpu.memory_space<semaphore_mem>>) src(%dma_wait3A_750 : memref<100000x128xf32, #tpu.memory_space<hbm>>) dst(%dma_wait3A_745 : memref<64x128xf32, #tpu.memory_space<vmem>>)
    %add3A_751 = arith.constant 0 : i32
    %add3A_752 = arith.addi %mul3A_662, %add3A_751 : i32
    %dma_start3A_753 = arith.constant 0 : i32
    %dma_start3A_754 = arith.constant 0 : i32
    %dma_start3A_755 = tpu.memref_slice %arg13[%dma_start3A_753, %dma_start3A_754] : memref<64x128xf32, #tpu.memory_space<vmem>> -> memref<64x128xf32, #tpu.memory_space<vmem>>
    %dma_start3A_756 = arith.constant 0 : i32
    %dma_start3A_757 = tpu.memref_slice %arg9[%add3A_752, %dma_start3A_756] : memref<327680x128xf32, #tpu.memory_space<hbm>> -> memref<64x128xf32, #tpu.memory_space<hbm>>
    %dma_start3A_758 = arith.constant 0 : i32
    %dma_start3A_759 = tpu.memref_slice %arg9[%add3A_752, %dma_start3A_758] : memref<327680x128xf32, #tpu.memory_space<hbm>> -> memref<64x128xf32, #tpu.memory_space<hbm>>
    %dma_start3A_760 = arith.constant 0 : i32
    %dma_start3A_761 = arith.constant 0 : i32
    %dma_start3A_762 = tpu.memref_slice %arg13[%dma_start3A_760, %dma_start3A_761] : memref<64x128xf32, #tpu.memory_space<vmem>> -> memref<64x128xf32, #tpu.memory_space<vmem>>
    tpu.enqueue_dma source(%dma_start3A_762 : memref<64x128xf32, #tpu.memory_space<vmem>>) target(%dma_start3A_759 : memref<64x128xf32, #tpu.memory_space<hbm>>) target_semaphore(%arg33 : memref<!tpu.dma_semaphore, #tpu.memory_space<semaphore_mem>>)
    %add3A_763 = arith.constant 0 : i32
    %add3A_764 = arith.addi %mul3A_662, %add3A_763 : i32
    %dma_wait3A_765 = arith.constant 0 : i32
    %dma_wait3A_766 = arith.constant 0 : i32
    %dma_wait3A_767 = tpu.memref_slice %arg13[%dma_wait3A_765, %dma_wait3A_766] : memref<64x128xf32, #tpu.memory_space<vmem>> -> memref<64x128xf32, #tpu.memory_space<vmem>>
    %dma_wait3A_768 = arith.constant 0 : i32
    %dma_wait3A_769 = tpu.memref_slice %arg9[%add3A_764, %dma_wait3A_768] : memref<327680x128xf32, #tpu.memory_space<hbm>> -> memref<64x128xf32, #tpu.memory_space<hbm>>
    %dma_wait3A_770 = arith.constant 0 : i32
    %dma_wait3A_771 = tpu.memref_slice %arg9[%add3A_764, %dma_wait3A_770] : memref<327680x128xf32, #tpu.memory_space<hbm>> -> memref<64x128xf32, #tpu.memory_space<hbm>>
    %dma_wait3A_772 = arith.constant 0 : i32
    %dma_wait3A_773 = arith.constant 0 : i32
    %dma_wait3A_774 = tpu.memref_slice %arg13[%dma_wait3A_772, %dma_wait3A_773] : memref<64x128xf32, #tpu.memory_space<vmem>> -> memref<64x128xf32, #tpu.memory_space<vmem>>
    tpu.wait_dma2 semaphore(%arg33 : memref<!tpu.dma_semaphore, #tpu.memory_space<semaphore_mem>>) src(%dma_wait3A_774 : memref<64x128xf32, #tpu.memory_space<vmem>>) dst(%dma_wait3A_771 : memref<64x128xf32, #tpu.memory_space<hbm>>)
    %dma_start3A_775 = arith.constant 0 : i32
    %dma_start3A_776 = arith.constant 0 : i32
    %dma_start3A_777 = tpu.memref_slice %arg13[%dma_start3A_775, %dma_start3A_776] : memref<64x128xf32, #tpu.memory_space<vmem>> -> memref<64x128xf32, #tpu.memory_space<vmem>>
    %dma_start3A_778 = arith.constant 640 : i32
    %dma_start3A_779 = tpu.memref_slice %arg12[%dma_start3A_778] : memref<10240xi32, #tpu.memory_space<vmem>> -> memref<64xi32, #tpu.memory_space<vmem>>
    %dma_start3A_780 = arith.constant 0 : i32
    %dma_start3A_781 = arith.constant 0 : i32
    %dma_start3A_782 = tpu.memref_slice %arg6[%dma_start3A_780, %dma_start3A_781] : memref<100000x128xf32, #tpu.memory_space<hbm>> -> memref<100000x128xf32, #tpu.memory_space<hbm>>
    tpu.enqueue_indirect_dma source(%dma_start3A_782 : memref<100000x128xf32, #tpu.memory_space<hbm>>) target(%dma_start3A_777 : memref<64x128xf32, #tpu.memory_space<vmem>>) offsets(%dma_start3A_779 : memref<64xi32, #tpu.memory_space<vmem>>) semaphore(%arg23 : memref<!tpu.dma_semaphore, #tpu.memory_space<semaphore_mem>>)
    %dma_wait3A_783 = arith.constant 0 : i32
    %dma_wait3A_784 = arith.constant 0 : i32
    %dma_wait3A_785 = tpu.memref_slice %arg14[%dma_wait3A_783, %dma_wait3A_784] : memref<64x128xf32, #tpu.memory_space<vmem>> -> memref<64x128xf32, #tpu.memory_space<vmem>>
    %dma_wait3A_786 = arith.constant 64 : i32
    %dma_wait3A_787 = tpu.memref_slice %arg12[%dma_wait3A_786] : memref<10240xi32, #tpu.memory_space<vmem>> -> memref<64xi32, #tpu.memory_space<vmem>>
    %dma_wait3A_788 = arith.constant 0 : i32
    %dma_wait3A_789 = arith.constant 0 : i32
    %dma_wait3A_790 = tpu.memref_slice %arg6[%dma_wait3A_788, %dma_wait3A_789] : memref<100000x128xf32, #tpu.memory_space<hbm>> -> memref<100000x128xf32, #tpu.memory_space<hbm>>
    tpu.wait_indirect_dma semaphore(%arg24 : memref<!tpu.dma_semaphore, #tpu.memory_space<semaphore_mem>>) src(%dma_wait3A_790 : memref<100000x128xf32, #tpu.memory_space<hbm>>) dst(%dma_wait3A_785 : memref<64x128xf32, #tpu.memory_space<vmem>>)
    %add3A_791 = arith.constant 64 : i32
    %add3A_792 = arith.addi %mul3A_662, %add3A_791 : i32
    %dma_start3A_793 = arith.constant 0 : i32
    %dma_start3A_794 = arith.constant 0 : i32
    %dma_start3A_795 = tpu.memref_slice %arg14[%dma_start3A_793, %dma_start3A_794] : memref<64x128xf32, #tpu.memory_space<vmem>> -> memref<64x128xf32, #tpu.memory_space<vmem>>
    %dma_start3A_796 = arith.constant 0 : i32
    %dma_start3A_797 = tpu.memref_slice %arg9[%add3A_792, %dma_start3A_796] : memref<327680x128xf32, #tpu.memory_space<hbm>> -> memref<64x128xf32, #tpu.memory_space<hbm>>
    %dma_start3A_798 = arith.constant 0 : i32
    %dma_start3A_799 = tpu.memref_slice %arg9[%add3A_792, %dma_start3A_798] : memref<327680x128xf32, #tpu.memory_space<hbm>> -> memref<64x128xf32, #tpu.memory_space<hbm>>
    %dma_start3A_800 = arith.constant 0 : i32
    %dma_start3A_801 = arith.constant 0 : i32
    %dma_start3A_802 = tpu.memref_slice %arg14[%dma_start3A_800, %dma_start3A_801] : memref<64x128xf32, #tpu.memory_space<vmem>> -> memref<64x128xf32, #tpu.memory_space<vmem>>
    tpu.enqueue_dma source(%dma_start3A_802 : memref<64x128xf32, #tpu.memory_space<vmem>>) target(%dma_start3A_799 : memref<64x128xf32, #tpu.memory_space<hbm>>) target_semaphore(%arg34 : memref<!tpu.dma_semaphore, #tpu.memory_space<semaphore_mem>>)
    %add3A_803 = arith.constant 64 : i32
    %add3A_804 = arith.addi %mul3A_662, %add3A_803 : i32
    %dma_wait3A_805 = arith.constant 0 : i32
    %dma_wait3A_806 = arith.constant 0 : i32
    %dma_wait3A_807 = tpu.memref_slice %arg14[%dma_wait3A_805, %dma_wait3A_806] : memref<64x128xf32, #tpu.memory_space<vmem>> -> memref<64x128xf32, #tpu.memory_space<vmem>>
    %dma_wait3A_808 = arith.constant 0 : i32
    %dma_wait3A_809 = tpu.memref_slice %arg9[%add3A_804, %dma_wait3A_808] : memref<327680x128xf32, #tpu.memory_space<hbm>> -> memref<64x128xf32, #tpu.memory_space<hbm>>
    %dma_wait3A_810 = arith.constant 0 : i32
    %dma_wait3A_811 = tpu.memref_slice %arg9[%add3A_804, %dma_wait3A_810] : memref<327680x128xf32, #tpu.memory_space<hbm>> -> memref<64x128xf32, #tpu.memory_space<hbm>>
    %dma_wait3A_812 = arith.constant 0 : i32
    %dma_wait3A_813 = arith.constant 0 : i32
    %dma_wait3A_814 = tpu.memref_slice %arg14[%dma_wait3A_812, %dma_wait3A_813] : memref<64x128xf32, #tpu.memory_space<vmem>> -> memref<64x128xf32, #tpu.memory_space<vmem>>
    tpu.wait_dma2 semaphore(%arg34 : memref<!tpu.dma_semaphore, #tpu.memory_space<semaphore_mem>>) src(%dma_wait3A_814 : memref<64x128xf32, #tpu.memory_space<vmem>>) dst(%dma_wait3A_811 : memref<64x128xf32, #tpu.memory_space<hbm>>)
    %dma_start3A_815 = arith.constant 0 : i32
    %dma_start3A_816 = arith.constant 0 : i32
    %dma_start3A_817 = tpu.memref_slice %arg14[%dma_start3A_815, %dma_start3A_816] : memref<64x128xf32, #tpu.memory_space<vmem>> -> memref<64x128xf32, #tpu.memory_space<vmem>>
    %dma_start3A_818 = arith.constant 704 : i32
    %dma_start3A_819 = tpu.memref_slice %arg12[%dma_start3A_818] : memref<10240xi32, #tpu.memory_space<vmem>> -> memref<64xi32, #tpu.memory_space<vmem>>
    %dma_start3A_820 = arith.constant 0 : i32
    %dma_start3A_821 = arith.constant 0 : i32
    %dma_start3A_822 = tpu.memref_slice %arg6[%dma_start3A_820, %dma_start3A_821] : memref<100000x128xf32, #tpu.memory_space<hbm>> -> memref<100000x128xf32, #tpu.memory_space<hbm>>
    tpu.enqueue_indirect_dma source(%dma_start3A_822 : memref<100000x128xf32, #tpu.memory_space<hbm>>) target(%dma_start3A_817 : memref<64x128xf32, #tpu.memory_space<vmem>>) offsets(%dma_start3A_819 : memref<64xi32, #tpu.memory_space<vmem>>) semaphore(%arg24 : memref<!tpu.dma_semaphore, #tpu.memory_space<semaphore_mem>>)
    %dma_wait3A_823 = arith.constant 0 : i32
    %dma_wait3A_824 = arith.constant 0 : i32
    %dma_wait3A_825 = tpu.memref_slice %arg15[%dma_wait3A_823, %dma_wait3A_824] : memref<64x128xf32, #tpu.memory_space<vmem>> -> memref<64x128xf32, #tpu.memory_space<vmem>>
    %dma_wait3A_826 = arith.constant 128 : i32
    %dma_wait3A_827 = tpu.memref_slice %arg12[%dma_wait3A_826] : memref<10240xi32, #tpu.memory_space<vmem>> -> memref<64xi32, #tpu.memory_space<vmem>>
    %dma_wait3A_828 = arith.constant 0 : i32
    %dma_wait3A_829 = arith.constant 0 : i32
    %dma_wait3A_830 = tpu.memref_slice %arg6[%dma_wait3A_828, %dma_wait3A_829] : memref<100000x128xf32, #tpu.memory_space<hbm>> -> memref<100000x128xf32, #tpu.memory_space<hbm>>
    tpu.wait_indirect_dma semaphore(%arg25 : memref<!tpu.dma_semaphore, #tpu.memory_space<semaphore_mem>>) src(%dma_wait3A_830 : memref<100000x128xf32, #tpu.memory_space<hbm>>) dst(%dma_wait3A_825 : memref<64x128xf32, #tpu.memory_space<vmem>>)
    %add3A_831 = arith.constant 128 : i32
    %add3A_832 = arith.addi %mul3A_662, %add3A_831 : i32
    %dma_start3A_833 = arith.constant 0 : i32
    %dma_start3A_834 = arith.constant 0 : i32
    %dma_start3A_835 = tpu.memref_slice %arg15[%dma_start3A_833, %dma_start3A_834] : memref<64x128xf32, #tpu.memory_space<vmem>> -> memref<64x128xf32, #tpu.memory_space<vmem>>
    %dma_start3A_836 = arith.constant 0 : i32
    %dma_start3A_837 = tpu.memref_slice %arg9[%add3A_832, %dma_start3A_836] : memref<327680x128xf32, #tpu.memory_space<hbm>> -> memref<64x128xf32, #tpu.memory_space<hbm>>
    %dma_start3A_838 = arith.constant 0 : i32
    %dma_start3A_839 = tpu.memref_slice %arg9[%add3A_832, %dma_start3A_838] : memref<327680x128xf32, #tpu.memory_space<hbm>> -> memref<64x128xf32, #tpu.memory_space<hbm>>
    %dma_start3A_840 = arith.constant 0 : i32
    %dma_start3A_841 = arith.constant 0 : i32
    %dma_start3A_842 = tpu.memref_slice %arg15[%dma_start3A_840, %dma_start3A_841] : memref<64x128xf32, #tpu.memory_space<vmem>> -> memref<64x128xf32, #tpu.memory_space<vmem>>
    tpu.enqueue_dma source(%dma_start3A_842 : memref<64x128xf32, #tpu.memory_space<vmem>>) target(%dma_start3A_839 : memref<64x128xf32, #tpu.memory_space<hbm>>) target_semaphore(%arg35 : memref<!tpu.dma_semaphore, #tpu.memory_space<semaphore_mem>>)
    %add3A_843 = arith.constant 128 : i32
    %add3A_844 = arith.addi %mul3A_662, %add3A_843 : i32
    %dma_wait3A_845 = arith.constant 0 : i32
    %dma_wait3A_846 = arith.constant 0 : i32
    %dma_wait3A_847 = tpu.memref_slice %arg15[%dma_wait3A_845, %dma_wait3A_846] : memref<64x128xf32, #tpu.memory_space<vmem>> -> memref<64x128xf32, #tpu.memory_space<vmem>>
    %dma_wait3A_848 = arith.constant 0 : i32
    %dma_wait3A_849 = tpu.memref_slice %arg9[%add3A_844, %dma_wait3A_848] : memref<327680x128xf32, #tpu.memory_space<hbm>> -> memref<64x128xf32, #tpu.memory_space<hbm>>
    %dma_wait3A_850 = arith.constant 0 : i32
    %dma_wait3A_851 = tpu.memref_slice %arg9[%add3A_844, %dma_wait3A_850] : memref<327680x128xf32, #tpu.memory_space<hbm>> -> memref<64x128xf32, #tpu.memory_space<hbm>>
    %dma_wait3A_852 = arith.constant 0 : i32
    %dma_wait3A_853 = arith.constant 0 : i32
    %dma_wait3A_854 = tpu.memref_slice %arg15[%dma_wait3A_852, %dma_wait3A_853] : memref<64x128xf32, #tpu.memory_space<vmem>> -> memref<64x128xf32, #tpu.memory_space<vmem>>
    tpu.wait_dma2 semaphore(%arg35 : memref<!tpu.dma_semaphore, #tpu.memory_space<semaphore_mem>>) src(%dma_wait3A_854 : memref<64x128xf32, #tpu.memory_space<vmem>>) dst(%dma_wait3A_851 : memref<64x128xf32, #tpu.memory_space<hbm>>)
    %dma_start3A_855 = arith.constant 0 : i32
    %dma_start3A_856 = arith.constant 0 : i32
    %dma_start3A_857 = tpu.memref_slice %arg15[%dma_start3A_855, %dma_start3A_856] : memref<64x128xf32, #tpu.memory_space<vmem>> -> memref<64x128xf32, #tpu.memory_space<vmem>>
    %dma_start3A_858 = arith.constant 768 : i32
    %dma_start3A_859 = tpu.memref_slice %arg12[%dma_start3A_858] : memref<10240xi32, #tpu.memory_space<vmem>> -> memref<64xi32, #tpu.memory_space<vmem>>
    %dma_start3A_860 = arith.constant 0 : i32
    %dma_start3A_861 = arith.constant 0 : i32
    %dma_start3A_862 = tpu.memref_slice %arg6[%dma_start3A_860, %dma_start3A_861] : memref<100000x128xf32, #tpu.memory_space<hbm>> -> memref<100000x128xf32, #tpu.memory_space<hbm>>
    tpu.enqueue_indirect_dma source(%dma_start3A_862 : memref<100000x128xf32, #tpu.memory_space<hbm>>) target(%dma_start3A_857 : memref<64x128xf32, #tpu.memory_space<vmem>>) offsets(%dma_start3A_859 : memref<64xi32, #tpu.memory_space<vmem>>) semaphore(%arg25 : memref<!tpu.dma_semaphore, #tpu.memory_space<semaphore_mem>>)
    %dma_wait3A_863 = arith.constant 0 : i32
    %dma_wait3A_864 = arith.constant 0 : i32
    %dma_wait3A_865 = tpu.memref_slice %arg16[%dma_wait3A_863, %dma_wait3A_864] : memref<64x128xf32, #tpu.memory_space<vmem>> -> memref<64x128xf32, #tpu.memory_space<vmem>>
    %dma_wait3A_866 = arith.constant 192 : i32
    %dma_wait3A_867 = tpu.memref_slice %arg12[%dma_wait3A_866] : memref<10240xi32, #tpu.memory_space<vmem>> -> memref<64xi32, #tpu.memory_space<vmem>>
    %dma_wait3A_868 = arith.constant 0 : i32
    %dma_wait3A_869 = arith.constant 0 : i32
    %dma_wait3A_870 = tpu.memref_slice %arg6[%dma_wait3A_868, %dma_wait3A_869] : memref<100000x128xf32, #tpu.memory_space<hbm>> -> memref<100000x128xf32, #tpu.memory_space<hbm>>
    tpu.wait_indirect_dma semaphore(%arg26 : memref<!tpu.dma_semaphore, #tpu.memory_space<semaphore_mem>>) src(%dma_wait3A_870 : memref<100000x128xf32, #tpu.memory_space<hbm>>) dst(%dma_wait3A_865 : memref<64x128xf32, #tpu.memory_space<vmem>>)
    %add3A_871 = arith.constant 192 : i32
    %add3A_872 = arith.addi %mul3A_662, %add3A_871 : i32
    %dma_start3A_873 = arith.constant 0 : i32
    %dma_start3A_874 = arith.constant 0 : i32
    %dma_start3A_875 = tpu.memref_slice %arg16[%dma_start3A_873, %dma_start3A_874] : memref<64x128xf32, #tpu.memory_space<vmem>> -> memref<64x128xf32, #tpu.memory_space<vmem>>
    %dma_start3A_876 = arith.constant 0 : i32
    %dma_start3A_877 = tpu.memref_slice %arg9[%add3A_872, %dma_start3A_876] : memref<327680x128xf32, #tpu.memory_space<hbm>> -> memref<64x128xf32, #tpu.memory_space<hbm>>
    %dma_start3A_878 = arith.constant 0 : i32
    %dma_start3A_879 = tpu.memref_slice %arg9[%add3A_872, %dma_start3A_878] : memref<327680x128xf32, #tpu.memory_space<hbm>> -> memref<64x128xf32, #tpu.memory_space<hbm>>
    %dma_start3A_880 = arith.constant 0 : i32
    %dma_start3A_881 = arith.constant 0 : i32
    %dma_start3A_882 = tpu.memref_slice %arg16[%dma_start3A_880, %dma_start3A_881] : memref<64x128xf32, #tpu.memory_space<vmem>> -> memref<64x128xf32, #tpu.memory_space<vmem>>
    tpu.enqueue_dma source(%dma_start3A_882 : memref<64x128xf32, #tpu.memory_space<vmem>>) target(%dma_start3A_879 : memref<64x128xf32, #tpu.memory_space<hbm>>) target_semaphore(%arg36 : memref<!tpu.dma_semaphore, #tpu.memory_space<semaphore_mem>>)
    %add3A_883 = arith.constant 192 : i32
    %add3A_884 = arith.addi %mul3A_662, %add3A_883 : i32
    %dma_wait3A_885 = arith.constant 0 : i32
    %dma_wait3A_886 = arith.constant 0 : i32
    %dma_wait3A_887 = tpu.memref_slice %arg16[%dma_wait3A_885, %dma_wait3A_886] : memref<64x128xf32, #tpu.memory_space<vmem>> -> memref<64x128xf32, #tpu.memory_space<vmem>>
    %dma_wait3A_888 = arith.constant 0 : i32
    %dma_wait3A_889 = tpu.memref_slice %arg9[%add3A_884, %dma_wait3A_888] : memref<327680x128xf32, #tpu.memory_space<hbm>> -> memref<64x128xf32, #tpu.memory_space<hbm>>
    %dma_wait3A_890 = arith.constant 0 : i32
    %dma_wait3A_891 = tpu.memref_slice %arg9[%add3A_884, %dma_wait3A_890] : memref<327680x128xf32, #tpu.memory_space<hbm>> -> memref<64x128xf32, #tpu.memory_space<hbm>>
    %dma_wait3A_892 = arith.constant 0 : i32
    %dma_wait3A_893 = arith.constant 0 : i32
    %dma_wait3A_894 = tpu.memref_slice %arg16[%dma_wait3A_892, %dma_wait3A_893] : memref<64x128xf32, #tpu.memory_space<vmem>> -> memref<64x128xf32, #tpu.memory_space<vmem>>
    tpu.wait_dma2 semaphore(%arg36 : memref<!tpu.dma_semaphore, #tpu.memory_space<semaphore_mem>>) src(%dma_wait3A_894 : memref<64x128xf32, #tpu.memory_space<vmem>>) dst(%dma_wait3A_891 : memref<64x128xf32, #tpu.memory_space<hbm>>)
    %dma_start3A_895 = arith.constant 0 : i32
    %dma_start3A_896 = arith.constant 0 : i32
    %dma_start3A_897 = tpu.memref_slice %arg16[%dma_start3A_895, %dma_start3A_896] : memref<64x128xf32, #tpu.memory_space<vmem>> -> memref<64x128xf32, #tpu.memory_space<vmem>>
    %dma_start3A_898 = arith.constant 832 : i32
    %dma_start3A_899 = tpu.memref_slice %arg12[%dma_start3A_898] : memref<10240xi32, #tpu.memory_space<vmem>> -> memref<64xi32, #tpu.memory_space<vmem>>
    %dma_start3A_900 = arith.constant 0 : i32
    %dma_start3A_901 = arith.constant 0 : i32
    %dma_start3A_902 = tpu.memref_slice %arg6[%dma_start3A_900, %dma_start3A_901] : memref<100000x128xf32, #tpu.memory_space<hbm>> -> memref<100000x128xf32, #tpu.memory_space<hbm>>
    tpu.enqueue_indirect_dma source(%dma_start3A_902 : memref<100000x128xf32, #tpu.memory_space<hbm>>) target(%dma_start3A_897 : memref<64x128xf32, #tpu.memory_space<vmem>>) offsets(%dma_start3A_899 : memref<64xi32, #tpu.memory_space<vmem>>) semaphore(%arg26 : memref<!tpu.dma_semaphore, #tpu.memory_space<semaphore_mem>>)
    %dma_wait3A_903 = arith.constant 0 : i32
    %dma_wait3A_904 = arith.constant 0 : i32
    %dma_wait3A_905 = tpu.memref_slice %arg17[%dma_wait3A_903, %dma_wait3A_904] : memref<64x128xf32, #tpu.memory_space<vmem>> -> memref<64x128xf32, #tpu.memory_space<vmem>>
    %dma_wait3A_906 = arith.constant 256 : i32
    %dma_wait3A_907 = tpu.memref_slice %arg12[%dma_wait3A_906] : memref<10240xi32, #tpu.memory_space<vmem>> -> memref<64xi32, #tpu.memory_space<vmem>>
    %dma_wait3A_908 = arith.constant 0 : i32
    %dma_wait3A_909 = arith.constant 0 : i32
    %dma_wait3A_910 = tpu.memref_slice %arg6[%dma_wait3A_908, %dma_wait3A_909] : memref<100000x128xf32, #tpu.memory_space<hbm>> -> memref<100000x128xf32, #tpu.memory_space<hbm>>
    tpu.wait_indirect_dma semaphore(%arg27 : memref<!tpu.dma_semaphore, #tpu.memory_space<semaphore_mem>>) src(%dma_wait3A_910 : memref<100000x128xf32, #tpu.memory_space<hbm>>) dst(%dma_wait3A_905 : memref<64x128xf32, #tpu.memory_space<vmem>>)
    %add3A_911 = arith.constant 256 : i32
    %add3A_912 = arith.addi %mul3A_662, %add3A_911 : i32
    %dma_start3A_913 = arith.constant 0 : i32
    %dma_start3A_914 = arith.constant 0 : i32
    %dma_start3A_915 = tpu.memref_slice %arg17[%dma_start3A_913, %dma_start3A_914] : memref<64x128xf32, #tpu.memory_space<vmem>> -> memref<64x128xf32, #tpu.memory_space<vmem>>
    %dma_start3A_916 = arith.constant 0 : i32
    %dma_start3A_917 = tpu.memref_slice %arg9[%add3A_912, %dma_start3A_916] : memref<327680x128xf32, #tpu.memory_space<hbm>> -> memref<64x128xf32, #tpu.memory_space<hbm>>
    %dma_start3A_918 = arith.constant 0 : i32
    %dma_start3A_919 = tpu.memref_slice %arg9[%add3A_912, %dma_start3A_918] : memref<327680x128xf32, #tpu.memory_space<hbm>> -> memref<64x128xf32, #tpu.memory_space<hbm>>
    %dma_start3A_920 = arith.constant 0 : i32
    %dma_start3A_921 = arith.constant 0 : i32
    %dma_start3A_922 = tpu.memref_slice %arg17[%dma_start3A_920, %dma_start3A_921] : memref<64x128xf32, #tpu.memory_space<vmem>> -> memref<64x128xf32, #tpu.memory_space<vmem>>
    tpu.enqueue_dma source(%dma_start3A_922 : memref<64x128xf32, #tpu.memory_space<vmem>>) target(%dma_start3A_919 : memref<64x128xf32, #tpu.memory_space<hbm>>) target_semaphore(%arg37 : memref<!tpu.dma_semaphore, #tpu.memory_space<semaphore_mem>>)
    %add3A_923 = arith.constant 256 : i32
    %add3A_924 = arith.addi %mul3A_662, %add3A_923 : i32
    %dma_wait3A_925 = arith.constant 0 : i32
    %dma_wait3A_926 = arith.constant 0 : i32
    %dma_wait3A_927 = tpu.memref_slice %arg17[%dma_wait3A_925, %dma_wait3A_926] : memref<64x128xf32, #tpu.memory_space<vmem>> -> memref<64x128xf32, #tpu.memory_space<vmem>>
    %dma_wait3A_928 = arith.constant 0 : i32
    %dma_wait3A_929 = tpu.memref_slice %arg9[%add3A_924, %dma_wait3A_928] : memref<327680x128xf32, #tpu.memory_space<hbm>> -> memref<64x128xf32, #tpu.memory_space<hbm>>
    %dma_wait3A_930 = arith.constant 0 : i32
    %dma_wait3A_931 = tpu.memref_slice %arg9[%add3A_924, %dma_wait3A_930] : memref<327680x128xf32, #tpu.memory_space<hbm>> -> memref<64x128xf32, #tpu.memory_space<hbm>>
    %dma_wait3A_932 = arith.constant 0 : i32
    %dma_wait3A_933 = arith.constant 0 : i32
    %dma_wait3A_934 = tpu.memref_slice %arg17[%dma_wait3A_932, %dma_wait3A_933] : memref<64x128xf32, #tpu.memory_space<vmem>> -> memref<64x128xf32, #tpu.memory_space<vmem>>
    tpu.wait_dma2 semaphore(%arg37 : memref<!tpu.dma_semaphore, #tpu.memory_space<semaphore_mem>>) src(%dma_wait3A_934 : memref<64x128xf32, #tpu.memory_space<vmem>>) dst(%dma_wait3A_931 : memref<64x128xf32, #tpu.memory_space<hbm>>)
    %dma_start3A_935 = arith.constant 0 : i32
    %dma_start3A_936 = arith.constant 0 : i32
    %dma_start3A_937 = tpu.memref_slice %arg17[%dma_start3A_935, %dma_start3A_936] : memref<64x128xf32, #tpu.memory_space<vmem>> -> memref<64x128xf32, #tpu.memory_space<vmem>>
    %dma_start3A_938 = arith.constant 896 : i32
    %dma_start3A_939 = tpu.memref_slice %arg12[%dma_start3A_938] : memref<10240xi32, #tpu.memory_space<vmem>> -> memref<64xi32, #tpu.memory_space<vmem>>
    %dma_start3A_940 = arith.constant 0 : i32
    %dma_start3A_941 = arith.constant 0 : i32
    %dma_start3A_942 = tpu.memref_slice %arg6[%dma_start3A_940, %dma_start3A_941] : memref<100000x128xf32, #tpu.memory_space<hbm>> -> memref<100000x128xf32, #tpu.memory_space<hbm>>
    tpu.enqueue_indirect_dma source(%dma_start3A_942 : memref<100000x128xf32, #tpu.memory_space<hbm>>) target(%dma_start3A_937 : memref<64x128xf32, #tpu.memory_space<vmem>>) offsets(%dma_start3A_939 : memref<64xi32, #tpu.memory_space<vmem>>) semaphore(%arg27 : memref<!tpu.dma_semaphore, #tpu.memory_space<semaphore_mem>>)
    %dma_wait3A_943 = arith.constant 0 : i32
    %dma_wait3A_944 = arith.constant 0 : i32
    %dma_wait3A_945 = tpu.memref_slice %arg18[%dma_wait3A_943, %dma_wait3A_944] : memref<64x128xf32, #tpu.memory_space<vmem>> -> memref<64x128xf32, #tpu.memory_space<vmem>>
    %dma_wait3A_946 = arith.constant 320 : i32
    %dma_wait3A_947 = tpu.memref_slice %arg12[%dma_wait3A_946] : memref<10240xi32, #tpu.memory_space<vmem>> -> memref<64xi32, #tpu.memory_space<vmem>>
    %dma_wait3A_948 = arith.constant 0 : i32
    %dma_wait3A_949 = arith.constant 0 : i32
    %dma_wait3A_950 = tpu.memref_slice %arg6[%dma_wait3A_948, %dma_wait3A_949] : memref<100000x128xf32, #tpu.memory_space<hbm>> -> memref<100000x128xf32, #tpu.memory_space<hbm>>
    tpu.wait_indirect_dma semaphore(%arg28 : memref<!tpu.dma_semaphore, #tpu.memory_space<semaphore_mem>>) src(%dma_wait3A_950 : memref<100000x128xf32, #tpu.memory_space<hbm>>) dst(%dma_wait3A_945 : memref<64x128xf32, #tpu.memory_space<vmem>>)
    %add3A_951 = arith.constant 320 : i32
    %add3A_952 = arith.addi %mul3A_662, %add3A_951 : i32
    %dma_start3A_953 = arith.constant 0 : i32
    %dma_start3A_954 = arith.constant 0 : i32
    %dma_start3A_955 = tpu.memref_slice %arg18[%dma_start3A_953, %dma_start3A_954] : memref<64x128xf32, #tpu.memory_space<vmem>> -> memref<64x128xf32, #tpu.memory_space<vmem>>
    %dma_start3A_956 = arith.constant 0 : i32
    %dma_start3A_957 = tpu.memref_slice %arg9[%add3A_952, %dma_start3A_956] : memref<327680x128xf32, #tpu.memory_space<hbm>> -> memref<64x128xf32, #tpu.memory_space<hbm>>
    %dma_start3A_958 = arith.constant 0 : i32
    %dma_start3A_959 = tpu.memref_slice %arg9[%add3A_952, %dma_start3A_958] : memref<327680x128xf32, #tpu.memory_space<hbm>> -> memref<64x128xf32, #tpu.memory_space<hbm>>
    %dma_start3A_960 = arith.constant 0 : i32
    %dma_start3A_961 = arith.constant 0 : i32
    %dma_start3A_962 = tpu.memref_slice %arg18[%dma_start3A_960, %dma_start3A_961] : memref<64x128xf32, #tpu.memory_space<vmem>> -> memref<64x128xf32, #tpu.memory_space<vmem>>
    tpu.enqueue_dma source(%dma_start3A_962 : memref<64x128xf32, #tpu.memory_space<vmem>>) target(%dma_start3A_959 : memref<64x128xf32, #tpu.memory_space<hbm>>) target_semaphore(%arg38 : memref<!tpu.dma_semaphore, #tpu.memory_space<semaphore_mem>>)
    %add3A_963 = arith.constant 320 : i32
    %add3A_964 = arith.addi %mul3A_662, %add3A_963 : i32
    %dma_wait3A_965 = arith.constant 0 : i32
    %dma_wait3A_966 = arith.constant 0 : i32
    %dma_wait3A_967 = tpu.memref_slice %arg18[%dma_wait3A_965, %dma_wait3A_966] : memref<64x128xf32, #tpu.memory_space<vmem>> -> memref<64x128xf32, #tpu.memory_space<vmem>>
    %dma_wait3A_968 = arith.constant 0 : i32
    %dma_wait3A_969 = tpu.memref_slice %arg9[%add3A_964, %dma_wait3A_968] : memref<327680x128xf32, #tpu.memory_space<hbm>> -> memref<64x128xf32, #tpu.memory_space<hbm>>
    %dma_wait3A_970 = arith.constant 0 : i32
    %dma_wait3A_971 = tpu.memref_slice %arg9[%add3A_964, %dma_wait3A_970] : memref<327680x128xf32, #tpu.memory_space<hbm>> -> memref<64x128xf32, #tpu.memory_space<hbm>>
    %dma_wait3A_972 = arith.constant 0 : i32
    %dma_wait3A_973 = arith.constant 0 : i32
    %dma_wait3A_974 = tpu.memref_slice %arg18[%dma_wait3A_972, %dma_wait3A_973] : memref<64x128xf32, #tpu.memory_space<vmem>> -> memref<64x128xf32, #tpu.memory_space<vmem>>
    tpu.wait_dma2 semaphore(%arg38 : memref<!tpu.dma_semaphore, #tpu.memory_space<semaphore_mem>>) src(%dma_wait3A_974 : memref<64x128xf32, #tpu.memory_space<vmem>>) dst(%dma_wait3A_971 : memref<64x128xf32, #tpu.memory_space<hbm>>)
    %dma_start3A_975 = arith.constant 0 : i32
    %dma_start3A_976 = arith.constant 0 : i32
    %dma_start3A_977 = tpu.memref_slice %arg18[%dma_start3A_975, %dma_start3A_976] : memref<64x128xf32, #tpu.memory_space<vmem>> -> memref<64x128xf32, #tpu.memory_space<vmem>>
    %dma_start3A_978 = arith.constant 960 : i32
    %dma_start3A_979 = tpu.memref_slice %arg12[%dma_start3A_978] : memref<10240xi32, #tpu.memory_space<vmem>> -> memref<64xi32, #tpu.memory_space<vmem>>
    %dma_start3A_980 = arith.constant 0 : i32
    %dma_start3A_981 = arith.constant 0 : i32
    %dma_start3A_982 = tpu.memref_slice %arg6[%dma_start3A_980, %dma_start3A_981] : memref<100000x128xf32, #tpu.memory_space<hbm>> -> memref<100000x128xf32, #tpu.memory_space<hbm>>
    tpu.enqueue_indirect_dma source(%dma_start3A_982 : memref<100000x128xf32, #tpu.memory_space<hbm>>) target(%dma_start3A_977 : memref<64x128xf32, #tpu.memory_space<vmem>>) offsets(%dma_start3A_979 : memref<64xi32, #tpu.memory_space<vmem>>) semaphore(%arg28 : memref<!tpu.dma_semaphore, #tpu.memory_space<semaphore_mem>>)
    %dma_wait3A_983 = arith.constant 0 : i32
    %dma_wait3A_984 = arith.constant 0 : i32
    %dma_wait3A_985 = tpu.memref_slice %arg19[%dma_wait3A_983, %dma_wait3A_984] : memref<64x128xf32, #tpu.memory_space<vmem>> -> memref<64x128xf32, #tpu.memory_space<vmem>>
    %dma_wait3A_986 = arith.constant 384 : i32
    %dma_wait3A_987 = tpu.memref_slice %arg12[%dma_wait3A_986] : memref<10240xi32, #tpu.memory_space<vmem>> -> memref<64xi32, #tpu.memory_space<vmem>>
    %dma_wait3A_988 = arith.constant 0 : i32
    %dma_wait3A_989 = arith.constant 0 : i32
    %dma_wait3A_990 = tpu.memref_slice %arg6[%dma_wait3A_988, %dma_wait3A_989] : memref<100000x128xf32, #tpu.memory_space<hbm>> -> memref<100000x128xf32, #tpu.memory_space<hbm>>
    tpu.wait_indirect_dma semaphore(%arg29 : memref<!tpu.dma_semaphore, #tpu.memory_space<semaphore_mem>>) src(%dma_wait3A_990 : memref<100000x128xf32, #tpu.memory_space<hbm>>) dst(%dma_wait3A_985 : memref<64x128xf32, #tpu.memory_space<vmem>>)
    %add3A_991 = arith.constant 384 : i32
    %add3A_992 = arith.addi %mul3A_662, %add3A_991 : i32
    %dma_start3A_993 = arith.constant 0 : i32
    %dma_start3A_994 = arith.constant 0 : i32
    %dma_start3A_995 = tpu.memref_slice %arg19[%dma_start3A_993, %dma_start3A_994] : memref<64x128xf32, #tpu.memory_space<vmem>> -> memref<64x128xf32, #tpu.memory_space<vmem>>
    %dma_start3A_996 = arith.constant 0 : i32
    %dma_start3A_997 = tpu.memref_slice %arg9[%add3A_992, %dma_start3A_996] : memref<327680x128xf32, #tpu.memory_space<hbm>> -> memref<64x128xf32, #tpu.memory_space<hbm>>
    %dma_start3A_998 = arith.constant 0 : i32
    %dma_start3A_999 = tpu.memref_slice %arg9[%add3A_992, %dma_start3A_998] : memref<327680x128xf32, #tpu.memory_space<hbm>> -> memref<64x128xf32, #tpu.memory_space<hbm>>
    %dma_start3A_1000 = arith.constant 0 : i32
    %dma_start3A_1001 = arith.constant 0 : i32
    %dma_start3A_1002 = tpu.memref_slice %arg19[%dma_start3A_1000, %dma_start3A_1001] : memref<64x128xf32, #tpu.memory_space<vmem>> -> memref<64x128xf32, #tpu.memory_space<vmem>>
    tpu.enqueue_dma source(%dma_start3A_1002 : memref<64x128xf32, #tpu.memory_space<vmem>>) target(%dma_start3A_999 : memref<64x128xf32, #tpu.memory_space<hbm>>) target_semaphore(%arg39 : memref<!tpu.dma_semaphore, #tpu.memory_space<semaphore_mem>>)
    %add3A_1003 = arith.constant 384 : i32
    %add3A_1004 = arith.addi %mul3A_662, %add3A_1003 : i32
    %dma_wait3A_1005 = arith.constant 0 : i32
    %dma_wait3A_1006 = arith.constant 0 : i32
    %dma_wait3A_1007 = tpu.memref_slice %arg19[%dma_wait3A_1005, %dma_wait3A_1006] : memref<64x128xf32, #tpu.memory_space<vmem>> -> memref<64x128xf32, #tpu.memory_space<vmem>>
    %dma_wait3A_1008 = arith.constant 0 : i32
    %dma_wait3A_1009 = tpu.memref_slice %arg9[%add3A_1004, %dma_wait3A_1008] : memref<327680x128xf32, #tpu.memory_space<hbm>> -> memref<64x128xf32, #tpu.memory_space<hbm>>
    %dma_wait3A_1010 = arith.constant 0 : i32
    %dma_wait3A_1011 = tpu.memref_slice %arg9[%add3A_1004, %dma_wait3A_1010] : memref<327680x128xf32, #tpu.memory_space<hbm>> -> memref<64x128xf32, #tpu.memory_space<hbm>>
    %dma_wait3A_1012 = arith.constant 0 : i32
    %dma_wait3A_1013 = arith.constant 0 : i32
    %dma_wait3A_1014 = tpu.memref_slice %arg19[%dma_wait3A_1012, %dma_wait3A_1013] : memref<64x128xf32, #tpu.memory_space<vmem>> -> memref<64x128xf32, #tpu.memory_space<vmem>>
    tpu.wait_dma2 semaphore(%arg39 : memref<!tpu.dma_semaphore, #tpu.memory_space<semaphore_mem>>) src(%dma_wait3A_1014 : memref<64x128xf32, #tpu.memory_space<vmem>>) dst(%dma_wait3A_1011 : memref<64x128xf32, #tpu.memory_space<hbm>>)
    %dma_start3A_1015 = arith.constant 0 : i32
    %dma_start3A_1016 = arith.constant 0 : i32
    %dma_start3A_1017 = tpu.memref_slice %arg19[%dma_start3A_1015, %dma_start3A_1016] : memref<64x128xf32, #tpu.memory_space<vmem>> -> memref<64x128xf32, #tpu.memory_space<vmem>>
    %dma_start3A_1018 = arith.constant 1024 : i32
    %dma_start3A_1019 = tpu.memref_slice %arg12[%dma_start3A_1018] : memref<10240xi32, #tpu.memory_space<vmem>> -> memref<64xi32, #tpu.memory_space<vmem>>
    %dma_start3A_1020 = arith.constant 0 : i32
    %dma_start3A_1021 = arith.constant 0 : i32
    %dma_start3A_1022 = tpu.memref_slice %arg6[%dma_start3A_1020, %dma_start3A_1021] : memref<100000x128xf32, #tpu.memory_space<hbm>> -> memref<100000x128xf32, #tpu.memory_space<hbm>>
    tpu.enqueue_indirect_dma source(%dma_start3A_1022 : memref<100000x128xf32, #tpu.memory_space<hbm>>) target(%dma_start3A_1017 : memref<64x128xf32, #tpu.memory_space<vmem>>) offsets(%dma_start3A_1019 : memref<64xi32, #tpu.memory_space<vmem>>) semaphore(%arg29 : memref<!tpu.dma_semaphore, #tpu.memory_space<semaphore_mem>>)
    %dma_wait3A_1023 = arith.constant 0 : i32
    %dma_wait3A_1024 = arith.constant 0 : i32
    %dma_wait3A_1025 = tpu.memref_slice %arg20[%dma_wait3A_1023, %dma_wait3A_1024] : memref<64x128xf32, #tpu.memory_space<vmem>> -> memref<64x128xf32, #tpu.memory_space<vmem>>
    %dma_wait3A_1026 = arith.constant 448 : i32
    %dma_wait3A_1027 = tpu.memref_slice %arg12[%dma_wait3A_1026] : memref<10240xi32, #tpu.memory_space<vmem>> -> memref<64xi32, #tpu.memory_space<vmem>>
    %dma_wait3A_1028 = arith.constant 0 : i32
    %dma_wait3A_1029 = arith.constant 0 : i32
    %dma_wait3A_1030 = tpu.memref_slice %arg6[%dma_wait3A_1028, %dma_wait3A_1029] : memref<100000x128xf32, #tpu.memory_space<hbm>> -> memref<100000x128xf32, #tpu.memory_space<hbm>>
    tpu.wait_indirect_dma semaphore(%arg30 : memref<!tpu.dma_semaphore, #tpu.memory_space<semaphore_mem>>) src(%dma_wait3A_1030 : memref<100000x128xf32, #tpu.memory_space<hbm>>) dst(%dma_wait3A_1025 : memref<64x128xf32, #tpu.memory_space<vmem>>)
    %add3A_1031 = arith.constant 448 : i32
    %add3A_1032 = arith.addi %mul3A_662, %add3A_1031 : i32
    %dma_start3A_1033 = arith.constant 0 : i32
    %dma_start3A_1034 = arith.constant 0 : i32
    %dma_start3A_1035 = tpu.memref_slice %arg20[%dma_start3A_1033, %dma_start3A_1034] : memref<64x128xf32, #tpu.memory_space<vmem>> -> memref<64x128xf32, #tpu.memory_space<vmem>>
    %dma_start3A_1036 = arith.constant 0 : i32
    %dma_start3A_1037 = tpu.memref_slice %arg9[%add3A_1032, %dma_start3A_1036] : memref<327680x128xf32, #tpu.memory_space<hbm>> -> memref<64x128xf32, #tpu.memory_space<hbm>>
    %dma_start3A_1038 = arith.constant 0 : i32
    %dma_start3A_1039 = tpu.memref_slice %arg9[%add3A_1032, %dma_start3A_1038] : memref<327680x128xf32, #tpu.memory_space<hbm>> -> memref<64x128xf32, #tpu.memory_space<hbm>>
    %dma_start3A_1040 = arith.constant 0 : i32
    %dma_start3A_1041 = arith.constant 0 : i32
    %dma_start3A_1042 = tpu.memref_slice %arg20[%dma_start3A_1040, %dma_start3A_1041] : memref<64x128xf32, #tpu.memory_space<vmem>> -> memref<64x128xf32, #tpu.memory_space<vmem>>
    tpu.enqueue_dma source(%dma_start3A_1042 : memref<64x128xf32, #tpu.memory_space<vmem>>) target(%dma_start3A_1039 : memref<64x128xf32, #tpu.memory_space<hbm>>) target_semaphore(%arg40 : memref<!tpu.dma_semaphore, #tpu.memory_space<semaphore_mem>>)
    %add3A_1043 = arith.constant 448 : i32
    %add3A_1044 = arith.addi %mul3A_662, %add3A_1043 : i32
    %dma_wait3A_1045 = arith.constant 0 : i32
    %dma_wait3A_1046 = arith.constant 0 : i32
    %dma_wait3A_1047 = tpu.memref_slice %arg20[%dma_wait3A_1045, %dma_wait3A_1046] : memref<64x128xf32, #tpu.memory_space<vmem>> -> memref<64x128xf32, #tpu.memory_space<vmem>>
    %dma_wait3A_1048 = arith.constant 0 : i32
    %dma_wait3A_1049 = tpu.memref_slice %arg9[%add3A_1044, %dma_wait3A_1048] : memref<327680x128xf32, #tpu.memory_space<hbm>> -> memref<64x128xf32, #tpu.memory_space<hbm>>
    %dma_wait3A_1050 = arith.constant 0 : i32
    %dma_wait3A_1051 = tpu.memref_slice %arg9[%add3A_1044, %dma_wait3A_1050] : memref<327680x128xf32, #tpu.memory_space<hbm>> -> memref<64x128xf32, #tpu.memory_space<hbm>>
    %dma_wait3A_1052 = arith.constant 0 : i32
    %dma_wait3A_1053 = arith.constant 0 : i32
    %dma_wait3A_1054 = tpu.memref_slice %arg20[%dma_wait3A_1052, %dma_wait3A_1053] : memref<64x128xf32, #tpu.memory_space<vmem>> -> memref<64x128xf32, #tpu.memory_space<vmem>>
    tpu.wait_dma2 semaphore(%arg40 : memref<!tpu.dma_semaphore, #tpu.memory_space<semaphore_mem>>) src(%dma_wait3A_1054 : memref<64x128xf32, #tpu.memory_space<vmem>>) dst(%dma_wait3A_1051 : memref<64x128xf32, #tpu.memory_space<hbm>>)
    %dma_start3A_1055 = arith.constant 0 : i32
    %dma_start3A_1056 = arith.constant 0 : i32
    %dma_start3A_1057 = tpu.memref_slice %arg20[%dma_start3A_1055, %dma_start3A_1056] : memref<64x128xf32, #tpu.memory_space<vmem>> -> memref<64x128xf32, #tpu.memory_space<vmem>>
    %dma_start3A_1058 = arith.constant 1088 : i32
    %dma_start3A_1059 = tpu.memref_slice %arg12[%dma_start3A_1058] : memref<10240xi32, #tpu.memory_space<vmem>> -> memref<64xi32, #tpu.memory_space<vmem>>
    %dma_start3A_1060 = arith.constant 0 : i32
    %dma_start3A_1061 = arith.constant 0 : i32
    %dma_start3A_1062 = tpu.memref_slice %arg6[%dma_start3A_1060, %dma_start3A_1061] : memref<100000x128xf32, #tpu.memory_space<hbm>> -> memref<100000x128xf32, #tpu.memory_space<hbm>>
    tpu.enqueue_indirect_dma source(%dma_start3A_1062 : memref<100000x128xf32, #tpu.memory_space<hbm>>) target(%dma_start3A_1057 : memref<64x128xf32, #tpu.memory_space<vmem>>) offsets(%dma_start3A_1059 : memref<64xi32, #tpu.memory_space<vmem>>) semaphore(%arg30 : memref<!tpu.dma_semaphore, #tpu.memory_space<semaphore_mem>>)
    %dma_wait3A_1063 = arith.constant 0 : i32
    %dma_wait3A_1064 = arith.constant 0 : i32
    %dma_wait3A_1065 = tpu.memref_slice %arg21[%dma_wait3A_1063, %dma_wait3A_1064] : memref<64x128xf32, #tpu.memory_space<vmem>> -> memref<64x128xf32, #tpu.memory_space<vmem>>
    %dma_wait3A_1066 = arith.constant 512 : i32
    %dma_wait3A_1067 = tpu.memref_slice %arg12[%dma_wait3A_1066] : memref<10240xi32, #tpu.memory_space<vmem>> -> memref<64xi32, #tpu.memory_space<vmem>>
    %dma_wait3A_1068 = arith.constant 0 : i32
    %dma_wait3A_1069 = arith.constant 0 : i32
    %dma_wait3A_1070 = tpu.memref_slice %arg6[%dma_wait3A_1068, %dma_wait3A_1069] : memref<100000x128xf32, #tpu.memory_space<hbm>> -> memref<100000x128xf32, #tpu.memory_space<hbm>>
    tpu.wait_indirect_dma semaphore(%arg31 : memref<!tpu.dma_semaphore, #tpu.memory_space<semaphore_mem>>) src(%dma_wait3A_1070 : memref<100000x128xf32, #tpu.memory_space<hbm>>) dst(%dma_wait3A_1065 : memref<64x128xf32, #tpu.memory_space<vmem>>)
    %add3A_1071 = arith.constant 512 : i32
    %add3A_1072 = arith.addi %mul3A_662, %add3A_1071 : i32
    %dma_start3A_1073 = arith.constant 0 : i32
    %dma_start3A_1074 = arith.constant 0 : i32
    %dma_start3A_1075 = tpu.memref_slice %arg21[%dma_start3A_1073, %dma_start3A_1074] : memref<64x128xf32, #tpu.memory_space<vmem>> -> memref<64x128xf32, #tpu.memory_space<vmem>>
    %dma_start3A_1076 = arith.constant 0 : i32
    %dma_start3A_1077 = tpu.memref_slice %arg9[%add3A_1072, %dma_start3A_1076] : memref<327680x128xf32, #tpu.memory_space<hbm>> -> memref<64x128xf32, #tpu.memory_space<hbm>>
    %dma_start3A_1078 = arith.constant 0 : i32
    %dma_start3A_1079 = tpu.memref_slice %arg9[%add3A_1072, %dma_start3A_1078] : memref<327680x128xf32, #tpu.memory_space<hbm>> -> memref<64x128xf32, #tpu.memory_space<hbm>>
    %dma_start3A_1080 = arith.constant 0 : i32
    %dma_start3A_1081 = arith.constant 0 : i32
    %dma_start3A_1082 = tpu.memref_slice %arg21[%dma_start3A_1080, %dma_start3A_1081] : memref<64x128xf32, #tpu.memory_space<vmem>> -> memref<64x128xf32, #tpu.memory_space<vmem>>
    tpu.enqueue_dma source(%dma_start3A_1082 : memref<64x128xf32, #tpu.memory_space<vmem>>) target(%dma_start3A_1079 : memref<64x128xf32, #tpu.memory_space<hbm>>) target_semaphore(%arg41 : memref<!tpu.dma_semaphore, #tpu.memory_space<semaphore_mem>>)
    %add3A_1083 = arith.constant 512 : i32
    %add3A_1084 = arith.addi %mul3A_662, %add3A_1083 : i32
    %dma_wait3A_1085 = arith.constant 0 : i32
    %dma_wait3A_1086 = arith.constant 0 : i32
    %dma_wait3A_1087 = tpu.memref_slice %arg21[%dma_wait3A_1085, %dma_wait3A_1086] : memref<64x128xf32, #tpu.memory_space<vmem>> -> memref<64x128xf32, #tpu.memory_space<vmem>>
    %dma_wait3A_1088 = arith.constant 0 : i32
    %dma_wait3A_1089 = tpu.memref_slice %arg9[%add3A_1084, %dma_wait3A_1088] : memref<327680x128xf32, #tpu.memory_space<hbm>> -> memref<64x128xf32, #tpu.memory_space<hbm>>
    %dma_wait3A_1090 = arith.constant 0 : i32
    %dma_wait3A_1091 = tpu.memref_slice %arg9[%add3A_1084, %dma_wait3A_1090] : memref<327680x128xf32, #tpu.memory_space<hbm>> -> memref<64x128xf32, #tpu.memory_space<hbm>>
    %dma_wait3A_1092 = arith.constant 0 : i32
    %dma_wait3A_1093 = arith.constant 0 : i32
    %dma_wait3A_1094 = tpu.memref_slice %arg21[%dma_wait3A_1092, %dma_wait3A_1093] : memref<64x128xf32, #tpu.memory_space<vmem>> -> memref<64x128xf32, #tpu.memory_space<vmem>>
    tpu.wait_dma2 semaphore(%arg41 : memref<!tpu.dma_semaphore, #tpu.memory_space<semaphore_mem>>) src(%dma_wait3A_1094 : memref<64x128xf32, #tpu.memory_space<vmem>>) dst(%dma_wait3A_1091 : memref<64x128xf32, #tpu.memory_space<hbm>>)
    %dma_start3A_1095 = arith.constant 0 : i32
    %dma_start3A_1096 = arith.constant 0 : i32
    %dma_start3A_1097 = tpu.memref_slice %arg21[%dma_start3A_1095, %dma_start3A_1096] : memref<64x128xf32, #tpu.memory_space<vmem>> -> memref<64x128xf32, #tpu.memory_space<vmem>>
    %dma_start3A_1098 = arith.constant 1152 : i32
    %dma_start3A_1099 = tpu.memref_slice %arg12[%dma_start3A_1098] : memref<10240xi32, #tpu.memory_space<vmem>> -> memref<64xi32, #tpu.memory_space<vmem>>
    %dma_start3A_1100 = arith.constant 0 : i32
    %dma_start3A_1101 = arith.constant 0 : i32
    %dma_start3A_1102 = tpu.memref_slice %arg6[%dma_start3A_1100, %dma_start3A_1101] : memref<100000x128xf32, #tpu.memory_space<hbm>> -> memref<100000x128xf32, #tpu.memory_space<hbm>>
    tpu.enqueue_indirect_dma source(%dma_start3A_1102 : memref<100000x128xf32, #tpu.memory_space<hbm>>) target(%dma_start3A_1097 : memref<64x128xf32, #tpu.memory_space<vmem>>) offsets(%dma_start3A_1099 : memref<64xi32, #tpu.memory_space<vmem>>) semaphore(%arg31 : memref<!tpu.dma_semaphore, #tpu.memory_space<semaphore_mem>>)
    %dma_wait3A_1103 = arith.constant 0 : i32
    %dma_wait3A_1104 = arith.constant 0 : i32
    %dma_wait3A_1105 = tpu.memref_slice %arg22[%dma_wait3A_1103, %dma_wait3A_1104] : memref<64x128xf32, #tpu.memory_space<vmem>> -> memref<64x128xf32, #tpu.memory_space<vmem>>
    %dma_wait3A_1106 = arith.constant 576 : i32
    %dma_wait3A_1107 = tpu.memref_slice %arg12[%dma_wait3A_1106] : memref<10240xi32, #tpu.memory_space<vmem>> -> memref<64xi32, #tpu.memory_space<vmem>>
    %dma_wait3A_1108 = arith.constant 0 : i32
    %dma_wait3A_1109 = arith.constant 0 : i32
    %dma_wait3A_1110 = tpu.memref_slice %arg6[%dma_wait3A_1108, %dma_wait3A_1109] : memref<100000x128xf32, #tpu.memory_space<hbm>> -> memref<100000x128xf32, #tpu.memory_space<hbm>>
    tpu.wait_indirect_dma semaphore(%arg32 : memref<!tpu.dma_semaphore, #tpu.memory_space<semaphore_mem>>) src(%dma_wait3A_1110 : memref<100000x128xf32, #tpu.memory_space<hbm>>) dst(%dma_wait3A_1105 : memref<64x128xf32, #tpu.memory_space<vmem>>)
    %add3A_1111 = arith.constant 576 : i32
    %add3A_1112 = arith.addi %mul3A_662, %add3A_1111 : i32
    %dma_start3A_1113 = arith.constant 0 : i32
    %dma_start3A_1114 = arith.constant 0 : i32
    %dma_start3A_1115 = tpu.memref_slice %arg22[%dma_start3A_1113, %dma_start3A_1114] : memref<64x128xf32, #tpu.memory_space<vmem>> -> memref<64x128xf32, #tpu.memory_space<vmem>>
    %dma_start3A_1116 = arith.constant 0 : i32
    %dma_start3A_1117 = tpu.memref_slice %arg9[%add3A_1112, %dma_start3A_1116] : memref<327680x128xf32, #tpu.memory_space<hbm>> -> memref<64x128xf32, #tpu.memory_space<hbm>>
    %dma_start3A_1118 = arith.constant 0 : i32
    %dma_start3A_1119 = tpu.memref_slice %arg9[%add3A_1112, %dma_start3A_1118] : memref<327680x128xf32, #tpu.memory_space<hbm>> -> memref<64x128xf32, #tpu.memory_space<hbm>>
    %dma_start3A_1120 = arith.constant 0 : i32
    %dma_start3A_1121 = arith.constant 0 : i32
    %dma_start3A_1122 = tpu.memref_slice %arg22[%dma_start3A_1120, %dma_start3A_1121] : memref<64x128xf32, #tpu.memory_space<vmem>> -> memref<64x128xf32, #tpu.memory_space<vmem>>
    tpu.enqueue_dma source(%dma_start3A_1122 : memref<64x128xf32, #tpu.memory_space<vmem>>) target(%dma_start3A_1119 : memref<64x128xf32, #tpu.memory_space<hbm>>) target_semaphore(%arg42 : memref<!tpu.dma_semaphore, #tpu.memory_space<semaphore_mem>>)
    %scan3A = arith.constant 0 : i32
    %scan3A_1123 = arith.constant 1 : i32
    %scan3A_1124 = arith.constant 14 : i32
    %scan3A_1125 = arith.addi %scan3A_1123, %scan3A_1124 : i32
    %scan3A_1126 = arith.constant 1 : i32
    scf.for %scan3A_1468 = %scan3A_1123 to %scan3A_1125 step %scan3A_1126  : i32 {
      %mul3A_1469 = arith.constant 10 : i32
      %mul3A_1470 = arith.muli %scan3A_1468, %mul3A_1469 : i32
      %add3A_1471 = arith.constant 0 : i32
      %add3A_1472 = arith.addi %mul3A_1470, %add3A_1471 : i32
      %add3A_1473 = arith.constant 9 : i32
      %add3A_1474 = arith.addi %add3A_1472, %add3A_1473 : i32
      %sub3A = arith.constant 10 : i32
      %sub3A_1475 = arith.subi %add3A_1474, %sub3A : i32
      %mul3A_1476 = arith.constant 64 : i32
      %mul3A_1477 = arith.muli %sub3A_1475, %mul3A_1476 : i32
      %add3A_1478 = arith.addi %mul3A_662, %mul3A_1477 : i32
      %dma_wait3A_1479 = arith.constant 0 : i32
      %dma_wait3A_1480 = arith.constant 0 : i32
      %dma_wait3A_1481 = tpu.memref_slice %arg22[%dma_wait3A_1479, %dma_wait3A_1480] : memref<64x128xf32, #tpu.memory_space<vmem>> -> memref<64x128xf32, #tpu.memory_space<vmem>>
      %dma_wait3A_1482 = arith.constant 0 : i32
      %dma_wait3A_1483 = tpu.memref_slice %arg9[%add3A_1478, %dma_wait3A_1482] : memref<327680x128xf32, #tpu.memory_space<hbm>> -> memref<64x128xf32, #tpu.memory_space<hbm>>
      %dma_wait3A_1484 = arith.constant 0 : i32
      %dma_wait3A_1485 = tpu.memref_slice %arg9[%add3A_1478, %dma_wait3A_1484] : memref<327680x128xf32, #tpu.memory_space<hbm>> -> memref<64x128xf32, #tpu.memory_space<hbm>>
      %dma_wait3A_1486 = arith.constant 0 : i32
      %dma_wait3A_1487 = arith.constant 0 : i32
      %dma_wait3A_1488 = tpu.memref_slice %arg22[%dma_wait3A_1486, %dma_wait3A_1487] : memref<64x128xf32, #tpu.memory_space<vmem>> -> memref<64x128xf32, #tpu.memory_space<vmem>>
      tpu.wait_dma2 semaphore(%arg42 : memref<!tpu.dma_semaphore, #tpu.memory_space<semaphore_mem>>) src(%dma_wait3A_1488 : memref<64x128xf32, #tpu.memory_space<vmem>>) dst(%dma_wait3A_1485 : memref<64x128xf32, #tpu.memory_space<hbm>>)
      %add3A_1489 = arith.constant 9 : i32
      %add3A_1490 = arith.addi %add3A_1472, %add3A_1489 : i32
      %mul3A_1491 = arith.constant 64 : i32
      %mul3A_1492 = arith.muli %add3A_1490, %mul3A_1491 : i32
      %dma_start3A_1493 = arith.constant 0 : i32
      %dma_start3A_1494 = arith.constant 0 : i32
      %dma_start3A_1495 = tpu.memref_slice %arg22[%dma_start3A_1493, %dma_start3A_1494] : memref<64x128xf32, #tpu.memory_space<vmem>> -> memref<64x128xf32, #tpu.memory_space<vmem>>
      %dma_start3A_1496 = tpu.memref_slice %arg12[%mul3A_1492] : memref<10240xi32, #tpu.memory_space<vmem>> -> memref<64xi32, #tpu.memory_space<vmem>>
      %dma_start3A_1497 = arith.constant 0 : i32
      %dma_start3A_1498 = arith.constant 0 : i32
      %dma_start3A_1499 = tpu.memref_slice %arg6[%dma_start3A_1497, %dma_start3A_1498] : memref<100000x128xf32, #tpu.memory_space<hbm>> -> memref<100000x128xf32, #tpu.memory_space<hbm>>
      tpu.enqueue_indirect_dma source(%dma_start3A_1499 : memref<100000x128xf32, #tpu.memory_space<hbm>>) target(%dma_start3A_1495 : memref<64x128xf32, #tpu.memory_space<vmem>>) offsets(%dma_start3A_1496 : memref<64xi32, #tpu.memory_space<vmem>>) semaphore(%arg32 : memref<!tpu.dma_semaphore, #tpu.memory_space<semaphore_mem>>)
      %mul3A_1500 = arith.constant 64 : i32
      %mul3A_1501 = arith.muli %add3A_1472, %mul3A_1500 : i32
      %dma_wait3A_1502 = arith.constant 0 : i32
      %dma_wait3A_1503 = arith.constant 0 : i32
      %dma_wait3A_1504 = tpu.memref_slice %arg13[%dma_wait3A_1502, %dma_wait3A_1503] : memref<64x128xf32, #tpu.memory_space<vmem>> -> memref<64x128xf32, #tpu.memory_space<vmem>>
      %dma_wait3A_1505 = tpu.memref_slice %arg12[%mul3A_1501] : memref<10240xi32, #tpu.memory_space<vmem>> -> memref<64xi32, #tpu.memory_space<vmem>>
      %dma_wait3A_1506 = arith.constant 0 : i32
      %dma_wait3A_1507 = arith.constant 0 : i32
      %dma_wait3A_1508 = tpu.memref_slice %arg6[%dma_wait3A_1506, %dma_wait3A_1507] : memref<100000x128xf32, #tpu.memory_space<hbm>> -> memref<100000x128xf32, #tpu.memory_space<hbm>>
      tpu.wait_indirect_dma semaphore(%arg23 : memref<!tpu.dma_semaphore, #tpu.memory_space<semaphore_mem>>) src(%dma_wait3A_1508 : memref<100000x128xf32, #tpu.memory_space<hbm>>) dst(%dma_wait3A_1504 : memref<64x128xf32, #tpu.memory_space<vmem>>)
      %mul3A_1509 = arith.constant 64 : i32
      %mul3A_1510 = arith.muli %add3A_1472, %mul3A_1509 : i32
      %add3A_1511 = arith.addi %mul3A_662, %mul3A_1510 : i32
      %dma_start3A_1512 = arith.constant 0 : i32
      %dma_start3A_1513 = arith.constant 0 : i32
      %dma_start3A_1514 = tpu.memref_slice %arg13[%dma_start3A_1512, %dma_start3A_1513] : memref<64x128xf32, #tpu.memory_space<vmem>> -> memref<64x128xf32, #tpu.memory_space<vmem>>
      %dma_start3A_1515 = arith.constant 0 : i32
      %dma_start3A_1516 = tpu.memref_slice %arg9[%add3A_1511, %dma_start3A_1515] : memref<327680x128xf32, #tpu.memory_space<hbm>> -> memref<64x128xf32, #tpu.memory_space<hbm>>
      %dma_start3A_1517 = arith.constant 0 : i32
      %dma_start3A_1518 = tpu.memref_slice %arg9[%add3A_1511, %dma_start3A_1517] : memref<327680x128xf32, #tpu.memory_space<hbm>> -> memref<64x128xf32, #tpu.memory_space<hbm>>
      %dma_start3A_1519 = arith.constant 0 : i32
      %dma_start3A_1520 = arith.constant 0 : i32
      %dma_start3A_1521 = tpu.memref_slice %arg13[%dma_start3A_1519, %dma_start3A_1520] : memref<64x128xf32, #tpu.memory_space<vmem>> -> memref<64x128xf32, #tpu.memory_space<vmem>>
      tpu.enqueue_dma source(%dma_start3A_1521 : memref<64x128xf32, #tpu.memory_space<vmem>>) target(%dma_start3A_1518 : memref<64x128xf32, #tpu.memory_space<hbm>>) target_semaphore(%arg33 : memref<!tpu.dma_semaphore, #tpu.memory_space<semaphore_mem>>)
      %add3A_1522 = arith.constant 1 : i32
      %add3A_1523 = arith.addi %mul3A_1470, %add3A_1522 : i32
      %add3A_1524 = arith.constant 9 : i32
      %add3A_1525 = arith.addi %add3A_1523, %add3A_1524 : i32
      %sub3A_1526 = arith.constant 10 : i32
      %sub3A_1527 = arith.subi %add3A_1525, %sub3A_1526 : i32
      %mul3A_1528 = arith.constant 64 : i32
      %mul3A_1529 = arith.muli %sub3A_1527, %mul3A_1528 : i32
      %add3A_1530 = arith.addi %mul3A_662, %mul3A_1529 : i32
      %dma_wait3A_1531 = arith.constant 0 : i32
      %dma_wait3A_1532 = arith.constant 0 : i32
      %dma_wait3A_1533 = tpu.memref_slice %arg13[%dma_wait3A_1531, %dma_wait3A_1532] : memref<64x128xf32, #tpu.memory_space<vmem>> -> memref<64x128xf32, #tpu.memory_space<vmem>>
      %dma_wait3A_1534 = arith.constant 0 : i32
      %dma_wait3A_1535 = tpu.memref_slice %arg9[%add3A_1530, %dma_wait3A_1534] : memref<327680x128xf32, #tpu.memory_space<hbm>> -> memref<64x128xf32, #tpu.memory_space<hbm>>
      %dma_wait3A_1536 = arith.constant 0 : i32
      %dma_wait3A_1537 = tpu.memref_slice %arg9[%add3A_1530, %dma_wait3A_1536] : memref<327680x128xf32, #tpu.memory_space<hbm>> -> memref<64x128xf32, #tpu.memory_space<hbm>>
      %dma_wait3A_1538 = arith.constant 0 : i32
      %dma_wait3A_1539 = arith.constant 0 : i32
      %dma_wait3A_1540 = tpu.memref_slice %arg13[%dma_wait3A_1538, %dma_wait3A_1539] : memref<64x128xf32, #tpu.memory_space<vmem>> -> memref<64x128xf32, #tpu.memory_space<vmem>>
      tpu.wait_dma2 semaphore(%arg33 : memref<!tpu.dma_semaphore, #tpu.memory_space<semaphore_mem>>) src(%dma_wait3A_1540 : memref<64x128xf32, #tpu.memory_space<vmem>>) dst(%dma_wait3A_1537 : memref<64x128xf32, #tpu.memory_space<hbm>>)
      %add3A_1541 = arith.constant 9 : i32
      %add3A_1542 = arith.addi %add3A_1523, %add3A_1541 : i32
      %mul3A_1543 = arith.constant 64 : i32
      %mul3A_1544 = arith.muli %add3A_1542, %mul3A_1543 : i32
      %dma_start3A_1545 = arith.constant 0 : i32
      %dma_start3A_1546 = arith.constant 0 : i32
      %dma_start3A_1547 = tpu.memref_slice %arg13[%dma_start3A_1545, %dma_start3A_1546] : memref<64x128xf32, #tpu.memory_space<vmem>> -> memref<64x128xf32, #tpu.memory_space<vmem>>
      %dma_start3A_1548 = tpu.memref_slice %arg12[%mul3A_1544] : memref<10240xi32, #tpu.memory_space<vmem>> -> memref<64xi32, #tpu.memory_space<vmem>>
      %dma_start3A_1549 = arith.constant 0 : i32
      %dma_start3A_1550 = arith.constant 0 : i32
      %dma_start3A_1551 = tpu.memref_slice %arg6[%dma_start3A_1549, %dma_start3A_1550] : memref<100000x128xf32, #tpu.memory_space<hbm>> -> memref<100000x128xf32, #tpu.memory_space<hbm>>
      tpu.enqueue_indirect_dma source(%dma_start3A_1551 : memref<100000x128xf32, #tpu.memory_space<hbm>>) target(%dma_start3A_1547 : memref<64x128xf32, #tpu.memory_space<vmem>>) offsets(%dma_start3A_1548 : memref<64xi32, #tpu.memory_space<vmem>>) semaphore(%arg23 : memref<!tpu.dma_semaphore, #tpu.memory_space<semaphore_mem>>)
      %mul3A_1552 = arith.constant 64 : i32
      %mul3A_1553 = arith.muli %add3A_1523, %mul3A_1552 : i32
      %dma_wait3A_1554 = arith.constant 0 : i32
      %dma_wait3A_1555 = arith.constant 0 : i32
      %dma_wait3A_1556 = tpu.memref_slice %arg14[%dma_wait3A_1554, %dma_wait3A_1555] : memref<64x128xf32, #tpu.memory_space<vmem>> -> memref<64x128xf32, #tpu.memory_space<vmem>>
      %dma_wait3A_1557 = tpu.memref_slice %arg12[%mul3A_1553] : memref<10240xi32, #tpu.memory_space<vmem>> -> memref<64xi32, #tpu.memory_space<vmem>>
      %dma_wait3A_1558 = arith.constant 0 : i32
      %dma_wait3A_1559 = arith.constant 0 : i32
      %dma_wait3A_1560 = tpu.memref_slice %arg6[%dma_wait3A_1558, %dma_wait3A_1559] : memref<100000x128xf32, #tpu.memory_space<hbm>> -> memref<100000x128xf32, #tpu.memory_space<hbm>>
      tpu.wait_indirect_dma semaphore(%arg24 : memref<!tpu.dma_semaphore, #tpu.memory_space<semaphore_mem>>) src(%dma_wait3A_1560 : memref<100000x128xf32, #tpu.memory_space<hbm>>) dst(%dma_wait3A_1556 : memref<64x128xf32, #tpu.memory_space<vmem>>)
      %mul3A_1561 = arith.constant 64 : i32
      %mul3A_1562 = arith.muli %add3A_1523, %mul3A_1561 : i32
      %add3A_1563 = arith.addi %mul3A_662, %mul3A_1562 : i32
      %dma_start3A_1564 = arith.constant 0 : i32
      %dma_start3A_1565 = arith.constant 0 : i32
      %dma_start3A_1566 = tpu.memref_slice %arg14[%dma_start3A_1564, %dma_start3A_1565] : memref<64x128xf32, #tpu.memory_space<vmem>> -> memref<64x128xf32, #tpu.memory_space<vmem>>
      %dma_start3A_1567 = arith.constant 0 : i32
      %dma_start3A_1568 = tpu.memref_slice %arg9[%add3A_1563, %dma_start3A_1567] : memref<327680x128xf32, #tpu.memory_space<hbm>> -> memref<64x128xf32, #tpu.memory_space<hbm>>
      %dma_start3A_1569 = arith.constant 0 : i32
      %dma_start3A_1570 = tpu.memref_slice %arg9[%add3A_1563, %dma_start3A_1569] : memref<327680x128xf32, #tpu.memory_space<hbm>> -> memref<64x128xf32, #tpu.memory_space<hbm>>
      %dma_start3A_1571 = arith.constant 0 : i32
      %dma_start3A_1572 = arith.constant 0 : i32
      %dma_start3A_1573 = tpu.memref_slice %arg14[%dma_start3A_1571, %dma_start3A_1572] : memref<64x128xf32, #tpu.memory_space<vmem>> -> memref<64x128xf32, #tpu.memory_space<vmem>>
      tpu.enqueue_dma source(%dma_start3A_1573 : memref<64x128xf32, #tpu.memory_space<vmem>>) target(%dma_start3A_1570 : memref<64x128xf32, #tpu.memory_space<hbm>>) target_semaphore(%arg34 : memref<!tpu.dma_semaphore, #tpu.memory_space<semaphore_mem>>)
      %add3A_1574 = arith.constant 2 : i32
      %add3A_1575 = arith.addi %mul3A_1470, %add3A_1574 : i32
      %add3A_1576 = arith.constant 9 : i32
      %add3A_1577 = arith.addi %add3A_1575, %add3A_1576 : i32
      %sub3A_1578 = arith.constant 10 : i32
      %sub3A_1579 = arith.subi %add3A_1577, %sub3A_1578 : i32
      %mul3A_1580 = arith.constant 64 : i32
      %mul3A_1581 = arith.muli %sub3A_1579, %mul3A_1580 : i32
      %add3A_1582 = arith.addi %mul3A_662, %mul3A_1581 : i32
      %dma_wait3A_1583 = arith.constant 0 : i32
      %dma_wait3A_1584 = arith.constant 0 : i32
      %dma_wait3A_1585 = tpu.memref_slice %arg14[%dma_wait3A_1583, %dma_wait3A_1584] : memref<64x128xf32, #tpu.memory_space<vmem>> -> memref<64x128xf32, #tpu.memory_space<vmem>>
      %dma_wait3A_1586 = arith.constant 0 : i32
      %dma_wait3A_1587 = tpu.memref_slice %arg9[%add3A_1582, %dma_wait3A_1586] : memref<327680x128xf32, #tpu.memory_space<hbm>> -> memref<64x128xf32, #tpu.memory_space<hbm>>
      %dma_wait3A_1588 = arith.constant 0 : i32
      %dma_wait3A_1589 = tpu.memref_slice %arg9[%add3A_1582, %dma_wait3A_1588] : memref<327680x128xf32, #tpu.memory_space<hbm>> -> memref<64x128xf32, #tpu.memory_space<hbm>>
      %dma_wait3A_1590 = arith.constant 0 : i32
      %dma_wait3A_1591 = arith.constant 0 : i32
      %dma_wait3A_1592 = tpu.memref_slice %arg14[%dma_wait3A_1590, %dma_wait3A_1591] : memref<64x128xf32, #tpu.memory_space<vmem>> -> memref<64x128xf32, #tpu.memory_space<vmem>>
      tpu.wait_dma2 semaphore(%arg34 : memref<!tpu.dma_semaphore, #tpu.memory_space<semaphore_mem>>) src(%dma_wait3A_1592 : memref<64x128xf32, #tpu.memory_space<vmem>>) dst(%dma_wait3A_1589 : memref<64x128xf32, #tpu.memory_space<hbm>>)
      %add3A_1593 = arith.constant 9 : i32
      %add3A_1594 = arith.addi %add3A_1575, %add3A_1593 : i32
      %mul3A_1595 = arith.constant 64 : i32
      %mul3A_1596 = arith.muli %add3A_1594, %mul3A_1595 : i32
      %dma_start3A_1597 = arith.constant 0 : i32
      %dma_start3A_1598 = arith.constant 0 : i32
      %dma_start3A_1599 = tpu.memref_slice %arg14[%dma_start3A_1597, %dma_start3A_1598] : memref<64x128xf32, #tpu.memory_space<vmem>> -> memref<64x128xf32, #tpu.memory_space<vmem>>
      %dma_start3A_1600 = tpu.memref_slice %arg12[%mul3A_1596] : memref<10240xi32, #tpu.memory_space<vmem>> -> memref<64xi32, #tpu.memory_space<vmem>>
      %dma_start3A_1601 = arith.constant 0 : i32
      %dma_start3A_1602 = arith.constant 0 : i32
      %dma_start3A_1603 = tpu.memref_slice %arg6[%dma_start3A_1601, %dma_start3A_1602] : memref<100000x128xf32, #tpu.memory_space<hbm>> -> memref<100000x128xf32, #tpu.memory_space<hbm>>
      tpu.enqueue_indirect_dma source(%dma_start3A_1603 : memref<100000x128xf32, #tpu.memory_space<hbm>>) target(%dma_start3A_1599 : memref<64x128xf32, #tpu.memory_space<vmem>>) offsets(%dma_start3A_1600 : memref<64xi32, #tpu.memory_space<vmem>>) semaphore(%arg24 : memref<!tpu.dma_semaphore, #tpu.memory_space<semaphore_mem>>)
      %mul3A_1604 = arith.constant 64 : i32
      %mul3A_1605 = arith.muli %add3A_1575, %mul3A_1604 : i32
      %dma_wait3A_1606 = arith.constant 0 : i32
      %dma_wait3A_1607 = arith.constant 0 : i32
      %dma_wait3A_1608 = tpu.memref_slice %arg15[%dma_wait3A_1606, %dma_wait3A_1607] : memref<64x128xf32, #tpu.memory_space<vmem>> -> memref<64x128xf32, #tpu.memory_space<vmem>>
      %dma_wait3A_1609 = tpu.memref_slice %arg12[%mul3A_1605] : memref<10240xi32, #tpu.memory_space<vmem>> -> memref<64xi32, #tpu.memory_space<vmem>>
      %dma_wait3A_1610 = arith.constant 0 : i32
      %dma_wait3A_1611 = arith.constant 0 : i32
      %dma_wait3A_1612 = tpu.memref_slice %arg6[%dma_wait3A_1610, %dma_wait3A_1611] : memref<100000x128xf32, #tpu.memory_space<hbm>> -> memref<100000x128xf32, #tpu.memory_space<hbm>>
      tpu.wait_indirect_dma semaphore(%arg25 : memref<!tpu.dma_semaphore, #tpu.memory_space<semaphore_mem>>) src(%dma_wait3A_1612 : memref<100000x128xf32, #tpu.memory_space<hbm>>) dst(%dma_wait3A_1608 : memref<64x128xf32, #tpu.memory_space<vmem>>)
      %mul3A_1613 = arith.constant 64 : i32
      %mul3A_1614 = arith.muli %add3A_1575, %mul3A_1613 : i32
      %add3A_1615 = arith.addi %mul3A_662, %mul3A_1614 : i32
      %dma_start3A_1616 = arith.constant 0 : i32
      %dma_start3A_1617 = arith.constant 0 : i32
      %dma_start3A_1618 = tpu.memref_slice %arg15[%dma_start3A_1616, %dma_start3A_1617] : memref<64x128xf32, #tpu.memory_space<vmem>> -> memref<64x128xf32, #tpu.memory_space<vmem>>
      %dma_start3A_1619 = arith.constant 0 : i32
      %dma_start3A_1620 = tpu.memref_slice %arg9[%add3A_1615, %dma_start3A_1619] : memref<327680x128xf32, #tpu.memory_space<hbm>> -> memref<64x128xf32, #tpu.memory_space<hbm>>
      %dma_start3A_1621 = arith.constant 0 : i32
      %dma_start3A_1622 = tpu.memref_slice %arg9[%add3A_1615, %dma_start3A_1621] : memref<327680x128xf32, #tpu.memory_space<hbm>> -> memref<64x128xf32, #tpu.memory_space<hbm>>
      %dma_start3A_1623 = arith.constant 0 : i32
      %dma_start3A_1624 = arith.constant 0 : i32
      %dma_start3A_1625 = tpu.memref_slice %arg15[%dma_start3A_1623, %dma_start3A_1624] : memref<64x128xf32, #tpu.memory_space<vmem>> -> memref<64x128xf32, #tpu.memory_space<vmem>>
      tpu.enqueue_dma source(%dma_start3A_1625 : memref<64x128xf32, #tpu.memory_space<vmem>>) target(%dma_start3A_1622 : memref<64x128xf32, #tpu.memory_space<hbm>>) target_semaphore(%arg35 : memref<!tpu.dma_semaphore, #tpu.memory_space<semaphore_mem>>)
      %add3A_1626 = arith.constant 3 : i32
      %add3A_1627 = arith.addi %mul3A_1470, %add3A_1626 : i32
      %add3A_1628 = arith.constant 9 : i32
      %add3A_1629 = arith.addi %add3A_1627, %add3A_1628 : i32
      %sub3A_1630 = arith.constant 10 : i32
      %sub3A_1631 = arith.subi %add3A_1629, %sub3A_1630 : i32
      %mul3A_1632 = arith.constant 64 : i32
      %mul3A_1633 = arith.muli %sub3A_1631, %mul3A_1632 : i32
      %add3A_1634 = arith.addi %mul3A_662, %mul3A_1633 : i32
      %dma_wait3A_1635 = arith.constant 0 : i32
      %dma_wait3A_1636 = arith.constant 0 : i32
      %dma_wait3A_1637 = tpu.memref_slice %arg15[%dma_wait3A_1635, %dma_wait3A_1636] : memref<64x128xf32, #tpu.memory_space<vmem>> -> memref<64x128xf32, #tpu.memory_space<vmem>>
      %dma_wait3A_1638 = arith.constant 0 : i32
      %dma_wait3A_1639 = tpu.memref_slice %arg9[%add3A_1634, %dma_wait3A_1638] : memref<327680x128xf32, #tpu.memory_space<hbm>> -> memref<64x128xf32, #tpu.memory_space<hbm>>
      %dma_wait3A_1640 = arith.constant 0 : i32
      %dma_wait3A_1641 = tpu.memref_slice %arg9[%add3A_1634, %dma_wait3A_1640] : memref<327680x128xf32, #tpu.memory_space<hbm>> -> memref<64x128xf32, #tpu.memory_space<hbm>>
      %dma_wait3A_1642 = arith.constant 0 : i32
      %dma_wait3A_1643 = arith.constant 0 : i32
      %dma_wait3A_1644 = tpu.memref_slice %arg15[%dma_wait3A_1642, %dma_wait3A_1643] : memref<64x128xf32, #tpu.memory_space<vmem>> -> memref<64x128xf32, #tpu.memory_space<vmem>>
      tpu.wait_dma2 semaphore(%arg35 : memref<!tpu.dma_semaphore, #tpu.memory_space<semaphore_mem>>) src(%dma_wait3A_1644 : memref<64x128xf32, #tpu.memory_space<vmem>>) dst(%dma_wait3A_1641 : memref<64x128xf32, #tpu.memory_space<hbm>>)
      %add3A_1645 = arith.constant 9 : i32
      %add3A_1646 = arith.addi %add3A_1627, %add3A_1645 : i32
      %mul3A_1647 = arith.constant 64 : i32
      %mul3A_1648 = arith.muli %add3A_1646, %mul3A_1647 : i32
      %dma_start3A_1649 = arith.constant 0 : i32
      %dma_start3A_1650 = arith.constant 0 : i32
      %dma_start3A_1651 = tpu.memref_slice %arg15[%dma_start3A_1649, %dma_start3A_1650] : memref<64x128xf32, #tpu.memory_space<vmem>> -> memref<64x128xf32, #tpu.memory_space<vmem>>
      %dma_start3A_1652 = tpu.memref_slice %arg12[%mul3A_1648] : memref<10240xi32, #tpu.memory_space<vmem>> -> memref<64xi32, #tpu.memory_space<vmem>>
      %dma_start3A_1653 = arith.constant 0 : i32
      %dma_start3A_1654 = arith.constant 0 : i32
      %dma_start3A_1655 = tpu.memref_slice %arg6[%dma_start3A_1653, %dma_start3A_1654] : memref<100000x128xf32, #tpu.memory_space<hbm>> -> memref<100000x128xf32, #tpu.memory_space<hbm>>
      tpu.enqueue_indirect_dma source(%dma_start3A_1655 : memref<100000x128xf32, #tpu.memory_space<hbm>>) target(%dma_start3A_1651 : memref<64x128xf32, #tpu.memory_space<vmem>>) offsets(%dma_start3A_1652 : memref<64xi32, #tpu.memory_space<vmem>>) semaphore(%arg25 : memref<!tpu.dma_semaphore, #tpu.memory_space<semaphore_mem>>)
      %mul3A_1656 = arith.constant 64 : i32
      %mul3A_1657 = arith.muli %add3A_1627, %mul3A_1656 : i32
      %dma_wait3A_1658 = arith.constant 0 : i32
      %dma_wait3A_1659 = arith.constant 0 : i32
      %dma_wait3A_1660 = tpu.memref_slice %arg16[%dma_wait3A_1658, %dma_wait3A_1659] : memref<64x128xf32, #tpu.memory_space<vmem>> -> memref<64x128xf32, #tpu.memory_space<vmem>>
      %dma_wait3A_1661 = tpu.memref_slice %arg12[%mul3A_1657] : memref<10240xi32, #tpu.memory_space<vmem>> -> memref<64xi32, #tpu.memory_space<vmem>>
      %dma_wait3A_1662 = arith.constant 0 : i32
      %dma_wait3A_1663 = arith.constant 0 : i32
      %dma_wait3A_1664 = tpu.memref_slice %arg6[%dma_wait3A_1662, %dma_wait3A_1663] : memref<100000x128xf32, #tpu.memory_space<hbm>> -> memref<100000x128xf32, #tpu.memory_space<hbm>>
      tpu.wait_indirect_dma semaphore(%arg26 : memref<!tpu.dma_semaphore, #tpu.memory_space<semaphore_mem>>) src(%dma_wait3A_1664 : memref<100000x128xf32, #tpu.memory_space<hbm>>) dst(%dma_wait3A_1660 : memref<64x128xf32, #tpu.memory_space<vmem>>)
      %mul3A_1665 = arith.constant 64 : i32
      %mul3A_1666 = arith.muli %add3A_1627, %mul3A_1665 : i32
      %add3A_1667 = arith.addi %mul3A_662, %mul3A_1666 : i32
      %dma_start3A_1668 = arith.constant 0 : i32
      %dma_start3A_1669 = arith.constant 0 : i32
      %dma_start3A_1670 = tpu.memref_slice %arg16[%dma_start3A_1668, %dma_start3A_1669] : memref<64x128xf32, #tpu.memory_space<vmem>> -> memref<64x128xf32, #tpu.memory_space<vmem>>
      %dma_start3A_1671 = arith.constant 0 : i32
      %dma_start3A_1672 = tpu.memref_slice %arg9[%add3A_1667, %dma_start3A_1671] : memref<327680x128xf32, #tpu.memory_space<hbm>> -> memref<64x128xf32, #tpu.memory_space<hbm>>
      %dma_start3A_1673 = arith.constant 0 : i32
      %dma_start3A_1674 = tpu.memref_slice %arg9[%add3A_1667, %dma_start3A_1673] : memref<327680x128xf32, #tpu.memory_space<hbm>> -> memref<64x128xf32, #tpu.memory_space<hbm>>
      %dma_start3A_1675 = arith.constant 0 : i32
      %dma_start3A_1676 = arith.constant 0 : i32
      %dma_start3A_1677 = tpu.memref_slice %arg16[%dma_start3A_1675, %dma_start3A_1676] : memref<64x128xf32, #tpu.memory_space<vmem>> -> memref<64x128xf32, #tpu.memory_space<vmem>>
      tpu.enqueue_dma source(%dma_start3A_1677 : memref<64x128xf32, #tpu.memory_space<vmem>>) target(%dma_start3A_1674 : memref<64x128xf32, #tpu.memory_space<hbm>>) target_semaphore(%arg36 : memref<!tpu.dma_semaphore, #tpu.memory_space<semaphore_mem>>)
      %add3A_1678 = arith.constant 4 : i32
      %add3A_1679 = arith.addi %mul3A_1470, %add3A_1678 : i32
      %add3A_1680 = arith.constant 9 : i32
      %add3A_1681 = arith.addi %add3A_1679, %add3A_1680 : i32
      %sub3A_1682 = arith.constant 10 : i32
      %sub3A_1683 = arith.subi %add3A_1681, %sub3A_1682 : i32
      %mul3A_1684 = arith.constant 64 : i32
      %mul3A_1685 = arith.muli %sub3A_1683, %mul3A_1684 : i32
      %add3A_1686 = arith.addi %mul3A_662, %mul3A_1685 : i32
      %dma_wait3A_1687 = arith.constant 0 : i32
      %dma_wait3A_1688 = arith.constant 0 : i32
      %dma_wait3A_1689 = tpu.memref_slice %arg16[%dma_wait3A_1687, %dma_wait3A_1688] : memref<64x128xf32, #tpu.memory_space<vmem>> -> memref<64x128xf32, #tpu.memory_space<vmem>>
      %dma_wait3A_1690 = arith.constant 0 : i32
      %dma_wait3A_1691 = tpu.memref_slice %arg9[%add3A_1686, %dma_wait3A_1690] : memref<327680x128xf32, #tpu.memory_space<hbm>> -> memref<64x128xf32, #tpu.memory_space<hbm>>
      %dma_wait3A_1692 = arith.constant 0 : i32
      %dma_wait3A_1693 = tpu.memref_slice %arg9[%add3A_1686, %dma_wait3A_1692] : memref<327680x128xf32, #tpu.memory_space<hbm>> -> memref<64x128xf32, #tpu.memory_space<hbm>>
      %dma_wait3A_1694 = arith.constant 0 : i32
      %dma_wait3A_1695 = arith.constant 0 : i32
      %dma_wait3A_1696 = tpu.memref_slice %arg16[%dma_wait3A_1694, %dma_wait3A_1695] : memref<64x128xf32, #tpu.memory_space<vmem>> -> memref<64x128xf32, #tpu.memory_space<vmem>>
      tpu.wait_dma2 semaphore(%arg36 : memref<!tpu.dma_semaphore, #tpu.memory_space<semaphore_mem>>) src(%dma_wait3A_1696 : memref<64x128xf32, #tpu.memory_space<vmem>>) dst(%dma_wait3A_1693 : memref<64x128xf32, #tpu.memory_space<hbm>>)
      %add3A_1697 = arith.constant 9 : i32
      %add3A_1698 = arith.addi %add3A_1679, %add3A_1697 : i32
      %mul3A_1699 = arith.constant 64 : i32
      %mul3A_1700 = arith.muli %add3A_1698, %mul3A_1699 : i32
      %dma_start3A_1701 = arith.constant 0 : i32
      %dma_start3A_1702 = arith.constant 0 : i32
      %dma_start3A_1703 = tpu.memref_slice %arg16[%dma_start3A_1701, %dma_start3A_1702] : memref<64x128xf32, #tpu.memory_space<vmem>> -> memref<64x128xf32, #tpu.memory_space<vmem>>
      %dma_start3A_1704 = tpu.memref_slice %arg12[%mul3A_1700] : memref<10240xi32, #tpu.memory_space<vmem>> -> memref<64xi32, #tpu.memory_space<vmem>>
      %dma_start3A_1705 = arith.constant 0 : i32
      %dma_start3A_1706 = arith.constant 0 : i32
      %dma_start3A_1707 = tpu.memref_slice %arg6[%dma_start3A_1705, %dma_start3A_1706] : memref<100000x128xf32, #tpu.memory_space<hbm>> -> memref<100000x128xf32, #tpu.memory_space<hbm>>
      tpu.enqueue_indirect_dma source(%dma_start3A_1707 : memref<100000x128xf32, #tpu.memory_space<hbm>>) target(%dma_start3A_1703 : memref<64x128xf32, #tpu.memory_space<vmem>>) offsets(%dma_start3A_1704 : memref<64xi32, #tpu.memory_space<vmem>>) semaphore(%arg26 : memref<!tpu.dma_semaphore, #tpu.memory_space<semaphore_mem>>)
      %mul3A_1708 = arith.constant 64 : i32
      %mul3A_1709 = arith.muli %add3A_1679, %mul3A_1708 : i32
      %dma_wait3A_1710 = arith.constant 0 : i32
      %dma_wait3A_1711 = arith.constant 0 : i32
      %dma_wait3A_1712 = tpu.memref_slice %arg17[%dma_wait3A_1710, %dma_wait3A_1711] : memref<64x128xf32, #tpu.memory_space<vmem>> -> memref<64x128xf32, #tpu.memory_space<vmem>>
      %dma_wait3A_1713 = tpu.memref_slice %arg12[%mul3A_1709] : memref<10240xi32, #tpu.memory_space<vmem>> -> memref<64xi32, #tpu.memory_space<vmem>>
      %dma_wait3A_1714 = arith.constant 0 : i32
      %dma_wait3A_1715 = arith.constant 0 : i32
      %dma_wait3A_1716 = tpu.memref_slice %arg6[%dma_wait3A_1714, %dma_wait3A_1715] : memref<100000x128xf32, #tpu.memory_space<hbm>> -> memref<100000x128xf32, #tpu.memory_space<hbm>>
      tpu.wait_indirect_dma semaphore(%arg27 : memref<!tpu.dma_semaphore, #tpu.memory_space<semaphore_mem>>) src(%dma_wait3A_1716 : memref<100000x128xf32, #tpu.memory_space<hbm>>) dst(%dma_wait3A_1712 : memref<64x128xf32, #tpu.memory_space<vmem>>)
      %mul3A_1717 = arith.constant 64 : i32
      %mul3A_1718 = arith.muli %add3A_1679, %mul3A_1717 : i32
      %add3A_1719 = arith.addi %mul3A_662, %mul3A_1718 : i32
      %dma_start3A_1720 = arith.constant 0 : i32
      %dma_start3A_1721 = arith.constant 0 : i32
      %dma_start3A_1722 = tpu.memref_slice %arg17[%dma_start3A_1720, %dma_start3A_1721] : memref<64x128xf32, #tpu.memory_space<vmem>> -> memref<64x128xf32, #tpu.memory_space<vmem>>
      %dma_start3A_1723 = arith.constant 0 : i32
      %dma_start3A_1724 = tpu.memref_slice %arg9[%add3A_1719, %dma_start3A_1723] : memref<327680x128xf32, #tpu.memory_space<hbm>> -> memref<64x128xf32, #tpu.memory_space<hbm>>
      %dma_start3A_1725 = arith.constant 0 : i32
      %dma_start3A_1726 = tpu.memref_slice %arg9[%add3A_1719, %dma_start3A_1725] : memref<327680x128xf32, #tpu.memory_space<hbm>> -> memref<64x128xf32, #tpu.memory_space<hbm>>
      %dma_start3A_1727 = arith.constant 0 : i32
      %dma_start3A_1728 = arith.constant 0 : i32
      %dma_start3A_1729 = tpu.memref_slice %arg17[%dma_start3A_1727, %dma_start3A_1728] : memref<64x128xf32, #tpu.memory_space<vmem>> -> memref<64x128xf32, #tpu.memory_space<vmem>>
      tpu.enqueue_dma source(%dma_start3A_1729 : memref<64x128xf32, #tpu.memory_space<vmem>>) target(%dma_start3A_1726 : memref<64x128xf32, #tpu.memory_space<hbm>>) target_semaphore(%arg37 : memref<!tpu.dma_semaphore, #tpu.memory_space<semaphore_mem>>)
      %add3A_1730 = arith.constant 5 : i32
      %add3A_1731 = arith.addi %mul3A_1470, %add3A_1730 : i32
      %add3A_1732 = arith.constant 9 : i32
      %add3A_1733 = arith.addi %add3A_1731, %add3A_1732 : i32
      %sub3A_1734 = arith.constant 10 : i32
      %sub3A_1735 = arith.subi %add3A_1733, %sub3A_1734 : i32
      %mul3A_1736 = arith.constant 64 : i32
      %mul3A_1737 = arith.muli %sub3A_1735, %mul3A_1736 : i32
      %add3A_1738 = arith.addi %mul3A_662, %mul3A_1737 : i32
      %dma_wait3A_1739 = arith.constant 0 : i32
      %dma_wait3A_1740 = arith.constant 0 : i32
      %dma_wait3A_1741 = tpu.memref_slice %arg17[%dma_wait3A_1739, %dma_wait3A_1740] : memref<64x128xf32, #tpu.memory_space<vmem>> -> memref<64x128xf32, #tpu.memory_space<vmem>>
      %dma_wait3A_1742 = arith.constant 0 : i32
      %dma_wait3A_1743 = tpu.memref_slice %arg9[%add3A_1738, %dma_wait3A_1742] : memref<327680x128xf32, #tpu.memory_space<hbm>> -> memref<64x128xf32, #tpu.memory_space<hbm>>
      %dma_wait3A_1744 = arith.constant 0 : i32
      %dma_wait3A_1745 = tpu.memref_slice %arg9[%add3A_1738, %dma_wait3A_1744] : memref<327680x128xf32, #tpu.memory_space<hbm>> -> memref<64x128xf32, #tpu.memory_space<hbm>>
      %dma_wait3A_1746 = arith.constant 0 : i32
      %dma_wait3A_1747 = arith.constant 0 : i32
      %dma_wait3A_1748 = tpu.memref_slice %arg17[%dma_wait3A_1746, %dma_wait3A_1747] : memref<64x128xf32, #tpu.memory_space<vmem>> -> memref<64x128xf32, #tpu.memory_space<vmem>>
      tpu.wait_dma2 semaphore(%arg37 : memref<!tpu.dma_semaphore, #tpu.memory_space<semaphore_mem>>) src(%dma_wait3A_1748 : memref<64x128xf32, #tpu.memory_space<vmem>>) dst(%dma_wait3A_1745 : memref<64x128xf32, #tpu.memory_space<hbm>>)
      %add3A_1749 = arith.constant 9 : i32
      %add3A_1750 = arith.addi %add3A_1731, %add3A_1749 : i32
      %mul3A_1751 = arith.constant 64 : i32
      %mul3A_1752 = arith.muli %add3A_1750, %mul3A_1751 : i32
      %dma_start3A_1753 = arith.constant 0 : i32
      %dma_start3A_1754 = arith.constant 0 : i32
      %dma_start3A_1755 = tpu.memref_slice %arg17[%dma_start3A_1753, %dma_start3A_1754] : memref<64x128xf32, #tpu.memory_space<vmem>> -> memref<64x128xf32, #tpu.memory_space<vmem>>
      %dma_start3A_1756 = tpu.memref_slice %arg12[%mul3A_1752] : memref<10240xi32, #tpu.memory_space<vmem>> -> memref<64xi32, #tpu.memory_space<vmem>>
      %dma_start3A_1757 = arith.constant 0 : i32
      %dma_start3A_1758 = arith.constant 0 : i32
      %dma_start3A_1759 = tpu.memref_slice %arg6[%dma_start3A_1757, %dma_start3A_1758] : memref<100000x128xf32, #tpu.memory_space<hbm>> -> memref<100000x128xf32, #tpu.memory_space<hbm>>
      tpu.enqueue_indirect_dma source(%dma_start3A_1759 : memref<100000x128xf32, #tpu.memory_space<hbm>>) target(%dma_start3A_1755 : memref<64x128xf32, #tpu.memory_space<vmem>>) offsets(%dma_start3A_1756 : memref<64xi32, #tpu.memory_space<vmem>>) semaphore(%arg27 : memref<!tpu.dma_semaphore, #tpu.memory_space<semaphore_mem>>)
      %mul3A_1760 = arith.constant 64 : i32
      %mul3A_1761 = arith.muli %add3A_1731, %mul3A_1760 : i32
      %dma_wait3A_1762 = arith.constant 0 : i32
      %dma_wait3A_1763 = arith.constant 0 : i32
      %dma_wait3A_1764 = tpu.memref_slice %arg18[%dma_wait3A_1762, %dma_wait3A_1763] : memref<64x128xf32, #tpu.memory_space<vmem>> -> memref<64x128xf32, #tpu.memory_space<vmem>>
      %dma_wait3A_1765 = tpu.memref_slice %arg12[%mul3A_1761] : memref<10240xi32, #tpu.memory_space<vmem>> -> memref<64xi32, #tpu.memory_space<vmem>>
      %dma_wait3A_1766 = arith.constant 0 : i32
      %dma_wait3A_1767 = arith.constant 0 : i32
      %dma_wait3A_1768 = tpu.memref_slice %arg6[%dma_wait3A_1766, %dma_wait3A_1767] : memref<100000x128xf32, #tpu.memory_space<hbm>> -> memref<100000x128xf32, #tpu.memory_space<hbm>>
      tpu.wait_indirect_dma semaphore(%arg28 : memref<!tpu.dma_semaphore, #tpu.memory_space<semaphore_mem>>) src(%dma_wait3A_1768 : memref<100000x128xf32, #tpu.memory_space<hbm>>) dst(%dma_wait3A_1764 : memref<64x128xf32, #tpu.memory_space<vmem>>)
      %mul3A_1769 = arith.constant 64 : i32
      %mul3A_1770 = arith.muli %add3A_1731, %mul3A_1769 : i32
      %add3A_1771 = arith.addi %mul3A_662, %mul3A_1770 : i32
      %dma_start3A_1772 = arith.constant 0 : i32
      %dma_start3A_1773 = arith.constant 0 : i32
      %dma_start3A_1774 = tpu.memref_slice %arg18[%dma_start3A_1772, %dma_start3A_1773] : memref<64x128xf32, #tpu.memory_space<vmem>> -> memref<64x128xf32, #tpu.memory_space<vmem>>
      %dma_start3A_1775 = arith.constant 0 : i32
      %dma_start3A_1776 = tpu.memref_slice %arg9[%add3A_1771, %dma_start3A_1775] : memref<327680x128xf32, #tpu.memory_space<hbm>> -> memref<64x128xf32, #tpu.memory_space<hbm>>
      %dma_start3A_1777 = arith.constant 0 : i32
      %dma_start3A_1778 = tpu.memref_slice %arg9[%add3A_1771, %dma_start3A_1777] : memref<327680x128xf32, #tpu.memory_space<hbm>> -> memref<64x128xf32, #tpu.memory_space<hbm>>
      %dma_start3A_1779 = arith.constant 0 : i32
      %dma_start3A_1780 = arith.constant 0 : i32
      %dma_start3A_1781 = tpu.memref_slice %arg18[%dma_start3A_1779, %dma_start3A_1780] : memref<64x128xf32, #tpu.memory_space<vmem>> -> memref<64x128xf32, #tpu.memory_space<vmem>>
      tpu.enqueue_dma source(%dma_start3A_1781 : memref<64x128xf32, #tpu.memory_space<vmem>>) target(%dma_start3A_1778 : memref<64x128xf32, #tpu.memory_space<hbm>>) target_semaphore(%arg38 : memref<!tpu.dma_semaphore, #tpu.memory_space<semaphore_mem>>)
      %add3A_1782 = arith.constant 6 : i32
      %add3A_1783 = arith.addi %mul3A_1470, %add3A_1782 : i32
      %add3A_1784 = arith.constant 9 : i32
      %add3A_1785 = arith.addi %add3A_1783, %add3A_1784 : i32
      %sub3A_1786 = arith.constant 10 : i32
      %sub3A_1787 = arith.subi %add3A_1785, %sub3A_1786 : i32
      %mul3A_1788 = arith.constant 64 : i32
      %mul3A_1789 = arith.muli %sub3A_1787, %mul3A_1788 : i32
      %add3A_1790 = arith.addi %mul3A_662, %mul3A_1789 : i32
      %dma_wait3A_1791 = arith.constant 0 : i32
      %dma_wait3A_1792 = arith.constant 0 : i32
      %dma_wait3A_1793 = tpu.memref_slice %arg18[%dma_wait3A_1791, %dma_wait3A_1792] : memref<64x128xf32, #tpu.memory_space<vmem>> -> memref<64x128xf32, #tpu.memory_space<vmem>>
      %dma_wait3A_1794 = arith.constant 0 : i32
      %dma_wait3A_1795 = tpu.memref_slice %arg9[%add3A_1790, %dma_wait3A_1794] : memref<327680x128xf32, #tpu.memory_space<hbm>> -> memref<64x128xf32, #tpu.memory_space<hbm>>
      %dma_wait3A_1796 = arith.constant 0 : i32
      %dma_wait3A_1797 = tpu.memref_slice %arg9[%add3A_1790, %dma_wait3A_1796] : memref<327680x128xf32, #tpu.memory_space<hbm>> -> memref<64x128xf32, #tpu.memory_space<hbm>>
      %dma_wait3A_1798 = arith.constant 0 : i32
      %dma_wait3A_1799 = arith.constant 0 : i32
      %dma_wait3A_1800 = tpu.memref_slice %arg18[%dma_wait3A_1798, %dma_wait3A_1799] : memref<64x128xf32, #tpu.memory_space<vmem>> -> memref<64x128xf32, #tpu.memory_space<vmem>>
      tpu.wait_dma2 semaphore(%arg38 : memref<!tpu.dma_semaphore, #tpu.memory_space<semaphore_mem>>) src(%dma_wait3A_1800 : memref<64x128xf32, #tpu.memory_space<vmem>>) dst(%dma_wait3A_1797 : memref<64x128xf32, #tpu.memory_space<hbm>>)
      %add3A_1801 = arith.constant 9 : i32
      %add3A_1802 = arith.addi %add3A_1783, %add3A_1801 : i32
      %mul3A_1803 = arith.constant 64 : i32
      %mul3A_1804 = arith.muli %add3A_1802, %mul3A_1803 : i32
      %dma_start3A_1805 = arith.constant 0 : i32
      %dma_start3A_1806 = arith.constant 0 : i32
      %dma_start3A_1807 = tpu.memref_slice %arg18[%dma_start3A_1805, %dma_start3A_1806] : memref<64x128xf32, #tpu.memory_space<vmem>> -> memref<64x128xf32, #tpu.memory_space<vmem>>
      %dma_start3A_1808 = tpu.memref_slice %arg12[%mul3A_1804] : memref<10240xi32, #tpu.memory_space<vmem>> -> memref<64xi32, #tpu.memory_space<vmem>>
      %dma_start3A_1809 = arith.constant 0 : i32
      %dma_start3A_1810 = arith.constant 0 : i32
      %dma_start3A_1811 = tpu.memref_slice %arg6[%dma_start3A_1809, %dma_start3A_1810] : memref<100000x128xf32, #tpu.memory_space<hbm>> -> memref<100000x128xf32, #tpu.memory_space<hbm>>
      tpu.enqueue_indirect_dma source(%dma_start3A_1811 : memref<100000x128xf32, #tpu.memory_space<hbm>>) target(%dma_start3A_1807 : memref<64x128xf32, #tpu.memory_space<vmem>>) offsets(%dma_start3A_1808 : memref<64xi32, #tpu.memory_space<vmem>>) semaphore(%arg28 : memref<!tpu.dma_semaphore, #tpu.memory_space<semaphore_mem>>)
      %mul3A_1812 = arith.constant 64 : i32
      %mul3A_1813 = arith.muli %add3A_1783, %mul3A_1812 : i32
      %dma_wait3A_1814 = arith.constant 0 : i32
      %dma_wait3A_1815 = arith.constant 0 : i32
      %dma_wait3A_1816 = tpu.memref_slice %arg19[%dma_wait3A_1814, %dma_wait3A_1815] : memref<64x128xf32, #tpu.memory_space<vmem>> -> memref<64x128xf32, #tpu.memory_space<vmem>>
      %dma_wait3A_1817 = tpu.memref_slice %arg12[%mul3A_1813] : memref<10240xi32, #tpu.memory_space<vmem>> -> memref<64xi32, #tpu.memory_space<vmem>>
      %dma_wait3A_1818 = arith.constant 0 : i32
      %dma_wait3A_1819 = arith.constant 0 : i32
      %dma_wait3A_1820 = tpu.memref_slice %arg6[%dma_wait3A_1818, %dma_wait3A_1819] : memref<100000x128xf32, #tpu.memory_space<hbm>> -> memref<100000x128xf32, #tpu.memory_space<hbm>>
      tpu.wait_indirect_dma semaphore(%arg29 : memref<!tpu.dma_semaphore, #tpu.memory_space<semaphore_mem>>) src(%dma_wait3A_1820 : memref<100000x128xf32, #tpu.memory_space<hbm>>) dst(%dma_wait3A_1816 : memref<64x128xf32, #tpu.memory_space<vmem>>)
      %mul3A_1821 = arith.constant 64 : i32
      %mul3A_1822 = arith.muli %add3A_1783, %mul3A_1821 : i32
      %add3A_1823 = arith.addi %mul3A_662, %mul3A_1822 : i32
      %dma_start3A_1824 = arith.constant 0 : i32
      %dma_start3A_1825 = arith.constant 0 : i32
      %dma_start3A_1826 = tpu.memref_slice %arg19[%dma_start3A_1824, %dma_start3A_1825] : memref<64x128xf32, #tpu.memory_space<vmem>> -> memref<64x128xf32, #tpu.memory_space<vmem>>
      %dma_start3A_1827 = arith.constant 0 : i32
      %dma_start3A_1828 = tpu.memref_slice %arg9[%add3A_1823, %dma_start3A_1827] : memref<327680x128xf32, #tpu.memory_space<hbm>> -> memref<64x128xf32, #tpu.memory_space<hbm>>
      %dma_start3A_1829 = arith.constant 0 : i32
      %dma_start3A_1830 = tpu.memref_slice %arg9[%add3A_1823, %dma_start3A_1829] : memref<327680x128xf32, #tpu.memory_space<hbm>> -> memref<64x128xf32, #tpu.memory_space<hbm>>
      %dma_start3A_1831 = arith.constant 0 : i32
      %dma_start3A_1832 = arith.constant 0 : i32
      %dma_start3A_1833 = tpu.memref_slice %arg19[%dma_start3A_1831, %dma_start3A_1832] : memref<64x128xf32, #tpu.memory_space<vmem>> -> memref<64x128xf32, #tpu.memory_space<vmem>>
      tpu.enqueue_dma source(%dma_start3A_1833 : memref<64x128xf32, #tpu.memory_space<vmem>>) target(%dma_start3A_1830 : memref<64x128xf32, #tpu.memory_space<hbm>>) target_semaphore(%arg39 : memref<!tpu.dma_semaphore, #tpu.memory_space<semaphore_mem>>)
      %add3A_1834 = arith.constant 7 : i32
      %add3A_1835 = arith.addi %mul3A_1470, %add3A_1834 : i32
      %add3A_1836 = arith.constant 9 : i32
      %add3A_1837 = arith.addi %add3A_1835, %add3A_1836 : i32
      %sub3A_1838 = arith.constant 10 : i32
      %sub3A_1839 = arith.subi %add3A_1837, %sub3A_1838 : i32
      %mul3A_1840 = arith.constant 64 : i32
      %mul3A_1841 = arith.muli %sub3A_1839, %mul3A_1840 : i32
      %add3A_1842 = arith.addi %mul3A_662, %mul3A_1841 : i32
      %dma_wait3A_1843 = arith.constant 0 : i32
      %dma_wait3A_1844 = arith.constant 0 : i32
      %dma_wait3A_1845 = tpu.memref_slice %arg19[%dma_wait3A_1843, %dma_wait3A_1844] : memref<64x128xf32, #tpu.memory_space<vmem>> -> memref<64x128xf32, #tpu.memory_space<vmem>>
      %dma_wait3A_1846 = arith.constant 0 : i32
      %dma_wait3A_1847 = tpu.memref_slice %arg9[%add3A_1842, %dma_wait3A_1846] : memref<327680x128xf32, #tpu.memory_space<hbm>> -> memref<64x128xf32, #tpu.memory_space<hbm>>
      %dma_wait3A_1848 = arith.constant 0 : i32
      %dma_wait3A_1849 = tpu.memref_slice %arg9[%add3A_1842, %dma_wait3A_1848] : memref<327680x128xf32, #tpu.memory_space<hbm>> -> memref<64x128xf32, #tpu.memory_space<hbm>>
      %dma_wait3A_1850 = arith.constant 0 : i32
      %dma_wait3A_1851 = arith.constant 0 : i32
      %dma_wait3A_1852 = tpu.memref_slice %arg19[%dma_wait3A_1850, %dma_wait3A_1851] : memref<64x128xf32, #tpu.memory_space<vmem>> -> memref<64x128xf32, #tpu.memory_space<vmem>>
      tpu.wait_dma2 semaphore(%arg39 : memref<!tpu.dma_semaphore, #tpu.memory_space<semaphore_mem>>) src(%dma_wait3A_1852 : memref<64x128xf32, #tpu.memory_space<vmem>>) dst(%dma_wait3A_1849 : memref<64x128xf32, #tpu.memory_space<hbm>>)
      %add3A_1853 = arith.constant 9 : i32
      %add3A_1854 = arith.addi %add3A_1835, %add3A_1853 : i32
      %mul3A_1855 = arith.constant 64 : i32
      %mul3A_1856 = arith.muli %add3A_1854, %mul3A_1855 : i32
      %dma_start3A_1857 = arith.constant 0 : i32
      %dma_start3A_1858 = arith.constant 0 : i32
      %dma_start3A_1859 = tpu.memref_slice %arg19[%dma_start3A_1857, %dma_start3A_1858] : memref<64x128xf32, #tpu.memory_space<vmem>> -> memref<64x128xf32, #tpu.memory_space<vmem>>
      %dma_start3A_1860 = tpu.memref_slice %arg12[%mul3A_1856] : memref<10240xi32, #tpu.memory_space<vmem>> -> memref<64xi32, #tpu.memory_space<vmem>>
      %dma_start3A_1861 = arith.constant 0 : i32
      %dma_start3A_1862 = arith.constant 0 : i32
      %dma_start3A_1863 = tpu.memref_slice %arg6[%dma_start3A_1861, %dma_start3A_1862] : memref<100000x128xf32, #tpu.memory_space<hbm>> -> memref<100000x128xf32, #tpu.memory_space<hbm>>
      tpu.enqueue_indirect_dma source(%dma_start3A_1863 : memref<100000x128xf32, #tpu.memory_space<hbm>>) target(%dma_start3A_1859 : memref<64x128xf32, #tpu.memory_space<vmem>>) offsets(%dma_start3A_1860 : memref<64xi32, #tpu.memory_space<vmem>>) semaphore(%arg29 : memref<!tpu.dma_semaphore, #tpu.memory_space<semaphore_mem>>)
      %mul3A_1864 = arith.constant 64 : i32
      %mul3A_1865 = arith.muli %add3A_1835, %mul3A_1864 : i32
      %dma_wait3A_1866 = arith.constant 0 : i32
      %dma_wait3A_1867 = arith.constant 0 : i32
      %dma_wait3A_1868 = tpu.memref_slice %arg20[%dma_wait3A_1866, %dma_wait3A_1867] : memref<64x128xf32, #tpu.memory_space<vmem>> -> memref<64x128xf32, #tpu.memory_space<vmem>>
      %dma_wait3A_1869 = tpu.memref_slice %arg12[%mul3A_1865] : memref<10240xi32, #tpu.memory_space<vmem>> -> memref<64xi32, #tpu.memory_space<vmem>>
      %dma_wait3A_1870 = arith.constant 0 : i32
      %dma_wait3A_1871 = arith.constant 0 : i32
      %dma_wait3A_1872 = tpu.memref_slice %arg6[%dma_wait3A_1870, %dma_wait3A_1871] : memref<100000x128xf32, #tpu.memory_space<hbm>> -> memref<100000x128xf32, #tpu.memory_space<hbm>>
      tpu.wait_indirect_dma semaphore(%arg30 : memref<!tpu.dma_semaphore, #tpu.memory_space<semaphore_mem>>) src(%dma_wait3A_1872 : memref<100000x128xf32, #tpu.memory_space<hbm>>) dst(%dma_wait3A_1868 : memref<64x128xf32, #tpu.memory_space<vmem>>)
      %mul3A_1873 = arith.constant 64 : i32
      %mul3A_1874 = arith.muli %add3A_1835, %mul3A_1873 : i32
      %add3A_1875 = arith.addi %mul3A_662, %mul3A_1874 : i32
      %dma_start3A_1876 = arith.constant 0 : i32
      %dma_start3A_1877 = arith.constant 0 : i32
      %dma_start3A_1878 = tpu.memref_slice %arg20[%dma_start3A_1876, %dma_start3A_1877] : memref<64x128xf32, #tpu.memory_space<vmem>> -> memref<64x128xf32, #tpu.memory_space<vmem>>
      %dma_start3A_1879 = arith.constant 0 : i32
      %dma_start3A_1880 = tpu.memref_slice %arg9[%add3A_1875, %dma_start3A_1879] : memref<327680x128xf32, #tpu.memory_space<hbm>> -> memref<64x128xf32, #tpu.memory_space<hbm>>
      %dma_start3A_1881 = arith.constant 0 : i32
      %dma_start3A_1882 = tpu.memref_slice %arg9[%add3A_1875, %dma_start3A_1881] : memref<327680x128xf32, #tpu.memory_space<hbm>> -> memref<64x128xf32, #tpu.memory_space<hbm>>
      %dma_start3A_1883 = arith.constant 0 : i32
      %dma_start3A_1884 = arith.constant 0 : i32
      %dma_start3A_1885 = tpu.memref_slice %arg20[%dma_start3A_1883, %dma_start3A_1884] : memref<64x128xf32, #tpu.memory_space<vmem>> -> memref<64x128xf32, #tpu.memory_space<vmem>>
      tpu.enqueue_dma source(%dma_start3A_1885 : memref<64x128xf32, #tpu.memory_space<vmem>>) target(%dma_start3A_1882 : memref<64x128xf32, #tpu.memory_space<hbm>>) target_semaphore(%arg40 : memref<!tpu.dma_semaphore, #tpu.memory_space<semaphore_mem>>)
      %add3A_1886 = arith.constant 8 : i32
      %add3A_1887 = arith.addi %mul3A_1470, %add3A_1886 : i32
      %add3A_1888 = arith.constant 9 : i32
      %add3A_1889 = arith.addi %add3A_1887, %add3A_1888 : i32
      %sub3A_1890 = arith.constant 10 : i32
      %sub3A_1891 = arith.subi %add3A_1889, %sub3A_1890 : i32
      %mul3A_1892 = arith.constant 64 : i32
      %mul3A_1893 = arith.muli %sub3A_1891, %mul3A_1892 : i32
      %add3A_1894 = arith.addi %mul3A_662, %mul3A_1893 : i32
      %dma_wait3A_1895 = arith.constant 0 : i32
      %dma_wait3A_1896 = arith.constant 0 : i32
      %dma_wait3A_1897 = tpu.memref_slice %arg20[%dma_wait3A_1895, %dma_wait3A_1896] : memref<64x128xf32, #tpu.memory_space<vmem>> -> memref<64x128xf32, #tpu.memory_space<vmem>>
      %dma_wait3A_1898 = arith.constant 0 : i32
      %dma_wait3A_1899 = tpu.memref_slice %arg9[%add3A_1894, %dma_wait3A_1898] : memref<327680x128xf32, #tpu.memory_space<hbm>> -> memref<64x128xf32, #tpu.memory_space<hbm>>
      %dma_wait3A_1900 = arith.constant 0 : i32
      %dma_wait3A_1901 = tpu.memref_slice %arg9[%add3A_1894, %dma_wait3A_1900] : memref<327680x128xf32, #tpu.memory_space<hbm>> -> memref<64x128xf32, #tpu.memory_space<hbm>>
      %dma_wait3A_1902 = arith.constant 0 : i32
      %dma_wait3A_1903 = arith.constant 0 : i32
      %dma_wait3A_1904 = tpu.memref_slice %arg20[%dma_wait3A_1902, %dma_wait3A_1903] : memref<64x128xf32, #tpu.memory_space<vmem>> -> memref<64x128xf32, #tpu.memory_space<vmem>>
      tpu.wait_dma2 semaphore(%arg40 : memref<!tpu.dma_semaphore, #tpu.memory_space<semaphore_mem>>) src(%dma_wait3A_1904 : memref<64x128xf32, #tpu.memory_space<vmem>>) dst(%dma_wait3A_1901 : memref<64x128xf32, #tpu.memory_space<hbm>>)
      %add3A_1905 = arith.constant 9 : i32
      %add3A_1906 = arith.addi %add3A_1887, %add3A_1905 : i32
      %mul3A_1907 = arith.constant 64 : i32
      %mul3A_1908 = arith.muli %add3A_1906, %mul3A_1907 : i32
      %dma_start3A_1909 = arith.constant 0 : i32
      %dma_start3A_1910 = arith.constant 0 : i32
      %dma_start3A_1911 = tpu.memref_slice %arg20[%dma_start3A_1909, %dma_start3A_1910] : memref<64x128xf32, #tpu.memory_space<vmem>> -> memref<64x128xf32, #tpu.memory_space<vmem>>
      %dma_start3A_1912 = tpu.memref_slice %arg12[%mul3A_1908] : memref<10240xi32, #tpu.memory_space<vmem>> -> memref<64xi32, #tpu.memory_space<vmem>>
      %dma_start3A_1913 = arith.constant 0 : i32
      %dma_start3A_1914 = arith.constant 0 : i32
      %dma_start3A_1915 = tpu.memref_slice %arg6[%dma_start3A_1913, %dma_start3A_1914] : memref<100000x128xf32, #tpu.memory_space<hbm>> -> memref<100000x128xf32, #tpu.memory_space<hbm>>
      tpu.enqueue_indirect_dma source(%dma_start3A_1915 : memref<100000x128xf32, #tpu.memory_space<hbm>>) target(%dma_start3A_1911 : memref<64x128xf32, #tpu.memory_space<vmem>>) offsets(%dma_start3A_1912 : memref<64xi32, #tpu.memory_space<vmem>>) semaphore(%arg30 : memref<!tpu.dma_semaphore, #tpu.memory_space<semaphore_mem>>)
      %mul3A_1916 = arith.constant 64 : i32
      %mul3A_1917 = arith.muli %add3A_1887, %mul3A_1916 : i32
      %dma_wait3A_1918 = arith.constant 0 : i32
      %dma_wait3A_1919 = arith.constant 0 : i32
      %dma_wait3A_1920 = tpu.memref_slice %arg21[%dma_wait3A_1918, %dma_wait3A_1919] : memref<64x128xf32, #tpu.memory_space<vmem>> -> memref<64x128xf32, #tpu.memory_space<vmem>>
      %dma_wait3A_1921 = tpu.memref_slice %arg12[%mul3A_1917] : memref<10240xi32, #tpu.memory_space<vmem>> -> memref<64xi32, #tpu.memory_space<vmem>>
      %dma_wait3A_1922 = arith.constant 0 : i32
      %dma_wait3A_1923 = arith.constant 0 : i32
      %dma_wait3A_1924 = tpu.memref_slice %arg6[%dma_wait3A_1922, %dma_wait3A_1923] : memref<100000x128xf32, #tpu.memory_space<hbm>> -> memref<100000x128xf32, #tpu.memory_space<hbm>>
      tpu.wait_indirect_dma semaphore(%arg31 : memref<!tpu.dma_semaphore, #tpu.memory_space<semaphore_mem>>) src(%dma_wait3A_1924 : memref<100000x128xf32, #tpu.memory_space<hbm>>) dst(%dma_wait3A_1920 : memref<64x128xf32, #tpu.memory_space<vmem>>)
      %mul3A_1925 = arith.constant 64 : i32
      %mul3A_1926 = arith.muli %add3A_1887, %mul3A_1925 : i32
      %add3A_1927 = arith.addi %mul3A_662, %mul3A_1926 : i32
      %dma_start3A_1928 = arith.constant 0 : i32
      %dma_start3A_1929 = arith.constant 0 : i32
      %dma_start3A_1930 = tpu.memref_slice %arg21[%dma_start3A_1928, %dma_start3A_1929] : memref<64x128xf32, #tpu.memory_space<vmem>> -> memref<64x128xf32, #tpu.memory_space<vmem>>
      %dma_start3A_1931 = arith.constant 0 : i32
      %dma_start3A_1932 = tpu.memref_slice %arg9[%add3A_1927, %dma_start3A_1931] : memref<327680x128xf32, #tpu.memory_space<hbm>> -> memref<64x128xf32, #tpu.memory_space<hbm>>
      %dma_start3A_1933 = arith.constant 0 : i32
      %dma_start3A_1934 = tpu.memref_slice %arg9[%add3A_1927, %dma_start3A_1933] : memref<327680x128xf32, #tpu.memory_space<hbm>> -> memref<64x128xf32, #tpu.memory_space<hbm>>
      %dma_start3A_1935 = arith.constant 0 : i32
      %dma_start3A_1936 = arith.constant 0 : i32
      %dma_start3A_1937 = tpu.memref_slice %arg21[%dma_start3A_1935, %dma_start3A_1936] : memref<64x128xf32, #tpu.memory_space<vmem>> -> memref<64x128xf32, #tpu.memory_space<vmem>>
      tpu.enqueue_dma source(%dma_start3A_1937 : memref<64x128xf32, #tpu.memory_space<vmem>>) target(%dma_start3A_1934 : memref<64x128xf32, #tpu.memory_space<hbm>>) target_semaphore(%arg41 : memref<!tpu.dma_semaphore, #tpu.memory_space<semaphore_mem>>)
      %add3A_1938 = arith.constant 9 : i32
      %add3A_1939 = arith.addi %mul3A_1470, %add3A_1938 : i32
      %add3A_1940 = arith.constant 9 : i32
      %add3A_1941 = arith.addi %add3A_1939, %add3A_1940 : i32
      %sub3A_1942 = arith.constant 10 : i32
      %sub3A_1943 = arith.subi %add3A_1941, %sub3A_1942 : i32
      %mul3A_1944 = arith.constant 64 : i32
      %mul3A_1945 = arith.muli %sub3A_1943, %mul3A_1944 : i32
      %add3A_1946 = arith.addi %mul3A_662, %mul3A_1945 : i32
      %dma_wait3A_1947 = arith.constant 0 : i32
      %dma_wait3A_1948 = arith.constant 0 : i32
      %dma_wait3A_1949 = tpu.memref_slice %arg21[%dma_wait3A_1947, %dma_wait3A_1948] : memref<64x128xf32, #tpu.memory_space<vmem>> -> memref<64x128xf32, #tpu.memory_space<vmem>>
      %dma_wait3A_1950 = arith.constant 0 : i32
      %dma_wait3A_1951 = tpu.memref_slice %arg9[%add3A_1946, %dma_wait3A_1950] : memref<327680x128xf32, #tpu.memory_space<hbm>> -> memref<64x128xf32, #tpu.memory_space<hbm>>
      %dma_wait3A_1952 = arith.constant 0 : i32
      %dma_wait3A_1953 = tpu.memref_slice %arg9[%add3A_1946, %dma_wait3A_1952] : memref<327680x128xf32, #tpu.memory_space<hbm>> -> memref<64x128xf32, #tpu.memory_space<hbm>>
      %dma_wait3A_1954 = arith.constant 0 : i32
      %dma_wait3A_1955 = arith.constant 0 : i32
      %dma_wait3A_1956 = tpu.memref_slice %arg21[%dma_wait3A_1954, %dma_wait3A_1955] : memref<64x128xf32, #tpu.memory_space<vmem>> -> memref<64x128xf32, #tpu.memory_space<vmem>>
      tpu.wait_dma2 semaphore(%arg41 : memref<!tpu.dma_semaphore, #tpu.memory_space<semaphore_mem>>) src(%dma_wait3A_1956 : memref<64x128xf32, #tpu.memory_space<vmem>>) dst(%dma_wait3A_1953 : memref<64x128xf32, #tpu.memory_space<hbm>>)
      %add3A_1957 = arith.constant 9 : i32
      %add3A_1958 = arith.addi %add3A_1939, %add3A_1957 : i32
      %mul3A_1959 = arith.constant 64 : i32
      %mul3A_1960 = arith.muli %add3A_1958, %mul3A_1959 : i32
      %dma_start3A_1961 = arith.constant 0 : i32
      %dma_start3A_1962 = arith.constant 0 : i32
      %dma_start3A_1963 = tpu.memref_slice %arg21[%dma_start3A_1961, %dma_start3A_1962] : memref<64x128xf32, #tpu.memory_space<vmem>> -> memref<64x128xf32, #tpu.memory_space<vmem>>
      %dma_start3A_1964 = tpu.memref_slice %arg12[%mul3A_1960] : memref<10240xi32, #tpu.memory_space<vmem>> -> memref<64xi32, #tpu.memory_space<vmem>>
      %dma_start3A_1965 = arith.constant 0 : i32
      %dma_start3A_1966 = arith.constant 0 : i32
      %dma_start3A_1967 = tpu.memref_slice %arg6[%dma_start3A_1965, %dma_start3A_1966] : memref<100000x128xf32, #tpu.memory_space<hbm>> -> memref<100000x128xf32, #tpu.memory_space<hbm>>
      tpu.enqueue_indirect_dma source(%dma_start3A_1967 : memref<100000x128xf32, #tpu.memory_space<hbm>>) target(%dma_start3A_1963 : memref<64x128xf32, #tpu.memory_space<vmem>>) offsets(%dma_start3A_1964 : memref<64xi32, #tpu.memory_space<vmem>>) semaphore(%arg31 : memref<!tpu.dma_semaphore, #tpu.memory_space<semaphore_mem>>)
      %mul3A_1968 = arith.constant 64 : i32
      %mul3A_1969 = arith.muli %add3A_1939, %mul3A_1968 : i32
      %dma_wait3A_1970 = arith.constant 0 : i32
      %dma_wait3A_1971 = arith.constant 0 : i32
      %dma_wait3A_1972 = tpu.memref_slice %arg22[%dma_wait3A_1970, %dma_wait3A_1971] : memref<64x128xf32, #tpu.memory_space<vmem>> -> memref<64x128xf32, #tpu.memory_space<vmem>>
      %dma_wait3A_1973 = tpu.memref_slice %arg12[%mul3A_1969] : memref<10240xi32, #tpu.memory_space<vmem>> -> memref<64xi32, #tpu.memory_space<vmem>>
      %dma_wait3A_1974 = arith.constant 0 : i32
      %dma_wait3A_1975 = arith.constant 0 : i32
      %dma_wait3A_1976 = tpu.memref_slice %arg6[%dma_wait3A_1974, %dma_wait3A_1975] : memref<100000x128xf32, #tpu.memory_space<hbm>> -> memref<100000x128xf32, #tpu.memory_space<hbm>>
      tpu.wait_indirect_dma semaphore(%arg32 : memref<!tpu.dma_semaphore, #tpu.memory_space<semaphore_mem>>) src(%dma_wait3A_1976 : memref<100000x128xf32, #tpu.memory_space<hbm>>) dst(%dma_wait3A_1972 : memref<64x128xf32, #tpu.memory_space<vmem>>)
      %mul3A_1977 = arith.constant 64 : i32
      %mul3A_1978 = arith.muli %add3A_1939, %mul3A_1977 : i32
      %add3A_1979 = arith.addi %mul3A_662, %mul3A_1978 : i32
      %dma_start3A_1980 = arith.constant 0 : i32
      %dma_start3A_1981 = arith.constant 0 : i32
      %dma_start3A_1982 = tpu.memref_slice %arg22[%dma_start3A_1980, %dma_start3A_1981] : memref<64x128xf32, #tpu.memory_space<vmem>> -> memref<64x128xf32, #tpu.memory_space<vmem>>
      %dma_start3A_1983 = arith.constant 0 : i32
      %dma_start3A_1984 = tpu.memref_slice %arg9[%add3A_1979, %dma_start3A_1983] : memref<327680x128xf32, #tpu.memory_space<hbm>> -> memref<64x128xf32, #tpu.memory_space<hbm>>
      %dma_start3A_1985 = arith.constant 0 : i32
      %dma_start3A_1986 = tpu.memref_slice %arg9[%add3A_1979, %dma_start3A_1985] : memref<327680x128xf32, #tpu.memory_space<hbm>> -> memref<64x128xf32, #tpu.memory_space<hbm>>
      %dma_start3A_1987 = arith.constant 0 : i32
      %dma_start3A_1988 = arith.constant 0 : i32
      %dma_start3A_1989 = tpu.memref_slice %arg22[%dma_start3A_1987, %dma_start3A_1988] : memref<64x128xf32, #tpu.memory_space<vmem>> -> memref<64x128xf32, #tpu.memory_space<vmem>>
      tpu.enqueue_dma source(%dma_start3A_1989 : memref<64x128xf32, #tpu.memory_space<vmem>>) target(%dma_start3A_1986 : memref<64x128xf32, #tpu.memory_space<hbm>>) target_semaphore(%arg42 : memref<!tpu.dma_semaphore, #tpu.memory_space<semaphore_mem>>)
    }
    %scan3A_1127 = arith.constant 14 : i32
    %add3A_1128 = arith.constant 9536 : i32
    %add3A_1129 = arith.addi %mul3A_662, %add3A_1128 : i32
    %dma_wait3A_1130 = arith.constant 0 : i32
    %dma_wait3A_1131 = arith.constant 0 : i32
    %dma_wait3A_1132 = tpu.memref_slice %arg22[%dma_wait3A_1130, %dma_wait3A_1131] : memref<64x128xf32, #tpu.memory_space<vmem>> -> memref<64x128xf32, #tpu.memory_space<vmem>>
    %dma_wait3A_1133 = arith.constant 0 : i32
    %dma_wait3A_1134 = tpu.memref_slice %arg9[%add3A_1129, %dma_wait3A_1133] : memref<327680x128xf32, #tpu.memory_space<hbm>> -> memref<64x128xf32, #tpu.memory_space<hbm>>
    %dma_wait3A_1135 = arith.constant 0 : i32
    %dma_wait3A_1136 = tpu.memref_slice %arg9[%add3A_1129, %dma_wait3A_1135] : memref<327680x128xf32, #tpu.memory_space<hbm>> -> memref<64x128xf32, #tpu.memory_space<hbm>>
    %dma_wait3A_1137 = arith.constant 0 : i32
    %dma_wait3A_1138 = arith.constant 0 : i32
    %dma_wait3A_1139 = tpu.memref_slice %arg22[%dma_wait3A_1137, %dma_wait3A_1138] : memref<64x128xf32, #tpu.memory_space<vmem>> -> memref<64x128xf32, #tpu.memory_space<vmem>>
    tpu.wait_dma2 semaphore(%arg42 : memref<!tpu.dma_semaphore, #tpu.memory_space<semaphore_mem>>) src(%dma_wait3A_1139 : memref<64x128xf32, #tpu.memory_space<vmem>>) dst(%dma_wait3A_1136 : memref<64x128xf32, #tpu.memory_space<hbm>>)
    %dma_start3A_1140 = arith.constant 0 : i32
    %dma_start3A_1141 = arith.constant 0 : i32
    %dma_start3A_1142 = tpu.memref_slice %arg22[%dma_start3A_1140, %dma_start3A_1141] : memref<64x128xf32, #tpu.memory_space<vmem>> -> memref<64x128xf32, #tpu.memory_space<vmem>>
    %dma_start3A_1143 = arith.constant 10176 : i32
    %dma_start3A_1144 = tpu.memref_slice %arg12[%dma_start3A_1143] : memref<10240xi32, #tpu.memory_space<vmem>> -> memref<64xi32, #tpu.memory_space<vmem>>
    %dma_start3A_1145 = arith.constant 0 : i32
    %dma_start3A_1146 = arith.constant 0 : i32
    %dma_start3A_1147 = tpu.memref_slice %arg6[%dma_start3A_1145, %dma_start3A_1146] : memref<100000x128xf32, #tpu.memory_space<hbm>> -> memref<100000x128xf32, #tpu.memory_space<hbm>>
    tpu.enqueue_indirect_dma source(%dma_start3A_1147 : memref<100000x128xf32, #tpu.memory_space<hbm>>) target(%dma_start3A_1142 : memref<64x128xf32, #tpu.memory_space<vmem>>) offsets(%dma_start3A_1144 : memref<64xi32, #tpu.memory_space<vmem>>) semaphore(%arg32 : memref<!tpu.dma_semaphore, #tpu.memory_space<semaphore_mem>>)
    %dma_wait3A_1148 = arith.constant 0 : i32
    %dma_wait3A_1149 = arith.constant 0 : i32
    %dma_wait3A_1150 = tpu.memref_slice %arg13[%dma_wait3A_1148, %dma_wait3A_1149] : memref<64x128xf32, #tpu.memory_space<vmem>> -> memref<64x128xf32, #tpu.memory_space<vmem>>
    %dma_wait3A_1151 = arith.constant 9600 : i32
    %dma_wait3A_1152 = tpu.memref_slice %arg12[%dma_wait3A_1151] : memref<10240xi32, #tpu.memory_space<vmem>> -> memref<64xi32, #tpu.memory_space<vmem>>
    %dma_wait3A_1153 = arith.constant 0 : i32
    %dma_wait3A_1154 = arith.constant 0 : i32
    %dma_wait3A_1155 = tpu.memref_slice %arg6[%dma_wait3A_1153, %dma_wait3A_1154] : memref<100000x128xf32, #tpu.memory_space<hbm>> -> memref<100000x128xf32, #tpu.memory_space<hbm>>
    tpu.wait_indirect_dma semaphore(%arg23 : memref<!tpu.dma_semaphore, #tpu.memory_space<semaphore_mem>>) src(%dma_wait3A_1155 : memref<100000x128xf32, #tpu.memory_space<hbm>>) dst(%dma_wait3A_1150 : memref<64x128xf32, #tpu.memory_space<vmem>>)
    %add3A_1156 = arith.constant 9600 : i32
    %add3A_1157 = arith.addi %mul3A_662, %add3A_1156 : i32
    %dma_start3A_1158 = arith.constant 0 : i32
    %dma_start3A_1159 = arith.constant 0 : i32
    %dma_start3A_1160 = tpu.memref_slice %arg13[%dma_start3A_1158, %dma_start3A_1159] : memref<64x128xf32, #tpu.memory_space<vmem>> -> memref<64x128xf32, #tpu.memory_space<vmem>>
    %dma_start3A_1161 = arith.constant 0 : i32
    %dma_start3A_1162 = tpu.memref_slice %arg9[%add3A_1157, %dma_start3A_1161] : memref<327680x128xf32, #tpu.memory_space<hbm>> -> memref<64x128xf32, #tpu.memory_space<hbm>>
    %dma_start3A_1163 = arith.constant 0 : i32
    %dma_start3A_1164 = tpu.memref_slice %arg9[%add3A_1157, %dma_start3A_1163] : memref<327680x128xf32, #tpu.memory_space<hbm>> -> memref<64x128xf32, #tpu.memory_space<hbm>>
    %dma_start3A_1165 = arith.constant 0 : i32
    %dma_start3A_1166 = arith.constant 0 : i32
    %dma_start3A_1167 = tpu.memref_slice %arg13[%dma_start3A_1165, %dma_start3A_1166] : memref<64x128xf32, #tpu.memory_space<vmem>> -> memref<64x128xf32, #tpu.memory_space<vmem>>
    tpu.enqueue_dma source(%dma_start3A_1167 : memref<64x128xf32, #tpu.memory_space<vmem>>) target(%dma_start3A_1164 : memref<64x128xf32, #tpu.memory_space<hbm>>) target_semaphore(%arg33 : memref<!tpu.dma_semaphore, #tpu.memory_space<semaphore_mem>>)
    %dma_wait3A_1168 = arith.constant 0 : i32
    %dma_wait3A_1169 = arith.constant 0 : i32
    %dma_wait3A_1170 = tpu.memref_slice %arg14[%dma_wait3A_1168, %dma_wait3A_1169] : memref<64x128xf32, #tpu.memory_space<vmem>> -> memref<64x128xf32, #tpu.memory_space<vmem>>
    %dma_wait3A_1171 = arith.constant 9664 : i32
    %dma_wait3A_1172 = tpu.memref_slice %arg12[%dma_wait3A_1171] : memref<10240xi32, #tpu.memory_space<vmem>> -> memref<64xi32, #tpu.memory_space<vmem>>
    %dma_wait3A_1173 = arith.constant 0 : i32
    %dma_wait3A_1174 = arith.constant 0 : i32
    %dma_wait3A_1175 = tpu.memref_slice %arg6[%dma_wait3A_1173, %dma_wait3A_1174] : memref<100000x128xf32, #tpu.memory_space<hbm>> -> memref<100000x128xf32, #tpu.memory_space<hbm>>
    tpu.wait_indirect_dma semaphore(%arg24 : memref<!tpu.dma_semaphore, #tpu.memory_space<semaphore_mem>>) src(%dma_wait3A_1175 : memref<100000x128xf32, #tpu.memory_space<hbm>>) dst(%dma_wait3A_1170 : memref<64x128xf32, #tpu.memory_space<vmem>>)
    %add3A_1176 = arith.constant 9664 : i32
    %add3A_1177 = arith.addi %mul3A_662, %add3A_1176 : i32
    %dma_start3A_1178 = arith.constant 0 : i32
    %dma_start3A_1179 = arith.constant 0 : i32
    %dma_start3A_1180 = tpu.memref_slice %arg14[%dma_start3A_1178, %dma_start3A_1179] : memref<64x128xf32, #tpu.memory_space<vmem>> -> memref<64x128xf32, #tpu.memory_space<vmem>>
    %dma_start3A_1181 = arith.constant 0 : i32
    %dma_start3A_1182 = tpu.memref_slice %arg9[%add3A_1177, %dma_start3A_1181] : memref<327680x128xf32, #tpu.memory_space<hbm>> -> memref<64x128xf32, #tpu.memory_space<hbm>>
    %dma_start3A_1183 = arith.constant 0 : i32
    %dma_start3A_1184 = tpu.memref_slice %arg9[%add3A_1177, %dma_start3A_1183] : memref<327680x128xf32, #tpu.memory_space<hbm>> -> memref<64x128xf32, #tpu.memory_space<hbm>>
    %dma_start3A_1185 = arith.constant 0 : i32
    %dma_start3A_1186 = arith.constant 0 : i32
    %dma_start3A_1187 = tpu.memref_slice %arg14[%dma_start3A_1185, %dma_start3A_1186] : memref<64x128xf32, #tpu.memory_space<vmem>> -> memref<64x128xf32, #tpu.memory_space<vmem>>
    tpu.enqueue_dma source(%dma_start3A_1187 : memref<64x128xf32, #tpu.memory_space<vmem>>) target(%dma_start3A_1184 : memref<64x128xf32, #tpu.memory_space<hbm>>) target_semaphore(%arg34 : memref<!tpu.dma_semaphore, #tpu.memory_space<semaphore_mem>>)
    %dma_wait3A_1188 = arith.constant 0 : i32
    %dma_wait3A_1189 = arith.constant 0 : i32
    %dma_wait3A_1190 = tpu.memref_slice %arg15[%dma_wait3A_1188, %dma_wait3A_1189] : memref<64x128xf32, #tpu.memory_space<vmem>> -> memref<64x128xf32, #tpu.memory_space<vmem>>
    %dma_wait3A_1191 = arith.constant 9728 : i32
    %dma_wait3A_1192 = tpu.memref_slice %arg12[%dma_wait3A_1191] : memref<10240xi32, #tpu.memory_space<vmem>> -> memref<64xi32, #tpu.memory_space<vmem>>
    %dma_wait3A_1193 = arith.constant 0 : i32
    %dma_wait3A_1194 = arith.constant 0 : i32
    %dma_wait3A_1195 = tpu.memref_slice %arg6[%dma_wait3A_1193, %dma_wait3A_1194] : memref<100000x128xf32, #tpu.memory_space<hbm>> -> memref<100000x128xf32, #tpu.memory_space<hbm>>
    tpu.wait_indirect_dma semaphore(%arg25 : memref<!tpu.dma_semaphore, #tpu.memory_space<semaphore_mem>>) src(%dma_wait3A_1195 : memref<100000x128xf32, #tpu.memory_space<hbm>>) dst(%dma_wait3A_1190 : memref<64x128xf32, #tpu.memory_space<vmem>>)
    %add3A_1196 = arith.constant 9728 : i32
    %add3A_1197 = arith.addi %mul3A_662, %add3A_1196 : i32
    %dma_start3A_1198 = arith.constant 0 : i32
    %dma_start3A_1199 = arith.constant 0 : i32
    %dma_start3A_1200 = tpu.memref_slice %arg15[%dma_start3A_1198, %dma_start3A_1199] : memref<64x128xf32, #tpu.memory_space<vmem>> -> memref<64x128xf32, #tpu.memory_space<vmem>>
    %dma_start3A_1201 = arith.constant 0 : i32
    %dma_start3A_1202 = tpu.memref_slice %arg9[%add3A_1197, %dma_start3A_1201] : memref<327680x128xf32, #tpu.memory_space<hbm>> -> memref<64x128xf32, #tpu.memory_space<hbm>>
    %dma_start3A_1203 = arith.constant 0 : i32
    %dma_start3A_1204 = tpu.memref_slice %arg9[%add3A_1197, %dma_start3A_1203] : memref<327680x128xf32, #tpu.memory_space<hbm>> -> memref<64x128xf32, #tpu.memory_space<hbm>>
    %dma_start3A_1205 = arith.constant 0 : i32
    %dma_start3A_1206 = arith.constant 0 : i32
    %dma_start3A_1207 = tpu.memref_slice %arg15[%dma_start3A_1205, %dma_start3A_1206] : memref<64x128xf32, #tpu.memory_space<vmem>> -> memref<64x128xf32, #tpu.memory_space<vmem>>
    tpu.enqueue_dma source(%dma_start3A_1207 : memref<64x128xf32, #tpu.memory_space<vmem>>) target(%dma_start3A_1204 : memref<64x128xf32, #tpu.memory_space<hbm>>) target_semaphore(%arg35 : memref<!tpu.dma_semaphore, #tpu.memory_space<semaphore_mem>>)
    %dma_wait3A_1208 = arith.constant 0 : i32
    %dma_wait3A_1209 = arith.constant 0 : i32
    %dma_wait3A_1210 = tpu.memref_slice %arg16[%dma_wait3A_1208, %dma_wait3A_1209] : memref<64x128xf32, #tpu.memory_space<vmem>> -> memref<64x128xf32, #tpu.memory_space<vmem>>
    %dma_wait3A_1211 = arith.constant 9792 : i32
    %dma_wait3A_1212 = tpu.memref_slice %arg12[%dma_wait3A_1211] : memref<10240xi32, #tpu.memory_space<vmem>> -> memref<64xi32, #tpu.memory_space<vmem>>
    %dma_wait3A_1213 = arith.constant 0 : i32
    %dma_wait3A_1214 = arith.constant 0 : i32
    %dma_wait3A_1215 = tpu.memref_slice %arg6[%dma_wait3A_1213, %dma_wait3A_1214] : memref<100000x128xf32, #tpu.memory_space<hbm>> -> memref<100000x128xf32, #tpu.memory_space<hbm>>
    tpu.wait_indirect_dma semaphore(%arg26 : memref<!tpu.dma_semaphore, #tpu.memory_space<semaphore_mem>>) src(%dma_wait3A_1215 : memref<100000x128xf32, #tpu.memory_space<hbm>>) dst(%dma_wait3A_1210 : memref<64x128xf32, #tpu.memory_space<vmem>>)
    %add3A_1216 = arith.constant 9792 : i32
    %add3A_1217 = arith.addi %mul3A_662, %add3A_1216 : i32
    %dma_start3A_1218 = arith.constant 0 : i32
    %dma_start3A_1219 = arith.constant 0 : i32
    %dma_start3A_1220 = tpu.memref_slice %arg16[%dma_start3A_1218, %dma_start3A_1219] : memref<64x128xf32, #tpu.memory_space<vmem>> -> memref<64x128xf32, #tpu.memory_space<vmem>>
    %dma_start3A_1221 = arith.constant 0 : i32
    %dma_start3A_1222 = tpu.memref_slice %arg9[%add3A_1217, %dma_start3A_1221] : memref<327680x128xf32, #tpu.memory_space<hbm>> -> memref<64x128xf32, #tpu.memory_space<hbm>>
    %dma_start3A_1223 = arith.constant 0 : i32
    %dma_start3A_1224 = tpu.memref_slice %arg9[%add3A_1217, %dma_start3A_1223] : memref<327680x128xf32, #tpu.memory_space<hbm>> -> memref<64x128xf32, #tpu.memory_space<hbm>>
    %dma_start3A_1225 = arith.constant 0 : i32
    %dma_start3A_1226 = arith.constant 0 : i32
    %dma_start3A_1227 = tpu.memref_slice %arg16[%dma_start3A_1225, %dma_start3A_1226] : memref<64x128xf32, #tpu.memory_space<vmem>> -> memref<64x128xf32, #tpu.memory_space<vmem>>
    tpu.enqueue_dma source(%dma_start3A_1227 : memref<64x128xf32, #tpu.memory_space<vmem>>) target(%dma_start3A_1224 : memref<64x128xf32, #tpu.memory_space<hbm>>) target_semaphore(%arg36 : memref<!tpu.dma_semaphore, #tpu.memory_space<semaphore_mem>>)
    %dma_wait3A_1228 = arith.constant 0 : i32
    %dma_wait3A_1229 = arith.constant 0 : i32
    %dma_wait3A_1230 = tpu.memref_slice %arg17[%dma_wait3A_1228, %dma_wait3A_1229] : memref<64x128xf32, #tpu.memory_space<vmem>> -> memref<64x128xf32, #tpu.memory_space<vmem>>
    %dma_wait3A_1231 = arith.constant 9856 : i32
    %dma_wait3A_1232 = tpu.memref_slice %arg12[%dma_wait3A_1231] : memref<10240xi32, #tpu.memory_space<vmem>> -> memref<64xi32, #tpu.memory_space<vmem>>
    %dma_wait3A_1233 = arith.constant 0 : i32
    %dma_wait3A_1234 = arith.constant 0 : i32
    %dma_wait3A_1235 = tpu.memref_slice %arg6[%dma_wait3A_1233, %dma_wait3A_1234] : memref<100000x128xf32, #tpu.memory_space<hbm>> -> memref<100000x128xf32, #tpu.memory_space<hbm>>
    tpu.wait_indirect_dma semaphore(%arg27 : memref<!tpu.dma_semaphore, #tpu.memory_space<semaphore_mem>>) src(%dma_wait3A_1235 : memref<100000x128xf32, #tpu.memory_space<hbm>>) dst(%dma_wait3A_1230 : memref<64x128xf32, #tpu.memory_space<vmem>>)
    %add3A_1236 = arith.constant 9856 : i32
    %add3A_1237 = arith.addi %mul3A_662, %add3A_1236 : i32
    %dma_start3A_1238 = arith.constant 0 : i32
    %dma_start3A_1239 = arith.constant 0 : i32
    %dma_start3A_1240 = tpu.memref_slice %arg17[%dma_start3A_1238, %dma_start3A_1239] : memref<64x128xf32, #tpu.memory_space<vmem>> -> memref<64x128xf32, #tpu.memory_space<vmem>>
    %dma_start3A_1241 = arith.constant 0 : i32
    %dma_start3A_1242 = tpu.memref_slice %arg9[%add3A_1237, %dma_start3A_1241] : memref<327680x128xf32, #tpu.memory_space<hbm>> -> memref<64x128xf32, #tpu.memory_space<hbm>>
    %dma_start3A_1243 = arith.constant 0 : i32
    %dma_start3A_1244 = tpu.memref_slice %arg9[%add3A_1237, %dma_start3A_1243] : memref<327680x128xf32, #tpu.memory_space<hbm>> -> memref<64x128xf32, #tpu.memory_space<hbm>>
    %dma_start3A_1245 = arith.constant 0 : i32
    %dma_start3A_1246 = arith.constant 0 : i32
    %dma_start3A_1247 = tpu.memref_slice %arg17[%dma_start3A_1245, %dma_start3A_1246] : memref<64x128xf32, #tpu.memory_space<vmem>> -> memref<64x128xf32, #tpu.memory_space<vmem>>
    tpu.enqueue_dma source(%dma_start3A_1247 : memref<64x128xf32, #tpu.memory_space<vmem>>) target(%dma_start3A_1244 : memref<64x128xf32, #tpu.memory_space<hbm>>) target_semaphore(%arg37 : memref<!tpu.dma_semaphore, #tpu.memory_space<semaphore_mem>>)
    %dma_wait3A_1248 = arith.constant 0 : i32
    %dma_wait3A_1249 = arith.constant 0 : i32
    %dma_wait3A_1250 = tpu.memref_slice %arg18[%dma_wait3A_1248, %dma_wait3A_1249] : memref<64x128xf32, #tpu.memory_space<vmem>> -> memref<64x128xf32, #tpu.memory_space<vmem>>
    %dma_wait3A_1251 = arith.constant 9920 : i32
    %dma_wait3A_1252 = tpu.memref_slice %arg12[%dma_wait3A_1251] : memref<10240xi32, #tpu.memory_space<vmem>> -> memref<64xi32, #tpu.memory_space<vmem>>
    %dma_wait3A_1253 = arith.constant 0 : i32
    %dma_wait3A_1254 = arith.constant 0 : i32
    %dma_wait3A_1255 = tpu.memref_slice %arg6[%dma_wait3A_1253, %dma_wait3A_1254] : memref<100000x128xf32, #tpu.memory_space<hbm>> -> memref<100000x128xf32, #tpu.memory_space<hbm>>
    tpu.wait_indirect_dma semaphore(%arg28 : memref<!tpu.dma_semaphore, #tpu.memory_space<semaphore_mem>>) src(%dma_wait3A_1255 : memref<100000x128xf32, #tpu.memory_space<hbm>>) dst(%dma_wait3A_1250 : memref<64x128xf32, #tpu.memory_space<vmem>>)
    %add3A_1256 = arith.constant 9920 : i32
    %add3A_1257 = arith.addi %mul3A_662, %add3A_1256 : i32
    %dma_start3A_1258 = arith.constant 0 : i32
    %dma_start3A_1259 = arith.constant 0 : i32
    %dma_start3A_1260 = tpu.memref_slice %arg18[%dma_start3A_1258, %dma_start3A_1259] : memref<64x128xf32, #tpu.memory_space<vmem>> -> memref<64x128xf32, #tpu.memory_space<vmem>>
    %dma_start3A_1261 = arith.constant 0 : i32
    %dma_start3A_1262 = tpu.memref_slice %arg9[%add3A_1257, %dma_start3A_1261] : memref<327680x128xf32, #tpu.memory_space<hbm>> -> memref<64x128xf32, #tpu.memory_space<hbm>>
    %dma_start3A_1263 = arith.constant 0 : i32
    %dma_start3A_1264 = tpu.memref_slice %arg9[%add3A_1257, %dma_start3A_1263] : memref<327680x128xf32, #tpu.memory_space<hbm>> -> memref<64x128xf32, #tpu.memory_space<hbm>>
    %dma_start3A_1265 = arith.constant 0 : i32
    %dma_start3A_1266 = arith.constant 0 : i32
    %dma_start3A_1267 = tpu.memref_slice %arg18[%dma_start3A_1265, %dma_start3A_1266] : memref<64x128xf32, #tpu.memory_space<vmem>> -> memref<64x128xf32, #tpu.memory_space<vmem>>
    tpu.enqueue_dma source(%dma_start3A_1267 : memref<64x128xf32, #tpu.memory_space<vmem>>) target(%dma_start3A_1264 : memref<64x128xf32, #tpu.memory_space<hbm>>) target_semaphore(%arg38 : memref<!tpu.dma_semaphore, #tpu.memory_space<semaphore_mem>>)
    %dma_wait3A_1268 = arith.constant 0 : i32
    %dma_wait3A_1269 = arith.constant 0 : i32
    %dma_wait3A_1270 = tpu.memref_slice %arg19[%dma_wait3A_1268, %dma_wait3A_1269] : memref<64x128xf32, #tpu.memory_space<vmem>> -> memref<64x128xf32, #tpu.memory_space<vmem>>
    %dma_wait3A_1271 = arith.constant 9984 : i32
    %dma_wait3A_1272 = tpu.memref_slice %arg12[%dma_wait3A_1271] : memref<10240xi32, #tpu.memory_space<vmem>> -> memref<64xi32, #tpu.memory_space<vmem>>
    %dma_wait3A_1273 = arith.constant 0 : i32
    %dma_wait3A_1274 = arith.constant 0 : i32
    %dma_wait3A_1275 = tpu.memref_slice %arg6[%dma_wait3A_1273, %dma_wait3A_1274] : memref<100000x128xf32, #tpu.memory_space<hbm>> -> memref<100000x128xf32, #tpu.memory_space<hbm>>
    tpu.wait_indirect_dma semaphore(%arg29 : memref<!tpu.dma_semaphore, #tpu.memory_space<semaphore_mem>>) src(%dma_wait3A_1275 : memref<100000x128xf32, #tpu.memory_space<hbm>>) dst(%dma_wait3A_1270 : memref<64x128xf32, #tpu.memory_space<vmem>>)
    %add3A_1276 = arith.constant 9984 : i32
    %add3A_1277 = arith.addi %mul3A_662, %add3A_1276 : i32
    %dma_start3A_1278 = arith.constant 0 : i32
    %dma_start3A_1279 = arith.constant 0 : i32
    %dma_start3A_1280 = tpu.memref_slice %arg19[%dma_start3A_1278, %dma_start3A_1279] : memref<64x128xf32, #tpu.memory_space<vmem>> -> memref<64x128xf32, #tpu.memory_space<vmem>>
    %dma_start3A_1281 = arith.constant 0 : i32
    %dma_start3A_1282 = tpu.memref_slice %arg9[%add3A_1277, %dma_start3A_1281] : memref<327680x128xf32, #tpu.memory_space<hbm>> -> memref<64x128xf32, #tpu.memory_space<hbm>>
    %dma_start3A_1283 = arith.constant 0 : i32
    %dma_start3A_1284 = tpu.memref_slice %arg9[%add3A_1277, %dma_start3A_1283] : memref<327680x128xf32, #tpu.memory_space<hbm>> -> memref<64x128xf32, #tpu.memory_space<hbm>>
    %dma_start3A_1285 = arith.constant 0 : i32
    %dma_start3A_1286 = arith.constant 0 : i32
    %dma_start3A_1287 = tpu.memref_slice %arg19[%dma_start3A_1285, %dma_start3A_1286] : memref<64x128xf32, #tpu.memory_space<vmem>> -> memref<64x128xf32, #tpu.memory_space<vmem>>
    tpu.enqueue_dma source(%dma_start3A_1287 : memref<64x128xf32, #tpu.memory_space<vmem>>) target(%dma_start3A_1284 : memref<64x128xf32, #tpu.memory_space<hbm>>) target_semaphore(%arg39 : memref<!tpu.dma_semaphore, #tpu.memory_space<semaphore_mem>>)
    %dma_wait3A_1288 = arith.constant 0 : i32
    %dma_wait3A_1289 = arith.constant 0 : i32
    %dma_wait3A_1290 = tpu.memref_slice %arg20[%dma_wait3A_1288, %dma_wait3A_1289] : memref<64x128xf32, #tpu.memory_space<vmem>> -> memref<64x128xf32, #tpu.memory_space<vmem>>
    %dma_wait3A_1291 = arith.constant 10048 : i32
    %dma_wait3A_1292 = tpu.memref_slice %arg12[%dma_wait3A_1291] : memref<10240xi32, #tpu.memory_space<vmem>> -> memref<64xi32, #tpu.memory_space<vmem>>
    %dma_wait3A_1293 = arith.constant 0 : i32
    %dma_wait3A_1294 = arith.constant 0 : i32
    %dma_wait3A_1295 = tpu.memref_slice %arg6[%dma_wait3A_1293, %dma_wait3A_1294] : memref<100000x128xf32, #tpu.memory_space<hbm>> -> memref<100000x128xf32, #tpu.memory_space<hbm>>
    tpu.wait_indirect_dma semaphore(%arg30 : memref<!tpu.dma_semaphore, #tpu.memory_space<semaphore_mem>>) src(%dma_wait3A_1295 : memref<100000x128xf32, #tpu.memory_space<hbm>>) dst(%dma_wait3A_1290 : memref<64x128xf32, #tpu.memory_space<vmem>>)
    %add3A_1296 = arith.constant 10048 : i32
    %add3A_1297 = arith.addi %mul3A_662, %add3A_1296 : i32
    %dma_start3A_1298 = arith.constant 0 : i32
    %dma_start3A_1299 = arith.constant 0 : i32
    %dma_start3A_1300 = tpu.memref_slice %arg20[%dma_start3A_1298, %dma_start3A_1299] : memref<64x128xf32, #tpu.memory_space<vmem>> -> memref<64x128xf32, #tpu.memory_space<vmem>>
    %dma_start3A_1301 = arith.constant 0 : i32
    %dma_start3A_1302 = tpu.memref_slice %arg9[%add3A_1297, %dma_start3A_1301] : memref<327680x128xf32, #tpu.memory_space<hbm>> -> memref<64x128xf32, #tpu.memory_space<hbm>>
    %dma_start3A_1303 = arith.constant 0 : i32
    %dma_start3A_1304 = tpu.memref_slice %arg9[%add3A_1297, %dma_start3A_1303] : memref<327680x128xf32, #tpu.memory_space<hbm>> -> memref<64x128xf32, #tpu.memory_space<hbm>>
    %dma_start3A_1305 = arith.constant 0 : i32
    %dma_start3A_1306 = arith.constant 0 : i32
    %dma_start3A_1307 = tpu.memref_slice %arg20[%dma_start3A_1305, %dma_start3A_1306] : memref<64x128xf32, #tpu.memory_space<vmem>> -> memref<64x128xf32, #tpu.memory_space<vmem>>
    tpu.enqueue_dma source(%dma_start3A_1307 : memref<64x128xf32, #tpu.memory_space<vmem>>) target(%dma_start3A_1304 : memref<64x128xf32, #tpu.memory_space<hbm>>) target_semaphore(%arg40 : memref<!tpu.dma_semaphore, #tpu.memory_space<semaphore_mem>>)
    %dma_wait3A_1308 = arith.constant 0 : i32
    %dma_wait3A_1309 = arith.constant 0 : i32
    %dma_wait3A_1310 = tpu.memref_slice %arg21[%dma_wait3A_1308, %dma_wait3A_1309] : memref<64x128xf32, #tpu.memory_space<vmem>> -> memref<64x128xf32, #tpu.memory_space<vmem>>
    %dma_wait3A_1311 = arith.constant 10112 : i32
    %dma_wait3A_1312 = tpu.memref_slice %arg12[%dma_wait3A_1311] : memref<10240xi32, #tpu.memory_space<vmem>> -> memref<64xi32, #tpu.memory_space<vmem>>
    %dma_wait3A_1313 = arith.constant 0 : i32
    %dma_wait3A_1314 = arith.constant 0 : i32
    %dma_wait3A_1315 = tpu.memref_slice %arg6[%dma_wait3A_1313, %dma_wait3A_1314] : memref<100000x128xf32, #tpu.memory_space<hbm>> -> memref<100000x128xf32, #tpu.memory_space<hbm>>
    tpu.wait_indirect_dma semaphore(%arg31 : memref<!tpu.dma_semaphore, #tpu.memory_space<semaphore_mem>>) src(%dma_wait3A_1315 : memref<100000x128xf32, #tpu.memory_space<hbm>>) dst(%dma_wait3A_1310 : memref<64x128xf32, #tpu.memory_space<vmem>>)
    %add3A_1316 = arith.constant 10112 : i32
    %add3A_1317 = arith.addi %mul3A_662, %add3A_1316 : i32
    %dma_start3A_1318 = arith.constant 0 : i32
    %dma_start3A_1319 = arith.constant 0 : i32
    %dma_start3A_1320 = tpu.memref_slice %arg21[%dma_start3A_1318, %dma_start3A_1319] : memref<64x128xf32, #tpu.memory_space<vmem>> -> memref<64x128xf32, #tpu.memory_space<vmem>>
    %dma_start3A_1321 = arith.constant 0 : i32
    %dma_start3A_1322 = tpu.memref_slice %arg9[%add3A_1317, %dma_start3A_1321] : memref<327680x128xf32, #tpu.memory_space<hbm>> -> memref<64x128xf32, #tpu.memory_space<hbm>>
    %dma_start3A_1323 = arith.constant 0 : i32
    %dma_start3A_1324 = tpu.memref_slice %arg9[%add3A_1317, %dma_start3A_1323] : memref<327680x128xf32, #tpu.memory_space<hbm>> -> memref<64x128xf32, #tpu.memory_space<hbm>>
    %dma_start3A_1325 = arith.constant 0 : i32
    %dma_start3A_1326 = arith.constant 0 : i32
    %dma_start3A_1327 = tpu.memref_slice %arg21[%dma_start3A_1325, %dma_start3A_1326] : memref<64x128xf32, #tpu.memory_space<vmem>> -> memref<64x128xf32, #tpu.memory_space<vmem>>
    tpu.enqueue_dma source(%dma_start3A_1327 : memref<64x128xf32, #tpu.memory_space<vmem>>) target(%dma_start3A_1324 : memref<64x128xf32, #tpu.memory_space<hbm>>) target_semaphore(%arg41 : memref<!tpu.dma_semaphore, #tpu.memory_space<semaphore_mem>>)
    %dma_wait3A_1328 = arith.constant 0 : i32
    %dma_wait3A_1329 = arith.constant 0 : i32
    %dma_wait3A_1330 = tpu.memref_slice %arg22[%dma_wait3A_1328, %dma_wait3A_1329] : memref<64x128xf32, #tpu.memory_space<vmem>> -> memref<64x128xf32, #tpu.memory_space<vmem>>
    %dma_wait3A_1331 = arith.constant 10176 : i32
    %dma_wait3A_1332 = tpu.memref_slice %arg12[%dma_wait3A_1331] : memref<10240xi32, #tpu.memory_space<vmem>> -> memref<64xi32, #tpu.memory_space<vmem>>
    %dma_wait3A_1333 = arith.constant 0 : i32
    %dma_wait3A_1334 = arith.constant 0 : i32
    %dma_wait3A_1335 = tpu.memref_slice %arg6[%dma_wait3A_1333, %dma_wait3A_1334] : memref<100000x128xf32, #tpu.memory_space<hbm>> -> memref<100000x128xf32, #tpu.memory_space<hbm>>
    tpu.wait_indirect_dma semaphore(%arg32 : memref<!tpu.dma_semaphore, #tpu.memory_space<semaphore_mem>>) src(%dma_wait3A_1335 : memref<100000x128xf32, #tpu.memory_space<hbm>>) dst(%dma_wait3A_1330 : memref<64x128xf32, #tpu.memory_space<vmem>>)
    %add3A_1336 = arith.constant 10176 : i32
    %add3A_1337 = arith.addi %mul3A_662, %add3A_1336 : i32
    %dma_start3A_1338 = arith.constant 0 : i32
    %dma_start3A_1339 = arith.constant 0 : i32
    %dma_start3A_1340 = tpu.memref_slice %arg22[%dma_start3A_1338, %dma_start3A_1339] : memref<64x128xf32, #tpu.memory_space<vmem>> -> memref<64x128xf32, #tpu.memory_space<vmem>>
    %dma_start3A_1341 = arith.constant 0 : i32
    %dma_start3A_1342 = tpu.memref_slice %arg9[%add3A_1337, %dma_start3A_1341] : memref<327680x128xf32, #tpu.memory_space<hbm>> -> memref<64x128xf32, #tpu.memory_space<hbm>>
    %dma_start3A_1343 = arith.constant 0 : i32
    %dma_start3A_1344 = tpu.memref_slice %arg9[%add3A_1337, %dma_start3A_1343] : memref<327680x128xf32, #tpu.memory_space<hbm>> -> memref<64x128xf32, #tpu.memory_space<hbm>>
    %dma_start3A_1345 = arith.constant 0 : i32
    %dma_start3A_1346 = arith.constant 0 : i32
    %dma_start3A_1347 = tpu.memref_slice %arg22[%dma_start3A_1345, %dma_start3A_1346] : memref<64x128xf32, #tpu.memory_space<vmem>> -> memref<64x128xf32, #tpu.memory_space<vmem>>
    tpu.enqueue_dma source(%dma_start3A_1347 : memref<64x128xf32, #tpu.memory_space<vmem>>) target(%dma_start3A_1344 : memref<64x128xf32, #tpu.memory_space<hbm>>) target_semaphore(%arg42 : memref<!tpu.dma_semaphore, #tpu.memory_space<semaphore_mem>>)
    %add3A_1348 = arith.constant 9600 : i32
    %add3A_1349 = arith.addi %mul3A_662, %add3A_1348 : i32
    %dma_wait3A_1350 = arith.constant 0 : i32
    %dma_wait3A_1351 = arith.constant 0 : i32
    %dma_wait3A_1352 = tpu.memref_slice %arg13[%dma_wait3A_1350, %dma_wait3A_1351] : memref<64x128xf32, #tpu.memory_space<vmem>> -> memref<64x128xf32, #tpu.memory_space<vmem>>
    %dma_wait3A_1353 = arith.constant 0 : i32
    %dma_wait3A_1354 = tpu.memref_slice %arg9[%add3A_1349, %dma_wait3A_1353] : memref<327680x128xf32, #tpu.memory_space<hbm>> -> memref<64x128xf32, #tpu.memory_space<hbm>>
    %dma_wait3A_1355 = arith.constant 0 : i32
    %dma_wait3A_1356 = tpu.memref_slice %arg9[%add3A_1349, %dma_wait3A_1355] : memref<327680x128xf32, #tpu.memory_space<hbm>> -> memref<64x128xf32, #tpu.memory_space<hbm>>
    %dma_wait3A_1357 = arith.constant 0 : i32
    %dma_wait3A_1358 = arith.constant 0 : i32
    %dma_wait3A_1359 = tpu.memref_slice %arg13[%dma_wait3A_1357, %dma_wait3A_1358] : memref<64x128xf32, #tpu.memory_space<vmem>> -> memref<64x128xf32, #tpu.memory_space<vmem>>
    tpu.wait_dma2 semaphore(%arg33 : memref<!tpu.dma_semaphore, #tpu.memory_space<semaphore_mem>>) src(%dma_wait3A_1359 : memref<64x128xf32, #tpu.memory_space<vmem>>) dst(%dma_wait3A_1356 : memref<64x128xf32, #tpu.memory_space<hbm>>)
    %add3A_1360 = arith.constant 9664 : i32
    %add3A_1361 = arith.addi %mul3A_662, %add3A_1360 : i32
    %dma_wait3A_1362 = arith.constant 0 : i32
    %dma_wait3A_1363 = arith.constant 0 : i32
    %dma_wait3A_1364 = tpu.memref_slice %arg14[%dma_wait3A_1362, %dma_wait3A_1363] : memref<64x128xf32, #tpu.memory_space<vmem>> -> memref<64x128xf32, #tpu.memory_space<vmem>>
    %dma_wait3A_1365 = arith.constant 0 : i32
    %dma_wait3A_1366 = tpu.memref_slice %arg9[%add3A_1361, %dma_wait3A_1365] : memref<327680x128xf32, #tpu.memory_space<hbm>> -> memref<64x128xf32, #tpu.memory_space<hbm>>
    %dma_wait3A_1367 = arith.constant 0 : i32
    %dma_wait3A_1368 = tpu.memref_slice %arg9[%add3A_1361, %dma_wait3A_1367] : memref<327680x128xf32, #tpu.memory_space<hbm>> -> memref<64x128xf32, #tpu.memory_space<hbm>>
    %dma_wait3A_1369 = arith.constant 0 : i32
    %dma_wait3A_1370 = arith.constant 0 : i32
    %dma_wait3A_1371 = tpu.memref_slice %arg14[%dma_wait3A_1369, %dma_wait3A_1370] : memref<64x128xf32, #tpu.memory_space<vmem>> -> memref<64x128xf32, #tpu.memory_space<vmem>>
    tpu.wait_dma2 semaphore(%arg34 : memref<!tpu.dma_semaphore, #tpu.memory_space<semaphore_mem>>) src(%dma_wait3A_1371 : memref<64x128xf32, #tpu.memory_space<vmem>>) dst(%dma_wait3A_1368 : memref<64x128xf32, #tpu.memory_space<hbm>>)
    %add3A_1372 = arith.constant 9728 : i32
    %add3A_1373 = arith.addi %mul3A_662, %add3A_1372 : i32
    %dma_wait3A_1374 = arith.constant 0 : i32
    %dma_wait3A_1375 = arith.constant 0 : i32
    %dma_wait3A_1376 = tpu.memref_slice %arg15[%dma_wait3A_1374, %dma_wait3A_1375] : memref<64x128xf32, #tpu.memory_space<vmem>> -> memref<64x128xf32, #tpu.memory_space<vmem>>
    %dma_wait3A_1377 = arith.constant 0 : i32
    %dma_wait3A_1378 = tpu.memref_slice %arg9[%add3A_1373, %dma_wait3A_1377] : memref<327680x128xf32, #tpu.memory_space<hbm>> -> memref<64x128xf32, #tpu.memory_space<hbm>>
    %dma_wait3A_1379 = arith.constant 0 : i32
    %dma_wait3A_1380 = tpu.memref_slice %arg9[%add3A_1373, %dma_wait3A_1379] : memref<327680x128xf32, #tpu.memory_space<hbm>> -> memref<64x128xf32, #tpu.memory_space<hbm>>
    %dma_wait3A_1381 = arith.constant 0 : i32
    %dma_wait3A_1382 = arith.constant 0 : i32
    %dma_wait3A_1383 = tpu.memref_slice %arg15[%dma_wait3A_1381, %dma_wait3A_1382] : memref<64x128xf32, #tpu.memory_space<vmem>> -> memref<64x128xf32, #tpu.memory_space<vmem>>
    tpu.wait_dma2 semaphore(%arg35 : memref<!tpu.dma_semaphore, #tpu.memory_space<semaphore_mem>>) src(%dma_wait3A_1383 : memref<64x128xf32, #tpu.memory_space<vmem>>) dst(%dma_wait3A_1380 : memref<64x128xf32, #tpu.memory_space<hbm>>)
    %add3A_1384 = arith.constant 9792 : i32
    %add3A_1385 = arith.addi %mul3A_662, %add3A_1384 : i32
    %dma_wait3A_1386 = arith.constant 0 : i32
    %dma_wait3A_1387 = arith.constant 0 : i32
    %dma_wait3A_1388 = tpu.memref_slice %arg16[%dma_wait3A_1386, %dma_wait3A_1387] : memref<64x128xf32, #tpu.memory_space<vmem>> -> memref<64x128xf32, #tpu.memory_space<vmem>>
    %dma_wait3A_1389 = arith.constant 0 : i32
    %dma_wait3A_1390 = tpu.memref_slice %arg9[%add3A_1385, %dma_wait3A_1389] : memref<327680x128xf32, #tpu.memory_space<hbm>> -> memref<64x128xf32, #tpu.memory_space<hbm>>
    %dma_wait3A_1391 = arith.constant 0 : i32
    %dma_wait3A_1392 = tpu.memref_slice %arg9[%add3A_1385, %dma_wait3A_1391] : memref<327680x128xf32, #tpu.memory_space<hbm>> -> memref<64x128xf32, #tpu.memory_space<hbm>>
    %dma_wait3A_1393 = arith.constant 0 : i32
    %dma_wait3A_1394 = arith.constant 0 : i32
    %dma_wait3A_1395 = tpu.memref_slice %arg16[%dma_wait3A_1393, %dma_wait3A_1394] : memref<64x128xf32, #tpu.memory_space<vmem>> -> memref<64x128xf32, #tpu.memory_space<vmem>>
    tpu.wait_dma2 semaphore(%arg36 : memref<!tpu.dma_semaphore, #tpu.memory_space<semaphore_mem>>) src(%dma_wait3A_1395 : memref<64x128xf32, #tpu.memory_space<vmem>>) dst(%dma_wait3A_1392 : memref<64x128xf32, #tpu.memory_space<hbm>>)
    %add3A_1396 = arith.constant 9856 : i32
    %add3A_1397 = arith.addi %mul3A_662, %add3A_1396 : i32
    %dma_wait3A_1398 = arith.constant 0 : i32
    %dma_wait3A_1399 = arith.constant 0 : i32
    %dma_wait3A_1400 = tpu.memref_slice %arg17[%dma_wait3A_1398, %dma_wait3A_1399] : memref<64x128xf32, #tpu.memory_space<vmem>> -> memref<64x128xf32, #tpu.memory_space<vmem>>
    %dma_wait3A_1401 = arith.constant 0 : i32
    %dma_wait3A_1402 = tpu.memref_slice %arg9[%add3A_1397, %dma_wait3A_1401] : memref<327680x128xf32, #tpu.memory_space<hbm>> -> memref<64x128xf32, #tpu.memory_space<hbm>>
    %dma_wait3A_1403 = arith.constant 0 : i32
    %dma_wait3A_1404 = tpu.memref_slice %arg9[%add3A_1397, %dma_wait3A_1403] : memref<327680x128xf32, #tpu.memory_space<hbm>> -> memref<64x128xf32, #tpu.memory_space<hbm>>
    %dma_wait3A_1405 = arith.constant 0 : i32
    %dma_wait3A_1406 = arith.constant 0 : i32
    %dma_wait3A_1407 = tpu.memref_slice %arg17[%dma_wait3A_1405, %dma_wait3A_1406] : memref<64x128xf32, #tpu.memory_space<vmem>> -> memref<64x128xf32, #tpu.memory_space<vmem>>
    tpu.wait_dma2 semaphore(%arg37 : memref<!tpu.dma_semaphore, #tpu.memory_space<semaphore_mem>>) src(%dma_wait3A_1407 : memref<64x128xf32, #tpu.memory_space<vmem>>) dst(%dma_wait3A_1404 : memref<64x128xf32, #tpu.memory_space<hbm>>)
    %add3A_1408 = arith.constant 9920 : i32
    %add3A_1409 = arith.addi %mul3A_662, %add3A_1408 : i32
    %dma_wait3A_1410 = arith.constant 0 : i32
    %dma_wait3A_1411 = arith.constant 0 : i32
    %dma_wait3A_1412 = tpu.memref_slice %arg18[%dma_wait3A_1410, %dma_wait3A_1411] : memref<64x128xf32, #tpu.memory_space<vmem>> -> memref<64x128xf32, #tpu.memory_space<vmem>>
    %dma_wait3A_1413 = arith.constant 0 : i32
    %dma_wait3A_1414 = tpu.memref_slice %arg9[%add3A_1409, %dma_wait3A_1413] : memref<327680x128xf32, #tpu.memory_space<hbm>> -> memref<64x128xf32, #tpu.memory_space<hbm>>
    %dma_wait3A_1415 = arith.constant 0 : i32
    %dma_wait3A_1416 = tpu.memref_slice %arg9[%add3A_1409, %dma_wait3A_1415] : memref<327680x128xf32, #tpu.memory_space<hbm>> -> memref<64x128xf32, #tpu.memory_space<hbm>>
    %dma_wait3A_1417 = arith.constant 0 : i32
    %dma_wait3A_1418 = arith.constant 0 : i32
    %dma_wait3A_1419 = tpu.memref_slice %arg18[%dma_wait3A_1417, %dma_wait3A_1418] : memref<64x128xf32, #tpu.memory_space<vmem>> -> memref<64x128xf32, #tpu.memory_space<vmem>>
    tpu.wait_dma2 semaphore(%arg38 : memref<!tpu.dma_semaphore, #tpu.memory_space<semaphore_mem>>) src(%dma_wait3A_1419 : memref<64x128xf32, #tpu.memory_space<vmem>>) dst(%dma_wait3A_1416 : memref<64x128xf32, #tpu.memory_space<hbm>>)
    %add3A_1420 = arith.constant 9984 : i32
    %add3A_1421 = arith.addi %mul3A_662, %add3A_1420 : i32
    %dma_wait3A_1422 = arith.constant 0 : i32
    %dma_wait3A_1423 = arith.constant 0 : i32
    %dma_wait3A_1424 = tpu.memref_slice %arg19[%dma_wait3A_1422, %dma_wait3A_1423] : memref<64x128xf32, #tpu.memory_space<vmem>> -> memref<64x128xf32, #tpu.memory_space<vmem>>
    %dma_wait3A_1425 = arith.constant 0 : i32
    %dma_wait3A_1426 = tpu.memref_slice %arg9[%add3A_1421, %dma_wait3A_1425] : memref<327680x128xf32, #tpu.memory_space<hbm>> -> memref<64x128xf32, #tpu.memory_space<hbm>>
    %dma_wait3A_1427 = arith.constant 0 : i32
    %dma_wait3A_1428 = tpu.memref_slice %arg9[%add3A_1421, %dma_wait3A_1427] : memref<327680x128xf32, #tpu.memory_space<hbm>> -> memref<64x128xf32, #tpu.memory_space<hbm>>
    %dma_wait3A_1429 = arith.constant 0 : i32
    %dma_wait3A_1430 = arith.constant 0 : i32
    %dma_wait3A_1431 = tpu.memref_slice %arg19[%dma_wait3A_1429, %dma_wait3A_1430] : memref<64x128xf32, #tpu.memory_space<vmem>> -> memref<64x128xf32, #tpu.memory_space<vmem>>
    tpu.wait_dma2 semaphore(%arg39 : memref<!tpu.dma_semaphore, #tpu.memory_space<semaphore_mem>>) src(%dma_wait3A_1431 : memref<64x128xf32, #tpu.memory_space<vmem>>) dst(%dma_wait3A_1428 : memref<64x128xf32, #tpu.memory_space<hbm>>)
    %add3A_1432 = arith.constant 10048 : i32
    %add3A_1433 = arith.addi %mul3A_662, %add3A_1432 : i32
    %dma_wait3A_1434 = arith.constant 0 : i32
    %dma_wait3A_1435 = arith.constant 0 : i32
    %dma_wait3A_1436 = tpu.memref_slice %arg20[%dma_wait3A_1434, %dma_wait3A_1435] : memref<64x128xf32, #tpu.memory_space<vmem>> -> memref<64x128xf32, #tpu.memory_space<vmem>>
    %dma_wait3A_1437 = arith.constant 0 : i32
    %dma_wait3A_1438 = tpu.memref_slice %arg9[%add3A_1433, %dma_wait3A_1437] : memref<327680x128xf32, #tpu.memory_space<hbm>> -> memref<64x128xf32, #tpu.memory_space<hbm>>
    %dma_wait3A_1439 = arith.constant 0 : i32
    %dma_wait3A_1440 = tpu.memref_slice %arg9[%add3A_1433, %dma_wait3A_1439] : memref<327680x128xf32, #tpu.memory_space<hbm>> -> memref<64x128xf32, #tpu.memory_space<hbm>>
    %dma_wait3A_1441 = arith.constant 0 : i32
    %dma_wait3A_1442 = arith.constant 0 : i32
    %dma_wait3A_1443 = tpu.memref_slice %arg20[%dma_wait3A_1441, %dma_wait3A_1442] : memref<64x128xf32, #tpu.memory_space<vmem>> -> memref<64x128xf32, #tpu.memory_space<vmem>>
    tpu.wait_dma2 semaphore(%arg40 : memref<!tpu.dma_semaphore, #tpu.memory_space<semaphore_mem>>) src(%dma_wait3A_1443 : memref<64x128xf32, #tpu.memory_space<vmem>>) dst(%dma_wait3A_1440 : memref<64x128xf32, #tpu.memory_space<hbm>>)
    %add3A_1444 = arith.constant 10112 : i32
    %add3A_1445 = arith.addi %mul3A_662, %add3A_1444 : i32
    %dma_wait3A_1446 = arith.constant 0 : i32
    %dma_wait3A_1447 = arith.constant 0 : i32
    %dma_wait3A_1448 = tpu.memref_slice %arg21[%dma_wait3A_1446, %dma_wait3A_1447] : memref<64x128xf32, #tpu.memory_space<vmem>> -> memref<64x128xf32, #tpu.memory_space<vmem>>
    %dma_wait3A_1449 = arith.constant 0 : i32
    %dma_wait3A_1450 = tpu.memref_slice %arg9[%add3A_1445, %dma_wait3A_1449] : memref<327680x128xf32, #tpu.memory_space<hbm>> -> memref<64x128xf32, #tpu.memory_space<hbm>>
    %dma_wait3A_1451 = arith.constant 0 : i32
    %dma_wait3A_1452 = tpu.memref_slice %arg9[%add3A_1445, %dma_wait3A_1451] : memref<327680x128xf32, #tpu.memory_space<hbm>> -> memref<64x128xf32, #tpu.memory_space<hbm>>
    %dma_wait3A_1453 = arith.constant 0 : i32
    %dma_wait3A_1454 = arith.constant 0 : i32
    %dma_wait3A_1455 = tpu.memref_slice %arg21[%dma_wait3A_1453, %dma_wait3A_1454] : memref<64x128xf32, #tpu.memory_space<vmem>> -> memref<64x128xf32, #tpu.memory_space<vmem>>
    tpu.wait_dma2 semaphore(%arg41 : memref<!tpu.dma_semaphore, #tpu.memory_space<semaphore_mem>>) src(%dma_wait3A_1455 : memref<64x128xf32, #tpu.memory_space<vmem>>) dst(%dma_wait3A_1452 : memref<64x128xf32, #tpu.memory_space<hbm>>)
    %add3A_1456 = arith.constant 10176 : i32
    %add3A_1457 = arith.addi %mul3A_662, %add3A_1456 : i32
    %dma_wait3A_1458 = arith.constant 0 : i32
    %dma_wait3A_1459 = arith.constant 0 : i32
    %dma_wait3A_1460 = tpu.memref_slice %arg22[%dma_wait3A_1458, %dma_wait3A_1459] : memref<64x128xf32, #tpu.memory_space<vmem>> -> memref<64x128xf32, #tpu.memory_space<vmem>>
    %dma_wait3A_1461 = arith.constant 0 : i32
    %dma_wait3A_1462 = tpu.memref_slice %arg9[%add3A_1457, %dma_wait3A_1461] : memref<327680x128xf32, #tpu.memory_space<hbm>> -> memref<64x128xf32, #tpu.memory_space<hbm>>
    %dma_wait3A_1463 = arith.constant 0 : i32
    %dma_wait3A_1464 = tpu.memref_slice %arg9[%add3A_1457, %dma_wait3A_1463] : memref<327680x128xf32, #tpu.memory_space<hbm>> -> memref<64x128xf32, #tpu.memory_space<hbm>>
    %dma_wait3A_1465 = arith.constant 0 : i32
    %dma_wait3A_1466 = arith.constant 0 : i32
    %dma_wait3A_1467 = tpu.memref_slice %arg22[%dma_wait3A_1465, %dma_wait3A_1466] : memref<64x128xf32, #tpu.memory_space<vmem>> -> memref<64x128xf32, #tpu.memory_space<vmem>>
    tpu.wait_dma2 semaphore(%arg42 : memref<!tpu.dma_semaphore, #tpu.memory_space<semaphore_mem>>) src(%dma_wait3A_1467 : memref<64x128xf32, #tpu.memory_space<vmem>>) dst(%dma_wait3A_1464 : memref<64x128xf32, #tpu.memory_space<hbm>>)
    return
  }
}

</mosaic_0001>

<sc_bundles>
// kernel: kernel.3.cloned.1.call-start
scs
__scs_entry_jumppad:
0x0: {  	(pc) =	sbr.rel $0x88, $3  }
0x1: {  	(tag) =	ssettag $0x0;
	lr =	simm.s32 $0x1  }
0x2: {  	[smem:$0x3F9C] =	sst lr;
	_ =	strace $0xD0000000  }
0x3: {  	_ = 	snop  }
0x4: {  	_ = 	snop  }
0x5: {  	_ = 	snop  }
0x6: {  	_ = 	snop  }
0x7: {  	_ = 	snop  }
__scs_overlays_trampoline_lowered:
0x8: {  	[smem:$0x3FAB] =	sst s0  }
0x9: {  	[smem:$0x3FAC] =	sst s1  }
0xa: {  	[smem:$0x3FAD] =	sst s2  }
0xb: {  	[smem:$0x3FAE] =	sst s3  }
0xc: {  	[smem:$0x3FAF] =	sst s4  }
0xd: {  	[smem:$0x3FB0] =	sst s5  }
0xe: {  	[smem:$0x3FB1] =	sst s6  }
0xf: {  	[smem:$0x3FB2] =	sst s7  }
0x10: {  	[smem:$0x3FB3] =	sst s8  }
0x11: {  	[smem:$0x3FB4] =	sst s9;
	s0 =	simm.s32 @!p0 $0x0  }
0x12: {  	s1 =	sld [smem:$0x3F9A];
	s0 =	simm.s32 @p0 $0x1  }
0x13: {  	[smem:$0x3FB5] =	sst s0;
	s0 =	simm.s32 @!p1 $0x0  }
0x14: {  	s2 =	sld [smem:$0x3F99];
	s0 =	simm.s32 @p1 $0x1  }
0x15: {  	[smem:$0x3FB6] =	sst s0;
	s0 =	simm.s32 @!p2 $0x0  }
0x16: {  	s3 =	sld [smem:$0x3FDB];
	s0 =	simm.s32 @p2 $0x1  }
0x17: {  	s4 =	simm.s32 $0x1BF5;
	[smem:$0x3FB8] =	sst s0  }
0x18: {  	s0 =	sld [smem:$0x3F9B];
	_ =	swait.ge [sflag:s4], $0x0  }
0x19: {  	s7 =	sld [smem:$0x3F9C]  }
0x1a: {  	s8 =	sadd.s32 $0xFFFFE003, lr  }
0x1b: {  	s9 =	sadd.s32 $0xFFFFFEF7, lr;
	s5 =	simm.s32 $0xFFFFFFFF;
	p2 =	slt.u32 s8, $0xFFFFF086  }
0x1c: {  	p1 =	slt.u32 s9, $0xF7A;
	s5 =	simm.s32 @!p2 $0x0  }
0x1d: {  	s5 =	simm.s32 @p1 $0x1;
	p0 =	seq.s32 s7, s2  }
0x1e: {  	s7 =	smul.u32 @!p0 $0xF7A, s2;
	p2 =	seq.s32 @!p0 s5, $0x0  }
0x1f: {  	s9 =	smul.u32 $0xF7A, s1;
	s8 =	simm.s32 @!p0 $0x1BF5;
	p2 =	por !p2, p0  }
0x20: {  	[sflag:s8] =	ssyncset.s32 @!p0 $0xFFFFF086;
	s6 =	sadd.s32 @!p0 s3, s7;
	s7 =	simm.s32 @!p0 $0x108  }
0x21: {  	s3 =	sadd.s32 s3, s9;
	s6 =	sadd.s32 @!p0 $0x88, s6;
	s7 =	simm.s32 @p2 $0x1082  }
0x22: {  	[simem:s7], [sflag:s8] =	dma.local @!p0 [hbm:s6], $0xF7A  }
0x23: {  	s9 =	sor.u32 $0xD0000000, s2;
	s6 =	simm.s32 $0x108;
	_ =	swait.ge @!p0 [sflag:s8], $0x0  }
0x24: {  	s3 =	sadd.s32 $0x88, s3;
	s6 =	simm.s32 @!p1 $0x1082;
	[sflag:s4] =	ssyncset.s32 $0xFFFFF086  }
0x25: {  	[simem:s6], [sflag:s4] =	dma.local [hbm:s3], $0xF7A  }
0x26: {  	[smem:$0x3F9C] =	sst s1;
	(tag) =	ssettag s2;
	_ =	strace s9  }
0x27: {  	s1 =	sld [smem:$0x3FAC]  }
0x28: {  	s2 =	sld [smem:$0x3FAD]  }
0x29: {  	s4 =	sld [smem:$0x3FAF]  }
0x2a: {  	p0 =	seq.s32 s5, $0x0;
	s5 =	sld [smem:$0x3FB0]  }
0x2b: {  	s6 =	sld [smem:$0x3FB1]  }
0x2c: {  	s7 =	sld [smem:$0x3FB2]  }
0x2d: {  	s3 =	simm.s32 $0x108;
	s8 =	sld [smem:$0x3FB3]  }
0x2e: {  	s3 =	simm.s32 @!p0 $0x1082;
	s9 =	sld [smem:$0x3FB4]  }
0x2f: {  	lr =	sadd.s32 s0, s3;
	s0 =	sld [smem:$0x3FAB]  }
0x30: {  	s3 =	sld [smem:$0x3FAE]  }
0x31: {  	[smem:$0x3FB7] =	sst s10  }
0x32: {  	s10 =	sld [smem:$0x3FB5];
	_ =	sdelay $0x3  }
0x33: {  	p0 =	seq.s32 s10, $0x1;
	s10 =	sld [smem:$0x3FB7];
	_ =	sdelay $0x3  }
0x34: {  	[smem:$0x3FB7] =	sst s10  }
0x35: {  	s10 =	sld [smem:$0x3FB6];
	_ =	sdelay $0x3  }
0x36: {  	p1 =	seq.s32 s10, $0x1;
	s10 =	sld [smem:$0x3FB7];
	_ =	sdelay $0x3  }
0x37: {  	[smem:$0x3FB7] =	sst s10  }
0x38: {  	s10 =	sld [smem:$0x3FB8]  }
0x39: {  	_ = 	snop;
	(pc) =	sbr.ind lr, $3  }
0x3a: {  	_ = 	snop  }
0x3b: {  	_ = 	snop  }
0x3c: {  	p2 =	seq.s32 s10, $0x1;
	s10 =	sld [smem:$0x3FB7]  }
0x3d: {  	_ =	shalt  }
0x3e: {  	_ =	shalt  }
0x3f: {  	_ =	shalt  }
0x40: {  	_ =	shalt  }
0x41: {  	_ =	shalt  }
0x42: {  	_ =	shalt  }
0x43: {  	_ =	shalt  }
0x44: {  	_ =	shalt  }
0x45: {  	_ =	shalt  }
0x46: {  	_ =	shalt  }
0x47: {  	_ =	shalt  }
0x48: {  	_ =	shalt  }
0x49: {  	_ =	shalt  }
0x4a: {  	_ =	shalt  }
0x4b: {  	_ =	shalt  }
0x4c: {  	_ =	shalt  }
0x4d: {  	_ =	shalt  }
0x4e: {  	_ =	shalt  }
0x4f: {  	_ =	shalt  }
0x50: {  	_ =	shalt  }
0x51: {  	_ =	shalt  }
0x52: {  	_ =	shalt  }
0x53: {  	_ =	shalt  }
0x54: {  	_ =	shalt  }
0x55: {  	_ =	shalt  }
0x56: {  	_ =	shalt  }
0x57: {  	_ =	shalt  }
0x58: {  	_ =	shalt  }
0x59: {  	_ =	shalt  }
0x5a: {  	_ =	shalt  }
0x5b: {  	_ =	shalt  }
0x5c: {  	_ =	shalt  }
0x5d: {  	_ =	shalt  }
0x5e: {  	_ =	shalt  }
0x5f: {  	_ =	shalt  }
0x60: {  	_ =	shalt  }
0x61: {  	_ =	shalt  }
0x62: {  	_ =	shalt  }
0x63: {  	_ =	shalt  }
0x64: {  	_ =	shalt  }
0x65: {  	_ =	shalt  }
0x66: {  	_ =	shalt  }
0x67: {  	_ =	shalt  }
0x68: {  	_ =	shalt  }
0x69: {  	_ =	shalt  }
0x6a: {  	_ =	shalt  }
0x6b: {  	_ =	shalt  }
0x6c: {  	_ =	shalt  }
0x6d: {  	_ =	shalt  }
0x6e: {  	_ =	shalt  }
0x6f: {  	_ =	shalt  }
0x70: {  	_ =	shalt  }
0x71: {  	_ =	shalt  }
0x72: {  	_ =	shalt  }
0x73: {  	_ =	shalt  }
0x74: {  	_ =	shalt  }
0x75: {  	_ =	shalt  }
0x76: {  	_ =	shalt  }
0x77: {  	_ =	shalt  }
0x78: {  	_ =	shalt  }
0x79: {  	_ =	shalt  }
0x7a: {  	_ =	shalt  }
0x7b: {  	_ =	shalt  }
0x7c: {  	_ =	shalt  }
0x7d: {  	_ =	shalt  }
0x7e: {  	_ =	shalt  }
0x7f: {  	_ =	shalt  }
0x80: {  	_ =	shalt  }
0x81: {  	_ =	shalt  }
0x82: {  	_ =	shalt  }
0x83: {  	_ =	shalt  }
0x84: {  	_ =	shalt  }
0x85: {  	_ =	shalt  }
0x86: {  	_ =	shalt  }
0x87: {  	_ =	shalt  }
.Lfunc_end0:
.L_simem_size_0:
called_computation_lowered:
.L_overlay_start_0:
0x88: {  	s2 =	sld [smem:$0x3FD9]  }
0x89: {  	s3 =	sld [smem:$0x3FFE];
	_ =	sdelay $0x1  }
0x8a: {  	s1 =	srdreg.scid  }
0x8b: {  	s0 =	sand.u32 $0x1, s1  }
0x8c: {  	s14 =	sshll.u32 s0, $0xA;
	s2 =	sadd.s32 s3, s2  }
0x8d: {  	s2 =	sadd.s32 s2, s14  }
0x8e: {  	[smem:$0x3FC3] =	sst s2  }
0x8f: {  	_ = 	snop  }
0x90: {  	s2 =	sld [smem:$0x3FC9]  }
0x91: {  	s15 =	sld [smem:$0x3FD0]  }
0x92: {  	s4 =	sld [smem:$0x3FC8]  }
0x93: {  	s5 =	sld [smem:$0x3FC6]  }
0x94: {  	s7 =	simm.s32 $0xA;
	s8 =	simm.s32 $0x10;
	s6 =	sld [smem:$0x3FC5]  }
0x95: {  	[smem:s8], [sflag:s7] =	dma.local [hbm:s15], $0x1  }
0x96: {  	_ =	swait.eq [sflag:s7], $0x1  }
0x97: {  	s16 =	sld [smem:$0x10];
	[sflag:s7] =	ssyncset.done $0x0  }
0x98: {  	s17 =	sld [smem:$0x11];
	[sflag:s7] =	ssyncadd.s32 $0xFFFFFFFF  }
0x99: {  	s18 =	sld [smem:$0x12];
	(tm) =	ssettm $0x1  }
0x9a: {  	s9 =	sld [smem:$0x3FFB];
	_ =	sdelay $0x3  }
0x9b: {  	_ =	strace s9  }
0x9c: {  	s9 =	sld [smem:$0x3FFC];
	_ =	sdelay $0x3  }
0x9d: {  	_ =	strace s9  }
0x9e: {  	s9 =	sld [smem:$0x3FFD];
	_ =	sdelay $0x3  }
0x9f: {  	_ =	strace s9  }
0xa0: {  	_ =	strace $0x8FFFFFFF  }
0xa1: {  	s19 =	sld [smem:$0x3FDB];
	_ =	sdelay $0x1  }
0xa2: {  	s10 =	simm.s32 $_scs_section_size  }
0xa3: {  	s11 =	simm.s32 $_size__tile_overlayer_lowered;
	s12 =	simm.s32 $_tile_overlayer_lowered  }
0xa4: {  	s22 =	simm.s32 $0x1BFF;
	s21 =	sshll.u32 s12, $0x1;
	s9 =	sadd.s32 s10, s19  }
0xa5: {  	s13 =	simm.s32 $0x0;
	s20 =	sshll.u32 s11, $0x1;
	s11 =	sadd.s32 s21, s9  }
0xa6: {  	[timem:s13], [sflag:s22] =	dma.local [hbm:s11], s20  }
0xa7: {  	_ =	swait.ge [sflag:s22], s20  }
0xa8: {  	s10 =	ssub.s32 $0x0, s20;
	[sflag:s22] =	ssyncset.done $0x0  }
0xa9: {  	[sflag:s22] =	ssyncadd.s32 s10;
	_ =	sdelay $0x1  }
0xaa: {  	s23 =	simm.s32 $0x1B8B  }
0xab: {  	_ =	swait.ge [sflag:s23], $0x1  }
0xac: {  	[sflag:s23] =	ssyncset.done $0x0  }
0xad: {  	s25 =	simm.s32 $0x1B8E;
	s24 =	sld [smem:$0x3FFE];
	[sflag:s23] =	ssyncadd.s32 $0xFFFFFFFF  }
0xae: {  	s26 =	simm.s32 $execute0_lowered;
	[smem:$0x3FD2] =	sst s25  }
0xaf: {  	s11 =	sshll.u32 s26, $0x1;
	_ =	strace $0x80000046;
	[dreg:$0x1] =	wrdreg $0xFFFFFFFF  }
0xb0: {  	s28 =	simm.s32 $_size_execute0_lowered;
	s9 =	sadd.s32 s9, s11;
	[dreg:$0x0] =	wrdreg $0x0  }
0xb1: {  	s11 =	sshll.u32 s28, $0x1;
	[dreg:$0x2] =	wrdreg s9  }
0xb2: {  	[dreg:$0x3] =	wrdreg s11  }
0xb3: {  	[dreg:$0x4] =	wrdreg $0xC0  }
0xb4: {  	_ =	task [dreg:s13], $0x5FFFF  }
0xb5: {  	[dreg:$0x1] =	wrdreg $0xFFFFFFFF  }
0xb6: {  	[dreg:$0x0] =	wrdreg $0x60  }
0xb7: {  	[dreg:$0x2] =	wrdreg s2  }
0xb8: {  	[dreg:$0x3] =	wrdreg s4  }
0xb9: {  	[dreg:$0x4] =	wrdreg s24  }
0xba: {  	[dreg:$0x5] =	wrdreg s5  }
0xbb: {  	[dreg:$0x6] =	wrdreg s6  }
0xbc: {  	[dreg:$0x7] =	wrdreg s16  }
0xbd: {  	[dreg:$0x8] =	wrdreg s17  }
0xbe: {  	[dreg:$0x9] =	wrdreg s18  }
0xbf: {  	[dreg:$0xa] =	wrdreg $0x9  }
0xc0: {  	_ =	task.clear_ibuf [dreg:s13], $0xBFFFF;
	_ =	strace $0x90000046  }
0xc1: {  	s29 =	simm.s32 $0x9;
	_ =	strace $0x80000048  }
0xc2: {  	_ =	swait.ge [sflag:s29], $0x1  }
0xc3: {  	[sflag:s29] =	ssyncadd.s32 $0xFFFFFFFF  }
0xc4: {  	_ =	strace $0x90000048  }
0xc5: {  	_ =	sfence  }
0xc6: {  	s30 =	sld [smem:$0x0];
	_ =	sdelay $0x2  }
0xc7: {  	s31 =	sshll.u32 s1, $0xD;
	s1 =	sshrl.u32 s1, $0x2  }
0xc8: {  	s3 =	sand.u32 $0x4000, s31;
	s1 =	sadd.s32 s1, s30  }
0xc9: {  	s0 =	sor.u32 s3, s0;
	s1 =	sshll.u32 s1, $0x11  }
0xca: {  	s0 =	sor.u32 s1, s0  }
0xcb: {  	s0 =	sadd.s32 $0x8F2B, s0  }
0xcc: {  	[sflag:s0] =	ssyncadd.remote.s32 $0x1  }
0xcd: {  	_ =	sfence.sel $0xFFFF  }
0xce: {  	[dreg:$0x0] =	wrdreg $0xFFFFFFFF;
	(pc) =	sbr.abs _section_cstart, $3  }
0xcf: {  	[dreg:$0x1] =	wrdreg $0xFFFFFFFF  }
0xd0: {  	_ =	task.clear_ibuf [dreg:s13], $0x2FFFF;
	_ =	strace $0x9FFFFFFF  }
0xd1: {  	(tm) =	ssettm $0x7FFFFFFF  }
tec
execute0_lowered:
.L_overlay_start_1:
0x0: {  	(tag) =	ssettag $0x1  }
0x1: {  	s0 =	srdreg.scid;
	s1 =	rddreg [dreg:$0x0]  }
0x2: {  	s15 =	stileid.u32;
	s3 =	rddreg [dreg:$0x1]  }
0x3: {  	s4 =	rddreg [dreg:$0x2];
	s0 =	sand.u32 $0x1, s0;
	s2 =	sshll.u32 s15, $0x1  }
0x4: {  	s6 =	rddreg [dreg:$0x5];
	s2 =	sor.u32 s0, s2  }
0x5: {  	s7 =	rddreg [dreg:$0x6];
	s25 =	sshll.u32 s2, $0x6  }
0x6: {  	s9 =	rddreg [dreg:$0x7];
	s1 =	sadd.s32 s1, s25  }
0x7: {  	s10 =	sshll.u32 s2, $0xD;
	s26 =	sadd.s32 s3, s25;
	[dreg:$0x9] =	wrdreg s1  }
0x8: {  	s29 =	sadd.s32 s6, s10;
	[dreg:$0xa] =	wrdreg s26  }
0x9: {  	s28 =	sor.u32 $0x400, s10;
	s21 =	sadd.s32 s7, s10;
	[dreg:$0xb] =	wrdreg s29  }
0xa: {  	s31 =	sor.u32 $0x800, s10;
	s30 =	sadd.s32 s6, s28;
	[dreg:$0x13] =	wrdreg s21  }
0xb: {  	s17 =	sor.u32 $0xC00, s10;
	s16 =	sadd.s32 s6, s31;
	[dreg:$0xc] =	wrdreg s30  }
0xc: {  	s11 =	sor.u32 $0x1000, s10;
	s12 =	sadd.s32 s6, s17;
	[dreg:$0xd] =	wrdreg s16  }
0xd: {  	s19 =	sor.u32 $0x1400, s10;
	s18 =	sadd.s32 s6, s11;
	[dreg:$0xe] =	wrdreg s12  }
0xe: {  	s13 =	sadd.s32 s6, s19;
	[dreg:$0xf] =	wrdreg s18  }
0xf: {  	s1 =	sadd.s32 s7, s28;
	[dreg:$0x10] =	wrdreg s13  }
0x10: {  	s22 =	sadd.s32 s7, s31;
	[dreg:$0x14] =	wrdreg s1  }
0x11: {  	s5 =	smul.u32 $0x2800, s2;
	s23 =	sadd.s32 s7, s17;
	[dreg:$0x15] =	wrdreg s22  }
0x12: {  	s20 =	sor.u32 $0x1800, s10;
	s25 =	sadd.s32 s7, s19;
	[dreg:$0x16] =	wrdreg s23  }
0x13: {  	s14 =	sor.u32 $0x1C00, s10;
	s28 =	sadd.s32 s7, s20;
	[dreg:$0x18] =	wrdreg s25  }
0x14: {  	s8 =	ssub.s32 $0x2, s0;
	s29 =	sadd.s32 s7, s14;
	[dreg:$0x19] =	wrdreg s28  }
0x15: {  	s24 =	sshrl.u32 s8, $0x1;
	s5 =	sshrl.u32 s5, $0x3;
	[dreg:$0x1a] =	wrdreg s29  }
0x16: {  	s26 =	smul.u32 $0x28000, s2;
	s16 =	sadd.s32 s6, s20;
	s23 =	rddreg [dreg:$0x4]  }
0x17: {  	s4 =	sadd.s32 s5, s4;
	s6 =	sadd.s32 s6, s14;
	[dreg:$0x11] =	wrdreg s16  }
0x18: {  	s5 =	ssub.s32 s8, s24;
	s24 =	sadd.s32 s7, s11;
	[dreg:$0x12] =	wrdreg s6  }
0x19: {  	s2 =	smul.u32 $0x140000, s2;
	s18 =	simm.s32 $0x0;
	[dreg:$0x17] =	wrdreg s24  }
0x1a: {  	s30 =	smul.u32 $0x50000, s15;
	[smem:$0x7FF] =	sst s18  }
0x1b: {  	s31 =	sadd.s32 s9, s26;
	s7 =	sshrl.u32 s2, $0x3;
	s20 =	smax.u32 s5, $0x1  }
0x1c: {  	s8 =	sadd.s32 s30, s9;
	_ =	strace $0x80000047;
	[smem:$0x7F3] =	sst s20  }
0x1d: {  	s1 =	sadd.s32 s9, s7;
	s9 =	sadd.s32 $0x800, s4;
	[dreg:$0x1b] =	wrdreg s31  }
0x1e: {  	s21 =	sadd.s32 $0x400, s31;
	[dreg:$0x1c] =	wrdreg s9  }
0x1f: {  	s22 =	sadd.s32 $0x800, s31;
	[smem:$0x7F5] =	sst s21  }
0x20: {  	s24 =	sadd.s32 $0xC00, s31;
	[smem:$0x7F6] =	sst s22  }
0x21: {  	s25 =	sadd.s32 $0x1000, s31;
	[smem:$0x7F7] =	sst s24  }
0x22: {  	s26 =	sadd.s32 $0x1400, s31;
	[smem:$0x7F8] =	sst s25  }
0x23: {  	s28 =	sadd.s32 $0x1800, s31;
	[smem:$0x7F9] =	sst s26  }
0x24: {  	s29 =	sadd.s32 $0x1C00, s31;
	[smem:$0x7FA] =	sst s28  }
0x25: {  	s30 =	sadd.s32 $0x2000, s31;
	[smem:$0x7FB] =	sst s29  }
0x26: {  	s31 =	sadd.s32 $0x2400, s31;
	[smem:$0x7FC] =	sst s30  }
0x27: {  	s10 =	sadd.s32 $0x25800, s1;
	[smem:$0x7FD] =	sst s31  }
0x28: {  	s11 =	sadd.s32 $0x25C00, s1;
	[dreg:$0x1d] =	wrdreg s10  }
0x29: {  	s12 =	sadd.s32 $0x26000, s1;
	[dreg:$0x1e] =	wrdreg s11  }
0x2a: {  	s0 =	smul.u32 $0x28000, s0;
	s13 =	sadd.s32 $0x26400, s1;
	[dreg:$0x1f] =	wrdreg s12  }
0x2b: {  	s3 =	simm.s32 $0xF;
	s14 =	sadd.s32 $0x26800, s1;
	[smem:$0x7EC] =	sst s13  }
0x2c: {  	s2 =	simm.s32 $0xE;
	s15 =	sadd.s32 $0x26C00, s1;
	[smem:$0x7ED] =	sst s14  }
0x2d: {  	s6 =	simm.s32 $0x0;
	s16 =	sadd.s32 $0x27000, s1;
	[smem:$0x7EE] =	sst s15  }
0x2e: {  	s20 =	simm.s32 $0x8;
	s17 =	sadd.s32 $0x27400, s1;
	[smem:$0x7EF] =	sst s16  }
0x2f: {  	s4 =	simm.s32 $0x13;
	s19 =	sadd.s32 $0x27800, s1;
	[smem:$0x7F0] =	sst s17  }
0x30: {  	s0 =	sadd.s32 s0, s8;
	s1 =	sadd.s32 $0x27C00, s1;
	[smem:$0x7F1] =	sst s19  }
0x31: {  	s22 =	simm.s32 $0x9;
	s24 =	simm.s32 $0x14;
	[smem:$0x7F2] =	sst s1  }
0x32: {  	s0 =	sadd.s32 $0x2800, s0;
	s17 =	simm.s32 $0x40;
	s1 =	simm.s32 $0x4  }
0x33: {  	s15 =	simm.s32 $0x10;
	s10 =	simm.s32 $0x5;
	s11 =	simm.s32 $0x6  }
0x34: {  	s12 =	simm.s32 $0x7;
	s13 =	simm.s32 $0x11;
	s14 =	simm.s32 $0x12  }
0x35: {  	s19 =	simm.s32 $0xA;
	[smem:$0x7F4] =	sst s0;
	s0 =	simm.s32 $0xD  }
.LBB2_1:
0x36: {  	[smem:$0x7EB] =	sst s6  }
0x37: {  	s5 =	rddreg [dreg:$0x9];
	s8 =	simm.s32 $0x15  }
0x38: {  	[tilespmem:s18], [sflag:$0x15] =	stream.linear.gather [hbm4b:s5+s18], $0x200, $0x38;
	[tilespmem:$0x16C00] =	vst v63  }
0x39: {  	_ =	swait.ge [sflag:s8], $0x200  }
0x3a: {  	[sflag:s8] =	ssyncset.done $0x0  }
0x3b: {  	s6 =	simm.s32 $0x200;
	s9 =	rddreg [dreg:$0xa];
	[sflag:s8] =	ssyncadd.s32 $0xFFFFFE00  }
0x3c: {  	[tilespmem:s6], [sflag:$0xF] =	stream.linear.gather [hbm4b:s9+s18], $0x200, $0x38;
	[tilespmem:$0x16C00] =	vst v63  }
0x3d: {  	s26 =	simm.s32 $0x400;
	s16 =	rddreg [dreg:$0x1c]  }
0x3e: {  	[tilespmem:s26], [sflag:$0x10] =	stream.linear.gather [hbm4b:s16+s18], $0x2800, $0x38;
	[tilespmem:$0x16C00] =	vst v63  }
0x3f: {  	s25 =	simm.s32 $0x2C00;
	s16 =	rddreg [dreg:$0x3]  }
0x40: {  	[tilespmem:s25], [sflag:$0x1] =	stream.indirect.gather [hbm4b:s16+s17], $0x80, s18, s17, $0xb8;
	[tilespmem:$0x16C00] =	vst v63  }
0x41: {  	s7 =	simm.s32 $0x4C00  }
0x42: {  	[tilespmem:s7], [sflag:$0x2] =	stream.indirect.gather [hbm4b:s16+s17], $0x80, s17, s17, $0xb8;
	[tilespmem:$0x16C00] =	vst v63  }
0x43: {  	s21 =	simm.s32 $0x80;
	s8 =	simm.s32 $0x6C00  }
0x44: {  	[tilespmem:s8], [sflag:$0x3] =	stream.indirect.gather [hbm4b:s16+s17], $0x80, s21, s17, $0xb8;
	[tilespmem:$0x16C00] =	vst v63  }
0x45: {  	s28 =	simm.s32 $0xC0;
	s9 =	simm.s32 $0x8C00  }
0x46: {  	[tilespmem:s9], [sflag:$0x4] =	stream.indirect.gather [hbm4b:s16+s17], $0x80, s28, s17, $0xb8;
	[tilespmem:$0x16C00] =	vst v63  }
0x47: {  	s28 =	simm.s32 $0x1  }
0x48: {  	_ =	swait.ge [sflag:s28], $0x2000  }
0x49: {  	[sflag:s28] =	ssyncset.done $0x0  }
0x4a: {  	s29 =	rddreg [dreg:$0xb];
	[sflag:s28] =	ssyncadd.s32 $0xFFFFE000  }
0x4b: {  	[hbm4b:s29+s18] =	stream.linear.scatter [tilespmem:s25], [sflag:$0xB], $0x2000, $0x38;
	[tilespmem:$0x16C00] =	vst v63  }
0x4c: {  	s29 =	simm.s32 $0xB  }
0x4d: {  	_ =	swait.ge [sflag:s29], $0x2000  }
0x4e: {  	[sflag:s29] =	ssyncset.done $0x0  }
0x4f: {  	s30 =	simm.s32 $0x100;
	[sflag:s29] =	ssyncadd.s32 $0xFFFFE000  }
0x50: {  	[tilespmem:s25], [sflag:$0x1] =	stream.indirect.gather [hbm4b:s16+s17], $0x80, s30, s17, $0xb8;
	[tilespmem:$0x16C00] =	vst v63  }
0x51: {  	s30 =	simm.s32 $0x2  }
0x52: {  	_ =	swait.ge [sflag:s30], $0x2000  }
0x53: {  	[sflag:s30] =	ssyncset.done $0x0  }
0x54: {  	s31 =	rddreg [dreg:$0xc];
	[sflag:s30] =	ssyncadd.s32 $0xFFFFE000  }
0x55: {  	[hbm4b:s31+s18] =	stream.linear.scatter [tilespmem:s7], [sflag:$0xC], $0x2000, $0x38;
	[tilespmem:$0x16C00] =	vst v63  }
0x56: {  	s31 =	simm.s32 $0xC  }
0x57: {  	_ =	swait.ge [sflag:s31], $0x2000  }
0x58: {  	[sflag:s31] =	ssyncset.done $0x0  }
0x59: {  	s21 =	simm.s32 $0x140;
	[sflag:s31] =	ssyncadd.s32 $0xFFFFE000  }
0x5a: {  	[tilespmem:s7], [sflag:$0x2] =	stream.indirect.gather [hbm4b:s16+s17], $0x80, s21, s17, $0xb8;
	[tilespmem:$0x16C00] =	vst v63  }
0x5b: {  	s21 =	simm.s32 $0x3  }
0x5c: {  	_ =	swait.ge [sflag:s21], $0x2000  }
0x5d: {  	[sflag:s21] =	ssyncset.done $0x0  }
0x5e: {  	s5 =	rddreg [dreg:$0xd];
	[sflag:s21] =	ssyncadd.s32 $0xFFFFE000  }
0x5f: {  	[hbm4b:s5+s18] =	stream.linear.scatter [tilespmem:s8], [sflag:$0xD], $0x2000, $0x38;
	[tilespmem:$0x16C00] =	vst v63  }
0x60: {  	_ =	swait.ge [sflag:s0], $0x2000  }
0x61: {  	[sflag:s0] =	ssyncset.done $0x0  }
0x62: {  	s5 =	simm.s32 $0x180;
	[sflag:s0] =	ssyncadd.s32 $0xFFFFE000  }
0x63: {  	[tilespmem:s8], [sflag:$0x3] =	stream.indirect.gather [hbm4b:s16+s17], $0x80, s5, s17, $0xb8;
	[tilespmem:$0x16C00] =	vst v63  }
0x64: {  	_ =	swait.ge [sflag:s1], $0x2000  }
0x65: {  	[sflag:s1] =	ssyncset.done $0x0  }
0x66: {  	s5 =	rddreg [dreg:$0xe];
	[sflag:s1] =	ssyncadd.s32 $0xFFFFE000  }
0x67: {  	[hbm4b:s5+s18] =	stream.linear.scatter [tilespmem:s9], [sflag:$0xE], $0x2000, $0x38;
	[tilespmem:$0x16C00] =	vst v63  }
0x68: {  	_ =	swait.ge [sflag:s2], $0x2000  }
0x69: {  	[sflag:s2] =	ssyncset.done $0x0  }
0x6a: {  	s5 =	simm.s32 $0x1C0;
	[sflag:s2] =	ssyncadd.s32 $0xFFFFE000  }
0x6b: {  	[tilespmem:s9], [sflag:$0x4] =	stream.indirect.gather [hbm4b:s16+s17], $0x80, s5, s17, $0xb8;
	[tilespmem:$0x16C00] =	vst v63  }
0x6c: {  	_ =	swait.ge [sflag:s28], $0x2000  }
0x6d: {  	[sflag:s28] =	ssyncset.done $0x0  }
0x6e: {  	s16 =	rddreg [dreg:$0xf];
	[sflag:s28] =	ssyncadd.s32 $0xFFFFE000  }
0x6f: {  	[hbm4b:s16+s18] =	stream.linear.scatter [tilespmem:s25], [sflag:$0xB], $0x2000, $0x38;
	[tilespmem:$0x16C00] =	vst v63  }
0x70: {  	_ =	swait.ge [sflag:s30], $0x2000  }
0x71: {  	[sflag:s30] =	ssyncset.done $0x0  }
0x72: {  	s16 =	rddreg [dreg:$0x10];
	[sflag:s30] =	ssyncadd.s32 $0xFFFFE000  }
0x73: {  	[hbm4b:s16+s18] =	stream.linear.scatter [tilespmem:s7], [sflag:$0xC], $0x2000, $0x38;
	[tilespmem:$0x16C00] =	vst v63  }
0x74: {  	_ =	swait.ge [sflag:s21], $0x2000  }
0x75: {  	[sflag:s21] =	ssyncset.done $0x0  }
0x76: {  	s16 =	rddreg [dreg:$0x11];
	[sflag:s21] =	ssyncadd.s32 $0xFFFFE000  }
0x77: {  	[hbm4b:s16+s18] =	stream.linear.scatter [tilespmem:s8], [sflag:$0xD], $0x2000, $0x38;
	[tilespmem:$0x16C00] =	vst v63  }
0x78: {  	_ =	swait.ge [sflag:s1], $0x2000  }
0x79: {  	[sflag:s1] =	ssyncset.done $0x0  }
0x7a: {  	s16 =	rddreg [dreg:$0x12];
	[sflag:s1] =	ssyncadd.s32 $0xFFFFE000  }
0x7b: {  	[hbm4b:s16+s18] =	stream.linear.scatter [tilespmem:s9], [sflag:$0xE], $0x2000, $0x38;
	[tilespmem:$0x16C00] =	vst v63  }
0x7c: {  	_ =	swait.ge [sflag:s29], $0x2000  }
0x7d: {  	[sflag:s29] =	ssyncset.done $0x0  }
0x7e: {  	[sflag:s29] =	ssyncadd.s32 $0xFFFFE000  }
0x7f: {  	_ =	swait.ge [sflag:s31], $0x2000  }
0x80: {  	[sflag:s31] =	ssyncset.done $0x0  }
0x81: {  	[sflag:s31] =	ssyncadd.s32 $0xFFFFE000  }
0x82: {  	_ =	swait.ge [sflag:s0], $0x2000  }
0x83: {  	[sflag:s0] =	ssyncset.done $0x0  }
0x84: {  	[sflag:s0] =	ssyncadd.s32 $0xFFFFE000  }
0x85: {  	_ =	swait.ge [sflag:s2], $0x2000  }
0x86: {  	[sflag:s2] =	ssyncset.done $0x0  }
0x87: {  	[sflag:s2] =	ssyncadd.s32 $0xFFFFE000  }
0x88: {  	_ =	swait.ge [sflag:s3], $0x200  }
0x89: {  	[sflag:s3] =	ssyncset.done $0x0  }
0x8a: {  	[sflag:s3] =	ssyncadd.s32 $0xFFFFFE00  }
0x8b: {  	[tilespmem:s25], [sflag:$0x1] =	stream.indirect.gather [hbm4b:s23+s17], $0x80, s6, s17, $0xb8;
	[tilespmem:$0x16C00] =	vst v63  }
0x8c: {  	s6 =	simm.s32 $0x240  }
0x8d: {  	[tilespmem:s7], [sflag:$0x2] =	stream.indirect.gather [hbm4b:s23+s17], $0x80, s6, s17, $0xb8;
	[tilespmem:$0x16C00] =	vst v63  }
0x8e: {  	s16 =	simm.s32 $0x280  }
0x8f: {  	[tilespmem:s8], [sflag:$0x3] =	stream.indirect.gather [hbm4b:s23+s17], $0x80, s16, s17, $0xb8;
	[tilespmem:$0x16C00] =	vst v63  }
0x90: {  	s6 =	simm.s32 $0x2C0  }
0x91: {  	[tilespmem:s9], [sflag:$0x4] =	stream.indirect.gather [hbm4b:s23+s17], $0x80, s6, s17, $0xb8;
	[tilespmem:$0x16C00] =	vst v63  }
0x92: {  	_ =	swait.ge [sflag:s28], $0x2000  }
0x93: {  	[sflag:s28] =	ssyncset.done $0x0  }
0x94: {  	s16 =	rddreg [dreg:$0x13];
	[sflag:s28] =	ssyncadd.s32 $0xFFFFE000  }
0x95: {  	[hbm4b:s16+s18] =	stream.linear.scatter [tilespmem:s25], [sflag:$0xB], $0x2000, $0x38;
	[tilespmem:$0x16C00] =	vst v63  }
0x96: {  	_ =	swait.ge [sflag:s29], $0x2000  }
0x97: {  	[sflag:s29] =	ssyncset.done $0x0  }
0x98: {  	s6 =	simm.s32 $0x300;
	[sflag:s29] =	ssyncadd.s32 $0xFFFFE000  }
0x99: {  	[tilespmem:s25], [sflag:$0x1] =	stream.indirect.gather [hbm4b:s23+s17], $0x80, s6, s17, $0xb8;
	[tilespmem:$0x16C00] =	vst v63  }
0x9a: {  	_ =	swait.ge [sflag:s30], $0x2000  }
0x9b: {  	[sflag:s30] =	ssyncset.done $0x0  }
0x9c: {  	s16 =	rddreg [dreg:$0x14];
	[sflag:s30] =	ssyncadd.s32 $0xFFFFE000  }
0x9d: {  	[hbm4b:s16+s18] =	stream.linear.scatter [tilespmem:s7], [sflag:$0xC], $0x2000, $0x38;
	[tilespmem:$0x16C00] =	vst v63  }
0x9e: {  	_ =	swait.ge [sflag:s31], $0x2000  }
0x9f: {  	[sflag:s31] =	ssyncset.done $0x0  }
0xa0: {  	s6 =	simm.s32 $0x340;
	[sflag:s31] =	ssyncadd.s32 $0xFFFFE000  }
0xa1: {  	[tilespmem:s7], [sflag:$0x2] =	stream.indirect.gather [hbm4b:s23+s17], $0x80, s6, s17, $0xb8;
	[tilespmem:$0x16C00] =	vst v63  }
0xa2: {  	_ =	swait.ge [sflag:s21], $0x2000  }
0xa3: {  	[sflag:s21] =	ssyncset.done $0x0  }
0xa4: {  	s16 =	rddreg [dreg:$0x15];
	[sflag:s21] =	ssyncadd.s32 $0xFFFFE000  }
0xa5: {  	[hbm4b:s16+s18] =	stream.linear.scatter [tilespmem:s8], [sflag:$0xD], $0x2000, $0x38;
	[tilespmem:$0x16C00] =	vst v63  }
0xa6: {  	_ =	swait.ge [sflag:s0], $0x2000  }
0xa7: {  	[sflag:s0] =	ssyncset.done $0x0  }
0xa8: {  	s6 =	simm.s32 $0x380;
	[sflag:s0] =	ssyncadd.s32 $0xFFFFE000  }
0xa9: {  	[tilespmem:s8], [sflag:$0x3] =	stream.indirect.gather [hbm4b:s23+s17], $0x80, s6, s17, $0xb8;
	[tilespmem:$0x16C00] =	vst v63  }
0xaa: {  	_ =	swait.ge [sflag:s1], $0x2000  }
0xab: {  	[sflag:s1] =	ssyncset.done $0x0  }
0xac: {  	s16 =	rddreg [dreg:$0x16];
	[sflag:s1] =	ssyncadd.s32 $0xFFFFE000  }
0xad: {  	[hbm4b:s16+s18] =	stream.linear.scatter [tilespmem:s9], [sflag:$0xE], $0x2000, $0x38;
	[tilespmem:$0x16C00] =	vst v63  }
0xae: {  	_ =	swait.ge [sflag:s2], $0x2000  }
0xaf: {  	[sflag:s2] =	ssyncset.done $0x0  }
0xb0: {  	s6 =	simm.s32 $0x3C0;
	[sflag:s2] =	ssyncadd.s32 $0xFFFFE000  }
0xb1: {  	[tilespmem:s9], [sflag:$0x4] =	stream.indirect.gather [hbm4b:s23+s17], $0x80, s6, s17, $0xb8;
	[tilespmem:$0x16C00] =	vst v63  }
0xb2: {  	_ =	swait.ge [sflag:s28], $0x2000  }
0xb3: {  	[sflag:s28] =	ssyncset.done $0x0  }
0xb4: {  	s16 =	rddreg [dreg:$0x17];
	[sflag:s28] =	ssyncadd.s32 $0xFFFFE000  }
0xb5: {  	[hbm4b:s16+s18] =	stream.linear.scatter [tilespmem:s25], [sflag:$0xB], $0x2000, $0x38;
	[tilespmem:$0x16C00] =	vst v63  }
0xb6: {  	_ =	swait.ge [sflag:s30], $0x2000  }
0xb7: {  	[sflag:s30] =	ssyncset.done $0x0  }
0xb8: {  	s6 =	rddreg [dreg:$0x18];
	[sflag:s30] =	ssyncadd.s32 $0xFFFFE000  }
0xb9: {  	[hbm4b:s6+s18] =	stream.linear.scatter [tilespmem:s7], [sflag:$0xC], $0x2000, $0x38;
	[tilespmem:$0x16C00] =	vst v63  }
0xba: {  	_ =	swait.ge [sflag:s21], $0x2000  }
0xbb: {  	[sflag:s21] =	ssyncset.done $0x0  }
0xbc: {  	s16 =	rddreg [dreg:$0x19];
	[sflag:s21] =	ssyncadd.s32 $0xFFFFE000  }
0xbd: {  	[hbm4b:s16+s18] =	stream.linear.scatter [tilespmem:s8], [sflag:$0xD], $0x2000, $0x38;
	[tilespmem:$0x16C00] =	vst v63  }
0xbe: {  	_ =	swait.ge [sflag:s1], $0x2000  }
0xbf: {  	[sflag:s1] =	ssyncset.done $0x0  }
0xc0: {  	s6 =	rddreg [dreg:$0x1a];
	[sflag:s1] =	ssyncadd.s32 $0xFFFFE000  }
0xc1: {  	[hbm4b:s6+s18] =	stream.linear.scatter [tilespmem:s9], [sflag:$0xE], $0x2000, $0x38;
	[tilespmem:$0x16C00] =	vst v63  }
0xc2: {  	_ =	swait.ge [sflag:s29], $0x2000  }
0xc3: {  	[sflag:s29] =	ssyncset.done $0x0  }
0xc4: {  	[sflag:s29] =	ssyncadd.s32 $0xFFFFE000  }
0xc5: {  	_ =	swait.ge [sflag:s31], $0x2000  }
0xc6: {  	[sflag:s31] =	ssyncset.done $0x0  }
0xc7: {  	[sflag:s31] =	ssyncadd.s32 $0xFFFFE000  }
0xc8: {  	_ =	swait.ge [sflag:s0], $0x2000  }
0xc9: {  	[sflag:s0] =	ssyncset.done $0x0  }
0xca: {  	[sflag:s0] =	ssyncadd.s32 $0xFFFFE000  }
0xcb: {  	_ =	swait.ge [sflag:s2], $0x2000  }
0xcc: {  	[sflag:s2] =	ssyncset.done $0x0  }
0xcd: {  	[sflag:s2] =	ssyncadd.s32 $0xFFFFE000  }
0xce: {  	_ =	swait.ge [sflag:s15], $0x2800  }
0xcf: {  	[sflag:s15] =	ssyncset.done $0x0  }
0xd0: {  	[sflag:s15] =	ssyncadd.s32 $0xFFFFD800  }
0xd1: {  	[tilespmem:s25], [sflag:$0x1] =	stream.indirect.gather [hbm4b:s23+s17], $0x80, s26, s17, $0xb8;
	[tilespmem:$0x16C00] =	vst v63  }
0xd2: {  	s16 =	simm.s32 $0x440  }
0xd3: {  	[tilespmem:s7], [sflag:$0x2] =	stream.indirect.gather [hbm4b:s23+s17], $0x80, s16, s17, $0xb8;
	[tilespmem:$0x16C00] =	vst v63  }
0xd4: {  	s26 =	simm.s32 $0x480  }
0xd5: {  	[tilespmem:s8], [sflag:$0x3] =	stream.indirect.gather [hbm4b:s23+s17], $0x80, s26, s17, $0xb8;
	[tilespmem:$0x16C00] =	vst v63  }
0xd6: {  	s6 =	simm.s32 $0x4C0  }
0xd7: {  	[tilespmem:s9], [sflag:$0x4] =	stream.indirect.gather [hbm4b:s23+s17], $0x80, s6, s17, $0xb8;
	[tilespmem:$0x16C00] =	vst v63  }
0xd8: {  	s16 =	simm.s32 $0x500;
	s26 =	simm.s32 $0xAC00  }
0xd9: {  	[tilespmem:s26], [sflag:$0x5] =	stream.indirect.gather [hbm4b:s23+s17], $0x80, s16, s17, $0xb8;
	[tilespmem:$0x16C00] =	vst v63  }
0xda: {  	s6 =	simm.s32 $0x540;
	s16 =	simm.s32 $0xCC00  }
0xdb: {  	[tilespmem:s16], [sflag:$0x6] =	stream.indirect.gather [hbm4b:s23+s17], $0x80, s6, s17, $0xb8;
	[tilespmem:$0x16C00] =	vst v63  }
0xdc: {  	s6 =	simm.s32 $0x580;
	s16 =	simm.s32 $0xEC00  }
0xdd: {  	[tilespmem:s16], [sflag:$0x7] =	stream.indirect.gather [hbm4b:s23+s17], $0x80, s6, s17, $0xb8;
	[tilespmem:$0x16C00] =	vst v63  }
0xde: {  	s6 =	simm.s32 $0x5C0;
	s16 =	simm.s32 $0x10C00  }
0xdf: {  	[tilespmem:s16], [sflag:$0x8] =	stream.indirect.gather [hbm4b:s23+s17], $0x80, s6, s17, $0xb8;
	[tilespmem:$0x16C00] =	vst v63  }
0xe0: {  	s16 =	simm.s32 $0x600;
	s6 =	simm.s32 $0x12C00  }
0xe1: {  	[tilespmem:s6], [sflag:$0x9] =	stream.indirect.gather [hbm4b:s23+s17], $0x80, s16, s17, $0xb8;
	[tilespmem:$0x16C00] =	vst v63  }
0xe2: {  	s6 =	simm.s32 $0x640;
	s16 =	simm.s32 $0x14C00  }
0xe3: {  	[tilespmem:s16], [sflag:$0xA] =	stream.indirect.gather [hbm4b:s23+s17], $0x80, s6, s17, $0xb8;
	[tilespmem:$0x16C00] =	vst v63  }
0xe4: {  	_ =	swait.ge [sflag:s28], $0x2000  }
0xe5: {  	[sflag:s28] =	ssyncset.done $0x0  }
0xe6: {  	s6 =	rddreg [dreg:$0x1b];
	[sflag:s28] =	ssyncadd.s32 $0xFFFFE000  }
0xe7: {  	[hbm4b:s6+s18] =	stream.linear.scatter [tilespmem:s25], [sflag:$0xB], $0x2000, $0x38;
	[tilespmem:$0x16C00] =	vst v63  }
0xe8: {  	_ =	swait.ge [sflag:s29], $0x2000  }
0xe9: {  	[sflag:s29] =	ssyncset.done $0x0  }
0xea: {  	s6 =	simm.s32 $0x680;
	[sflag:s29] =	ssyncadd.s32 $0xFFFFE000  }
0xeb: {  	[tilespmem:s25], [sflag:$0x1] =	stream.indirect.gather [hbm4b:s23+s17], $0x80, s6, s17, $0xb8;
	[tilespmem:$0x16C00] =	vst v63  }
0xec: {  	_ =	swait.ge [sflag:s30], $0x2000  }
0xed: {  	s6 =	sld [smem:$0x7F5]  }
0xee: {  	[sflag:s30] =	ssyncset.done $0x0  }
0xef: {  	[sflag:s30] =	ssyncadd.s32 $0xFFFFE000  }
0xf0: {  	[hbm4b:s6+s18] =	stream.linear.scatter [tilespmem:s7], [sflag:$0xC], $0x2000, $0x38;
	[tilespmem:$0x16C00] =	vst v63  }
0xf1: {  	_ =	swait.ge [sflag:s31], $0x2000  }
0xf2: {  	[sflag:s31] =	ssyncset.done $0x0  }
0xf3: {  	s6 =	simm.s32 $0x6C0;
	[sflag:s31] =	ssyncadd.s32 $0xFFFFE000  }
0xf4: {  	[tilespmem:s7], [sflag:$0x2] =	stream.indirect.gather [hbm4b:s23+s17], $0x80, s6, s17, $0xb8;
	[tilespmem:$0x16C00] =	vst v63  }
0xf5: {  	_ =	swait.ge [sflag:s21], $0x2000  }
0xf6: {  	s6 =	sld [smem:$0x7F6]  }
0xf7: {  	[sflag:s21] =	ssyncset.done $0x0  }
0xf8: {  	[sflag:s21] =	ssyncadd.s32 $0xFFFFE000  }
0xf9: {  	[hbm4b:s6+s18] =	stream.linear.scatter [tilespmem:s8], [sflag:$0xD], $0x2000, $0x38;
	[tilespmem:$0x16C00] =	vst v63  }
0xfa: {  	_ =	swait.ge [sflag:s0], $0x2000  }
0xfb: {  	[sflag:s0] =	ssyncset.done $0x0  }
0xfc: {  	s6 =	simm.s32 $0x700;
	[sflag:s0] =	ssyncadd.s32 $0xFFFFE000  }
0xfd: {  	[tilespmem:s8], [sflag:$0x3] =	stream.indirect.gather [hbm4b:s23+s17], $0x80, s6, s17, $0xb8;
	[tilespmem:$0x16C00] =	vst v63  }
0xfe: {  	_ =	swait.ge [sflag:s1], $0x2000  }
0xff: {  	s6 =	sld [smem:$0x7F7]  }
0x100: {  	[sflag:s1] =	ssyncset.done $0x0  }
0x101: {  	[sflag:s1] =	ssyncadd.s32 $0xFFFFE000  }
0x102: {  	[hbm4b:s6+s18] =	stream.linear.scatter [tilespmem:s9], [sflag:$0xE], $0x2000, $0x38;
	[tilespmem:$0x16C00] =	vst v63  }
0x103: {  	_ =	swait.ge [sflag:s2], $0x2000  }
0x104: {  	[sflag:s2] =	ssyncset.done $0x0  }
0x105: {  	s6 =	simm.s32 $0x740;
	[sflag:s2] =	ssyncadd.s32 $0xFFFFE000  }
0x106: {  	[tilespmem:s9], [sflag:$0x4] =	stream.indirect.gather [hbm4b:s23+s17], $0x80, s6, s17, $0xb8;
	[tilespmem:$0x16C00] =	vst v63  }
0x107: {  	_ =	swait.ge [sflag:s10], $0x2000  }
0x108: {  	s6 =	sld [smem:$0x7F8]  }
0x109: {  	[sflag:s10] =	ssyncset.done $0x0  }
0x10a: {  	[sflag:s10] =	ssyncadd.s32 $0xFFFFE000  }
0x10b: {  	[hbm4b:s6+s18] =	stream.linear.scatter [tilespmem:s26], [sflag:$0xF], $0x2000, $0x38;
	[tilespmem:$0x16C00] =	vst v63  }
0x10c: {  	_ =	swait.ge [sflag:s3], $0x2000  }
0x10d: {  	[sflag:s3] =	ssyncset.done $0x0  }
0x10e: {  	s6 =	simm.s32 $0x780;
	[sflag:s3] =	ssyncadd.s32 $0xFFFFE000  }
0x10f: {  	[tilespmem:s26], [sflag:$0x5] =	stream.indirect.gather [hbm4b:s23+s17], $0x80, s6, s17, $0xb8;
	[tilespmem:$0x16C00] =	vst v63  }
0x110: {  	_ =	swait.ge [sflag:s11], $0x2000  }
0x111: {  	s5 =	sld [smem:$0x7F9]  }
0x112: {  	[sflag:s11] =	ssyncset.done $0x0  }
0x113: {  	s6 =	simm.s32 $0xCC00;
	[sflag:s11] =	ssyncadd.s32 $0xFFFFE000  }
0x114: {  	[hbm4b:s5+s18] =	stream.linear.scatter [tilespmem:s6], [sflag:$0x10], $0x2000, $0x38;
	[tilespmem:$0x16C00] =	vst v63  }
0x115: {  	_ =	swait.ge [sflag:s15], $0x2000  }
0x116: {  	[sflag:s15] =	ssyncset.done $0x0  }
0x117: {  	s5 =	simm.s32 $0x7C0;
	[sflag:s15] =	ssyncadd.s32 $0xFFFFE000  }
0x118: {  	[tilespmem:s6], [sflag:$0x6] =	stream.indirect.gather [hbm4b:s23+s17], $0x80, s5, s17, $0xb8;
	[tilespmem:$0x16C00] =	vst v63  }
0x119: {  	_ =	swait.ge [sflag:s12], $0x2000  }
0x11a: {  	s5 =	sld [smem:$0x7FA]  }
0x11b: {  	[sflag:s12] =	ssyncset.done $0x0  }
0x11c: {  	s6 =	simm.s32 $0xEC00;
	[sflag:s12] =	ssyncadd.s32 $0xFFFFE000  }
0x11d: {  	[hbm4b:s5+s18] =	stream.linear.scatter [tilespmem:s6], [sflag:$0x11], $0x2000, $0x38;
	[tilespmem:$0x16C00] =	vst v63  }
0x11e: {  	_ =	swait.ge [sflag:s13], $0x2000  }
0x11f: {  	[sflag:s13] =	ssyncset.done $0x0  }
0x120: {  	s5 =	simm.s32 $0x800;
	[sflag:s13] =	ssyncadd.s32 $0xFFFFE000  }
0x121: {  	[tilespmem:s6], [sflag:$0x7] =	stream.indirect.gather [hbm4b:s23+s17], $0x80, s5, s17, $0xb8;
	[tilespmem:$0x16C00] =	vst v63  }
0x122: {  	_ =	swait.ge [sflag:s20], $0x2000  }
0x123: {  	s5 =	sld [smem:$0x7FB]  }
0x124: {  	[sflag:s20] =	ssyncset.done $0x0  }
0x125: {  	s6 =	simm.s32 $0x10C00;
	[sflag:s20] =	ssyncadd.s32 $0xFFFFE000  }
0x126: {  	[hbm4b:s5+s18] =	stream.linear.scatter [tilespmem:s6], [sflag:$0x12], $0x2000, $0x38;
	[tilespmem:$0x16C00] =	vst v63  }
0x127: {  	_ =	swait.ge [sflag:s14], $0x2000  }
0x128: {  	[sflag:s14] =	ssyncset.done $0x0  }
0x129: {  	s5 =	simm.s32 $0x840;
	[sflag:s14] =	ssyncadd.s32 $0xFFFFE000  }
0x12a: {  	[tilespmem:s6], [sflag:$0x8] =	stream.indirect.gather [hbm4b:s23+s17], $0x80, s5, s17, $0xb8;
	[tilespmem:$0x16C00] =	vst v63  }
0x12b: {  	_ =	swait.ge [sflag:s22], $0x2000  }
0x12c: {  	s5 =	sld [smem:$0x7FC]  }
0x12d: {  	[sflag:s22] =	ssyncset.done $0x0  }
0x12e: {  	s6 =	simm.s32 $0x12C00;
	[sflag:s22] =	ssyncadd.s32 $0xFFFFE000  }
0x12f: {  	[hbm4b:s5+s18] =	stream.linear.scatter [tilespmem:s6], [sflag:$0x13], $0x2000, $0x38;
	[tilespmem:$0x16C00] =	vst v63  }
0x130: {  	_ =	swait.ge [sflag:s4], $0x2000  }
0x131: {  	[sflag:s4] =	ssyncset.done $0x0  }
0x132: {  	s5 =	simm.s32 $0x880;
	[sflag:s4] =	ssyncadd.s32 $0xFFFFE000  }
0x133: {  	[tilespmem:s6], [sflag:$0x9] =	stream.indirect.gather [hbm4b:s23+s17], $0x80, s5, s17, $0xb8;
	[tilespmem:$0x16C00] =	vst v63  }
0x134: {  	_ =	swait.ge [sflag:s19], $0x2000  }
0x135: {  	s5 =	sld [smem:$0x7FD]  }
0x136: {  	[sflag:s19] =	ssyncset.done $0x0  }
0x137: {  	[sflag:s19] =	ssyncadd.s32 $0xFFFFE000  }
0x138: {  	[hbm4b:s5+s18] =	stream.linear.scatter [tilespmem:s16], [sflag:$0x14], $0x2000, $0x38;
	[tilespmem:$0x16C00] =	vst v63  }
0x139: {  	_ =	swait.ge [sflag:s24], $0x2000  }
0x13a: {  	[sflag:s24] =	ssyncset.done $0x0  }
0x13b: {  	s5 =	simm.s32 $0x8C0;
	[sflag:s24] =	ssyncadd.s32 $0xFFFFE000  }
0x13c: {  	[tilespmem:s16], [sflag:$0xA] =	stream.indirect.gather [hbm4b:s23+s17], $0x80, s5, s17, $0xb8;
	[tilespmem:$0x16C00] =	vst v63  }
0x13d: {  	_ =	swait.ge [sflag:s28], $0x2000  }
0x13e: {  	s16 =	sld [smem:$0x7F4]  }
0x13f: {  	[sflag:s28] =	ssyncset.done $0x0  }
0x140: {  	[sflag:s28] =	ssyncadd.s32 $0xFFFFE000  }
0x141: {  	[hbm4b:s16+s18] =	stream.linear.scatter [tilespmem:s25], [sflag:$0xB], $0x2000, $0x38;
	[tilespmem:$0x16C00] =	vst v63  }
0x142: {  	_ =	swait.ge [sflag:s29], $0x2000  }
0x143: {  	[sflag:s29] =	ssyncset.done $0x0  }
0x144: {  	s28 =	simm.s32 $0x900;
	[sflag:s29] =	ssyncadd.s32 $0xFFFFE000  }
0x145: {  	[tilespmem:s25], [sflag:$0x1] =	stream.indirect.gather [hbm4b:s23+s17], $0x80, s28, s17, $0xb8;
	[tilespmem:$0x16C00] =	vst v63  }
0x146: {  	_ =	swait.ge [sflag:s30], $0x2000  }
0x147: {  	[sflag:s30] =	ssyncset.done $0x0  }
0x148: {  	s29 =	sadd.s32 $0x400, s16;
	[sflag:s30] =	ssyncadd.s32 $0xFFFFE000  }
0x149: {  	[hbm4b:s29+s18] =	stream.linear.scatter [tilespmem:s7], [sflag:$0xC], $0x2000, $0x38;
	[tilespmem:$0x16C00] =	vst v63  }
0x14a: {  	_ =	swait.ge [sflag:s31], $0x2000  }
0x14b: {  	[sflag:s31] =	ssyncset.done $0x0  }
0x14c: {  	s30 =	simm.s32 $0x940;
	[sflag:s31] =	ssyncadd.s32 $0xFFFFE000  }
0x14d: {  	[tilespmem:s7], [sflag:$0x2] =	stream.indirect.gather [hbm4b:s23+s17], $0x80, s30, s17, $0xb8;
	[tilespmem:$0x16C00] =	vst v63  }
0x14e: {  	_ =	swait.ge [sflag:s21], $0x2000  }
0x14f: {  	[sflag:s21] =	ssyncset.done $0x0  }
0x150: {  	s31 =	sadd.s32 $0x800, s16;
	[sflag:s21] =	ssyncadd.s32 $0xFFFFE000  }
0x151: {  	[hbm4b:s31+s18] =	stream.linear.scatter [tilespmem:s8], [sflag:$0xD], $0x2000, $0x38;
	[tilespmem:$0x16C00] =	vst v63  }
0x152: {  	_ =	swait.ge [sflag:s0], $0x2000  }
0x153: {  	[sflag:s0] =	ssyncset.done $0x0  }
0x154: {  	s7 =	simm.s32 $0x980;
	[sflag:s0] =	ssyncadd.s32 $0xFFFFE000  }
0x155: {  	[tilespmem:s8], [sflag:$0x3] =	stream.indirect.gather [hbm4b:s23+s17], $0x80, s7, s17, $0xb8;
	[tilespmem:$0x16C00] =	vst v63  }
0x156: {  	_ =	swait.ge [sflag:s1], $0x2000  }
0x157: {  	[sflag:s1] =	ssyncset.done $0x0  }
0x158: {  	s21 =	sadd.s32 $0xC00, s16;
	[sflag:s1] =	ssyncadd.s32 $0xFFFFE000  }
0x159: {  	[hbm4b:s21+s18] =	stream.linear.scatter [tilespmem:s9], [sflag:$0xE], $0x2000, $0x38;
	[tilespmem:$0x16C00] =	vst v63  }
0x15a: {  	_ =	swait.ge [sflag:s2], $0x2000  }
0x15b: {  	[sflag:s2] =	ssyncset.done $0x0  }
0x15c: {  	s25 =	simm.s32 $0x9C0;
	[sflag:s2] =	ssyncadd.s32 $0xFFFFE000  }
0x15d: {  	[tilespmem:s9], [sflag:$0x4] =	stream.indirect.gather [hbm4b:s23+s17], $0x80, s25, s17, $0xb8;
	[tilespmem:$0x16C00] =	vst v63  }
0x15e: {  	_ =	swait.ge [sflag:s10], $0x2000  }
0x15f: {  	[sflag:s10] =	ssyncset.done $0x0  }
0x160: {  	s28 =	sadd.s32 $0x1000, s16;
	[sflag:s10] =	ssyncadd.s32 $0xFFFFE000  }
0x161: {  	[hbm4b:s28+s18] =	stream.linear.scatter [tilespmem:s26], [sflag:$0xF], $0x2000, $0x38;
	[tilespmem:$0x16C00] =	vst v63  }
0x162: {  	_ =	swait.ge [sflag:s3], $0x2000  }
0x163: {  	[sflag:s3] =	ssyncset.done $0x0  }
0x164: {  	s29 =	simm.s32 $0xA00;
	[sflag:s3] =	ssyncadd.s32 $0xFFFFE000  }
0x165: {  	[tilespmem:s26], [sflag:$0x5] =	stream.indirect.gather [hbm4b:s23+s17], $0x80, s29, s17, $0xb8;
	[tilespmem:$0x16C00] =	vst v63  }
0x166: {  	_ =	swait.ge [sflag:s11], $0x2000  }
0x167: {  	[sflag:s11] =	ssyncset.done $0x0  }
0x168: {  	s30 =	sadd.s32 $0x1400, s16;
	s31 =	simm.s32 $0xCC00;
	[sflag:s11] =	ssyncadd.s32 $0xFFFFE000  }
0x169: {  	[hbm4b:s30+s18] =	stream.linear.scatter [tilespmem:s31], [sflag:$0x10], $0x2000, $0x38;
	[tilespmem:$0x16C00] =	vst v63  }
0x16a: {  	_ =	swait.ge [sflag:s15], $0x2000  }
0x16b: {  	[sflag:s15] =	ssyncset.done $0x0  }
0x16c: {  	s8 =	simm.s32 $0xA40;
	[sflag:s15] =	ssyncadd.s32 $0xFFFFE000  }
0x16d: {  	[tilespmem:s31], [sflag:$0x6] =	stream.indirect.gather [hbm4b:s23+s17], $0x80, s8, s17, $0xb8;
	[tilespmem:$0x16C00] =	vst v63  }
0x16e: {  	_ =	swait.ge [sflag:s12], $0x2000  }
0x16f: {  	[sflag:s12] =	ssyncset.done $0x0  }
0x170: {  	s21 =	simm.s32 $0xEC00;
	s9 =	sadd.s32 $0x1800, s16;
	[sflag:s12] =	ssyncadd.s32 $0xFFFFE000  }
0x171: {  	[hbm4b:s9+s18] =	stream.linear.scatter [tilespmem:s21], [sflag:$0x11], $0x2000, $0x38;
	[tilespmem:$0x16C00] =	vst v63  }
0x172: {  	_ =	swait.ge [sflag:s13], $0x2000  }
0x173: {  	[sflag:s13] =	ssyncset.done $0x0  }
0x174: {  	s25 =	simm.s32 $0xA80;
	[sflag:s13] =	ssyncadd.s32 $0xFFFFE000  }
0x175: {  	[tilespmem:s21], [sflag:$0x7] =	stream.indirect.gather [hbm4b:s23+s17], $0x80, s25, s17, $0xb8;
	[tilespmem:$0x16C00] =	vst v63  }
0x176: {  	_ =	swait.ge [sflag:s20], $0x2000  }
0x177: {  	[sflag:s20] =	ssyncset.done $0x0  }
0x178: {  	s28 =	simm.s32 $0x10C00;
	s26 =	sadd.s32 $0x1C00, s16;
	[sflag:s20] =	ssyncadd.s32 $0xFFFFE000  }
0x179: {  	[hbm4b:s26+s18] =	stream.linear.scatter [tilespmem:s28], [sflag:$0x12], $0x2000, $0x38;
	[tilespmem:$0x16C00] =	vst v63  }
0x17a: {  	_ =	swait.ge [sflag:s14], $0x2000  }
0x17b: {  	[sflag:s14] =	ssyncset.done $0x0  }
0x17c: {  	s29 =	simm.s32 $0xAC0;
	[sflag:s14] =	ssyncadd.s32 $0xFFFFE000  }
0x17d: {  	[tilespmem:s28], [sflag:$0x8] =	stream.indirect.gather [hbm4b:s23+s17], $0x80, s29, s17, $0xb8;
	[tilespmem:$0x16C00] =	vst v63  }
0x17e: {  	_ =	swait.ge [sflag:s22], $0x2000  }
0x17f: {  	[sflag:s22] =	ssyncset.done $0x0  }
0x180: {  	s6 =	simm.s32 $0x12C00;
	s30 =	sadd.s32 $0x2000, s16;
	[sflag:s22] =	ssyncadd.s32 $0xFFFFE000  }
0x181: {  	[hbm4b:s30+s18] =	stream.linear.scatter [tilespmem:s6], [sflag:$0x13], $0x2000, $0x38;
	[tilespmem:$0x16C00] =	vst v63  }
0x182: {  	_ =	swait.ge [sflag:s4], $0x2000  }
0x183: {  	[sflag:s4] =	ssyncset.done $0x0  }
0x184: {  	s31 =	simm.s32 $0xB00;
	[sflag:s4] =	ssyncadd.s32 $0xFFFFE000  }
0x185: {  	[tilespmem:s6], [sflag:$0x9] =	stream.indirect.gather [hbm4b:s23+s17], $0x80, s31, s17, $0xb8;
	[tilespmem:$0x16C00] =	vst v63  }
0x186: {  	_ =	swait.ge [sflag:s19], $0x2000  }
0x187: {  	s5 =	sadd.s32 $0x2400, s16;
	[sflag:s19] =	ssyncset.done $0x0  }
0x188: {  	s25 =	simm.s32 $0xA00;
	s26 =	sadd.s32 $0x2800, s16;
	[sflag:s19] =	ssyncadd.s32 $0xFFFFE000  }
.LBB2_2:
0x189: {  	s6 =	simm.s32 $0x14C00  }
0x18a: {  	[hbm4b:s5+s18] =	stream.linear.scatter [tilespmem:s6], [sflag:$0x14], $0x2000, $0x38;
	[tilespmem:$0x16C00] =	vst v63  }
0x18b: {  	s5 =	smov.u32 s25  }
0x18c: {  	p0 =	sne.s32 s25, $0x8200;
	s25 =	sadd.s32 $0xA00, s25;
	_ =	swait.ge [sflag:s24], $0x2000  }
0x18d: {  	s5 =	sshra.s32 s5, $0x2;
	[sflag:s24] =	ssyncset.done $0x0  }
0x18e: {  	s16 =	sadd.s32 $0x8C0, s5;
	[sflag:s24] =	ssyncadd.s32 $0xFFFFE000  }
0x18f: {  	[tilespmem:s6], [sflag:$0xA] =	stream.indirect.gather [hbm4b:s23+s17], $0x80, s16, s17, $0xb8;
	[tilespmem:$0x16C00] =	vst v63  }
0x190: {  	s6 =	simm.s32 $0x1  }
0x191: {  	_ =	swait.ge [sflag:s6], $0x2000  }
0x192: {  	[sflag:s6] =	ssyncset.done $0x0  }
0x193: {  	s7 =	simm.s32 $0x2C00;
	[sflag:s6] =	ssyncadd.s32 $0xFFFFE000;
	s6 =	simm.s32 $0xB  }
0x194: {  	[hbm4b:s26+s18] =	stream.linear.scatter [tilespmem:s7], [sflag:$0xB], $0x2000, $0x38;
	[tilespmem:$0x16C00] =	vst v63  }
0x195: {  	_ =	swait.ge [sflag:s6], $0x2000  }
0x196: {  	[sflag:s6] =	ssyncset.done $0x0  }
0x197: {  	s16 =	sadd.s32 $0x900, s5;
	[sflag:s6] =	ssyncadd.s32 $0xFFFFE000  }
0x198: {  	[tilespmem:s7], [sflag:$0x1] =	stream.indirect.gather [hbm4b:s23+s17], $0x80, s16, s17, $0xb8;
	[tilespmem:$0x16C00] =	vst v63  }
0x199: {  	s6 =	simm.s32 $0x2C00;
	s7 =	simm.s32 $0x2  }
0x19a: {  	_ =	swait.ge [sflag:s7], $0x2000  }
0x19b: {  	s8 =	simm.s32 $0x4C00;
	[sflag:s7] =	ssyncset.done $0x0  }
0x19c: {  	s16 =	sadd.s32 $0x400, s26;
	[sflag:s7] =	ssyncadd.s32 $0xFFFFE000;
	s7 =	simm.s32 $0xC  }
0x19d: {  	[hbm4b:s16+s18] =	stream.linear.scatter [tilespmem:s8], [sflag:$0xC], $0x2000, $0x38;
	[tilespmem:$0x16C00] =	vst v63  }
0x19e: {  	_ =	swait.ge [sflag:s7], $0x2000  }
0x19f: {  	[sflag:s7] =	ssyncset.done $0x0  }
0x1a0: {  	s16 =	sadd.s32 $0x940, s5;
	[sflag:s7] =	ssyncadd.s32 $0xFFFFE000  }
0x1a1: {  	[tilespmem:s8], [sflag:$0x2] =	stream.indirect.gather [hbm4b:s23+s17], $0x80, s16, s17, $0xb8;
	[tilespmem:$0x16C00] =	vst v63  }
0x1a2: {  	s7 =	simm.s32 $0x4C00;
	s8 =	simm.s32 $0x3  }
0x1a3: {  	_ =	swait.ge [sflag:s8], $0x2000  }
0x1a4: {  	[sflag:s8] =	ssyncset.done $0x0  }
0x1a5: {  	s9 =	simm.s32 $0x6C00;
	s16 =	sadd.s32 $0x800, s26;
	[sflag:s8] =	ssyncadd.s32 $0xFFFFE000  }
0x1a6: {  	[hbm4b:s16+s18] =	stream.linear.scatter [tilespmem:s9], [sflag:$0xD], $0x2000, $0x38;
	[tilespmem:$0x16C00] =	vst v63  }
0x1a7: {  	_ =	swait.ge [sflag:s0], $0x2000  }
0x1a8: {  	[sflag:s0] =	ssyncset.done $0x0  }
0x1a9: {  	s8 =	simm.s32 $0x6C00;
	s16 =	sadd.s32 $0x980, s5;
	[sflag:s0] =	ssyncadd.s32 $0xFFFFE000  }
0x1aa: {  	[tilespmem:s9], [sflag:$0x3] =	stream.indirect.gather [hbm4b:s23+s17], $0x80, s16, s17, $0xb8;
	[tilespmem:$0x16C00] =	vst v63  }
0x1ab: {  	_ =	swait.ge [sflag:s1], $0x2000  }
0x1ac: {  	[sflag:s1] =	ssyncset.done $0x0  }
0x1ad: {  	s28 =	simm.s32 $0x8C00;
	s16 =	sadd.s32 $0xC00, s26;
	[sflag:s1] =	ssyncadd.s32 $0xFFFFE000  }
0x1ae: {  	[hbm4b:s16+s18] =	stream.linear.scatter [tilespmem:s28], [sflag:$0xE], $0x2000, $0x38;
	[tilespmem:$0x16C00] =	vst v63  }
0x1af: {  	_ =	swait.ge [sflag:s2], $0x2000  }
0x1b0: {  	[sflag:s2] =	ssyncset.done $0x0  }
0x1b1: {  	s9 =	simm.s32 $0x8C00;
	s16 =	sadd.s32 $0x9C0, s5;
	[sflag:s2] =	ssyncadd.s32 $0xFFFFE000  }
0x1b2: {  	[tilespmem:s28], [sflag:$0x4] =	stream.indirect.gather [hbm4b:s23+s17], $0x80, s16, s17, $0xb8;
	[tilespmem:$0x16C00] =	vst v63  }
0x1b3: {  	_ =	swait.ge [sflag:s10], $0x2000  }
0x1b4: {  	[sflag:s10] =	ssyncset.done $0x0  }
0x1b5: {  	s29 =	simm.s32 $0xAC00;
	s16 =	sadd.s32 $0x1000, s26;
	[sflag:s10] =	ssyncadd.s32 $0xFFFFE000  }
0x1b6: {  	[hbm4b:s16+s18] =	stream.linear.scatter [tilespmem:s29], [sflag:$0xF], $0x2000, $0x38;
	[tilespmem:$0x16C00] =	vst v63  }
0x1b7: {  	_ =	swait.ge [sflag:s3], $0x2000  }
0x1b8: {  	[sflag:s3] =	ssyncset.done $0x0  }
0x1b9: {  	s28 =	simm.s32 $0xAC00;
	s16 =	sadd.s32 $0xA00, s5;
	[sflag:s3] =	ssyncadd.s32 $0xFFFFE000  }
0x1ba: {  	[tilespmem:s29], [sflag:$0x5] =	stream.indirect.gather [hbm4b:s23+s17], $0x80, s16, s17, $0xb8;
	[tilespmem:$0x16C00] =	vst v63  }
0x1bb: {  	_ =	swait.ge [sflag:s11], $0x2000  }
0x1bc: {  	[sflag:s11] =	ssyncset.done $0x0  }
0x1bd: {  	s30 =	simm.s32 $0xCC00;
	s16 =	sadd.s32 $0x1400, s26;
	[sflag:s11] =	ssyncadd.s32 $0xFFFFE000  }
0x1be: {  	[hbm4b:s16+s18] =	stream.linear.scatter [tilespmem:s30], [sflag:$0x10], $0x2000, $0x38;
	[tilespmem:$0x16C00] =	vst v63  }
0x1bf: {  	_ =	swait.ge [sflag:s15], $0x2000  }
0x1c0: {  	[sflag:s15] =	ssyncset.done $0x0  }
0x1c1: {  	s29 =	simm.s32 $0xCC00;
	s16 =	sadd.s32 $0xA40, s5;
	[sflag:s15] =	ssyncadd.s32 $0xFFFFE000  }
0x1c2: {  	[tilespmem:s30], [sflag:$0x6] =	stream.indirect.gather [hbm4b:s23+s17], $0x80, s16, s17, $0xb8;
	[tilespmem:$0x16C00] =	vst v63  }
0x1c3: {  	_ =	swait.ge [sflag:s12], $0x2000  }
0x1c4: {  	[sflag:s12] =	ssyncset.done $0x0  }
0x1c5: {  	s31 =	simm.s32 $0xEC00;
	s16 =	sadd.s32 $0x1800, s26;
	[sflag:s12] =	ssyncadd.s32 $0xFFFFE000  }
0x1c6: {  	[hbm4b:s16+s18] =	stream.linear.scatter [tilespmem:s31], [sflag:$0x11], $0x2000, $0x38;
	[tilespmem:$0x16C00] =	vst v63  }
0x1c7: {  	_ =	swait.ge [sflag:s13], $0x2000  }
0x1c8: {  	[sflag:s13] =	ssyncset.done $0x0  }
0x1c9: {  	s30 =	simm.s32 $0xEC00;
	s16 =	sadd.s32 $0xA80, s5;
	[sflag:s13] =	ssyncadd.s32 $0xFFFFE000  }
0x1ca: {  	[tilespmem:s31], [sflag:$0x7] =	stream.indirect.gather [hbm4b:s23+s17], $0x80, s16, s17, $0xb8;
	[tilespmem:$0x16C00] =	vst v63  }
0x1cb: {  	_ =	swait.ge [sflag:s20], $0x2000  }
0x1cc: {  	[sflag:s20] =	ssyncset.done $0x0  }
0x1cd: {  	s21 =	simm.s32 $0x10C00;
	s16 =	sadd.s32 $0x1C00, s26;
	[sflag:s20] =	ssyncadd.s32 $0xFFFFE000  }
0x1ce: {  	[hbm4b:s16+s18] =	stream.linear.scatter [tilespmem:s21], [sflag:$0x12], $0x2000, $0x38;
	[tilespmem:$0x16C00] =	vst v63  }
0x1cf: {  	_ =	swait.ge [sflag:s14], $0x2000  }
0x1d0: {  	[sflag:s14] =	ssyncset.done $0x0  }
0x1d1: {  	s31 =	simm.s32 $0x10C00;
	s16 =	sadd.s32 $0xAC0, s5;
	[sflag:s14] =	ssyncadd.s32 $0xFFFFE000  }
0x1d2: {  	[tilespmem:s21], [sflag:$0x8] =	stream.indirect.gather [hbm4b:s23+s17], $0x80, s16, s17, $0xb8;
	[tilespmem:$0x16C00] =	vst v63  }
0x1d3: {  	_ =	swait.ge [sflag:s22], $0x2000  }
0x1d4: {  	[sflag:s22] =	ssyncset.done $0x0  }
0x1d5: {  	s16 =	sadd.s32 $0x2000, s26;
	s21 =	simm.s32 $0x12C00;
	[sflag:s22] =	ssyncadd.s32 $0xFFFFE000  }
0x1d6: {  	[hbm4b:s16+s18] =	stream.linear.scatter [tilespmem:s21], [sflag:$0x13], $0x2000, $0x38;
	[tilespmem:$0x16C00] =	vst v63  }
0x1d7: {  	_ =	swait.ge [sflag:s4], $0x2000  }
0x1d8: {  	s5 =	sadd.s32 $0xB00, s5;
	[sflag:s4] =	ssyncset.done $0x0  }
.Ltmp0:
0x1d9: {  	s16 =	simm.s32 $0x12C00;
	[sflag:s4] =	ssyncadd.s32 $0xFFFFE000;
	(pc) =	sbr.rel @p0 .LBB2_2-.Ltmp0, $4  }
0x1da: {  	[tilespmem:s21], [sflag:$0x9] =	stream.indirect.gather [hbm4b:s23+s17], $0x80, s5, s17, $0xb8;
	[tilespmem:$0x16C00] =	vst v63  }
0x1db: {  	_ =	swait.ge [sflag:s19], $0x2000  }
0x1dc: {  	[sflag:s19] =	ssyncset.done $0x0  }
0x1dd: {  	s5 =	sadd.s32 $0x2400, s26;
	s26 =	sadd.s32 $0x2800, s26;
	[sflag:s19] =	ssyncadd.s32 $0xFFFFE000  }
0x1de: {  	s21 =	simm.s32 $0x14C00  }
0x1df: {  	[hbm4b:s5+s18] =	stream.linear.scatter [tilespmem:s21], [sflag:$0x14], $0x2000, $0x38;
	[tilespmem:$0x16C00] =	vst v63  }
0x1e0: {  	_ =	swait.ge [sflag:s24], $0x2000  }
0x1e1: {  	[sflag:s24] =	ssyncset.done $0x0  }
0x1e2: {  	s25 =	simm.s32 $0x2BC0;
	s26 =	simm.s32 $0x1;
	[sflag:s24] =	ssyncadd.s32 $0xFFFFE000  }
0x1e3: {  	[tilespmem:s21], [sflag:$0xA] =	stream.indirect.gather [hbm4b:s23+s17], $0x80, s25, s17, $0xb8;
	[tilespmem:$0x16C00] =	vst v63  }
0x1e4: {  	_ =	swait.ge [sflag:s26], $0x2000  }
0x1e5: {  	[sflag:s26] =	ssyncset.done $0x0  }
0x1e6: {  	s25 =	rddreg [dreg:$0x1d];
	[sflag:s26] =	ssyncadd.s32 $0xFFFFE000;
	s26 =	simm.s32 $0x2  }
0x1e7: {  	[hbm4b:s25+s18] =	stream.linear.scatter [tilespmem:s6], [sflag:$0xB], $0x2000, $0x38;
	[tilespmem:$0x16C00] =	vst v63  }
0x1e8: {  	_ =	swait.ge [sflag:s26], $0x2000  }
0x1e9: {  	[sflag:s26] =	ssyncset.done $0x0  }
0x1ea: {  	s6 =	rddreg [dreg:$0x1e];
	[sflag:s26] =	ssyncadd.s32 $0xFFFFE000  }
0x1eb: {  	[hbm4b:s6+s18] =	stream.linear.scatter [tilespmem:s7], [sflag:$0xC], $0x2000, $0x38;
	[tilespmem:$0x16C00] =	vst v63  }
0x1ec: {  	s7 =	simm.s32 $0x3  }
0x1ed: {  	_ =	swait.ge [sflag:s7], $0x2000  }
0x1ee: {  	[sflag:s7] =	ssyncset.done $0x0  }
0x1ef: {  	s25 =	rddreg [dreg:$0x1f];
	[sflag:s7] =	ssyncadd.s32 $0xFFFFE000  }
0x1f0: {  	[hbm4b:s25+s18] =	stream.linear.scatter [tilespmem:s8], [sflag:$0xD], $0x2000, $0x38;
	[tilespmem:$0x16C00] =	vst v63  }
0x1f1: {  	_ =	swait.ge [sflag:s1], $0x2000  }
0x1f2: {  	s26 =	sld [smem:$0x7EC]  }
0x1f3: {  	[sflag:s1] =	ssyncset.done $0x0  }
0x1f4: {  	[sflag:s1] =	ssyncadd.s32 $0xFFFFE000  }
0x1f5: {  	[hbm4b:s26+s18] =	stream.linear.scatter [tilespmem:s9], [sflag:$0xE], $0x2000, $0x38;
	[tilespmem:$0x16C00] =	vst v63  }
0x1f6: {  	_ =	swait.ge [sflag:s10], $0x2000  }
0x1f7: {  	s6 =	sld [smem:$0x7ED]  }
0x1f8: {  	[sflag:s10] =	ssyncset.done $0x0  }
0x1f9: {  	[sflag:s10] =	ssyncadd.s32 $0xFFFFE000  }
0x1fa: {  	[hbm4b:s6+s18] =	stream.linear.scatter [tilespmem:s28], [sflag:$0xF], $0x2000, $0x38;
	[tilespmem:$0x16C00] =	vst v63  }
0x1fb: {  	_ =	swait.ge [sflag:s11], $0x2000  }
0x1fc: {  	s7 =	sld [smem:$0x7EE]  }
0x1fd: {  	[sflag:s11] =	ssyncset.done $0x0  }
0x1fe: {  	[sflag:s11] =	ssyncadd.s32 $0xFFFFE000  }
0x1ff: {  	[hbm4b:s7+s18] =	stream.linear.scatter [tilespmem:s29], [sflag:$0x10], $0x2000, $0x38;
	[tilespmem:$0x16C00] =	vst v63  }
0x200: {  	_ =	swait.ge [sflag:s12], $0x2000  }
0x201: {  	s8 =	sld [smem:$0x7EF]  }
0x202: {  	[sflag:s12] =	ssyncset.done $0x0  }
0x203: {  	[sflag:s12] =	ssyncadd.s32 $0xFFFFE000  }
0x204: {  	[hbm4b:s8+s18] =	stream.linear.scatter [tilespmem:s30], [sflag:$0x11], $0x2000, $0x38;
	[tilespmem:$0x16C00] =	vst v63  }
0x205: {  	_ =	swait.ge [sflag:s20], $0x2000  }
0x206: {  	s9 =	sld [smem:$0x7F0]  }
0x207: {  	[sflag:s20] =	ssyncset.done $0x0  }
0x208: {  	[sflag:s20] =	ssyncadd.s32 $0xFFFFE000  }
0x209: {  	[hbm4b:s9+s18] =	stream.linear.scatter [tilespmem:s31], [sflag:$0x12], $0x2000, $0x38;
	[tilespmem:$0x16C00] =	vst v63  }
0x20a: {  	_ =	swait.ge [sflag:s22], $0x2000  }
0x20b: {  	s25 =	sld [smem:$0x7F1]  }
0x20c: {  	[sflag:s22] =	ssyncset.done $0x0  }
0x20d: {  	[sflag:s22] =	ssyncadd.s32 $0xFFFFE000  }
0x20e: {  	[hbm4b:s25+s18] =	stream.linear.scatter [tilespmem:s16], [sflag:$0x13], $0x2000, $0x38;
	[tilespmem:$0x16C00] =	vst v63  }
0x20f: {  	_ =	swait.ge [sflag:s19], $0x2000  }
0x210: {  	s26 =	sld [smem:$0x7F2]  }
0x211: {  	[sflag:s19] =	ssyncset.done $0x0  }
0x212: {  	s28 =	simm.s32 $0xB;
	[sflag:s19] =	ssyncadd.s32 $0xFFFFE000  }
0x213: {  	[hbm4b:s26+s18] =	stream.linear.scatter [tilespmem:s21], [sflag:$0x14], $0x2000, $0x38;
	[tilespmem:$0x16C00] =	vst v63  }
0x214: {  	_ =	swait.ge [sflag:s28], $0x2000  }
0x215: {  	[sflag:s28] =	ssyncset.done $0x0  }
0x216: {  	s29 =	simm.s32 $0xC;
	[sflag:s28] =	ssyncadd.s32 $0xFFFFE000  }
0x217: {  	_ =	swait.ge [sflag:s29], $0x2000  }
0x218: {  	[sflag:s29] =	ssyncset.done $0x0  }
0x219: {  	[sflag:s29] =	ssyncadd.s32 $0xFFFFE000  }
0x21a: {  	_ =	swait.ge [sflag:s0], $0x2000  }
0x21b: {  	[sflag:s0] =	ssyncset.done $0x0  }
0x21c: {  	[sflag:s0] =	ssyncadd.s32 $0xFFFFE000  }
0x21d: {  	_ =	swait.ge [sflag:s2], $0x2000  }
0x21e: {  	[sflag:s2] =	ssyncset.done $0x0  }
0x21f: {  	[sflag:s2] =	ssyncadd.s32 $0xFFFFE000  }
0x220: {  	_ =	swait.ge [sflag:s3], $0x2000  }
0x221: {  	[sflag:s3] =	ssyncset.done $0x0  }
0x222: {  	[sflag:s3] =	ssyncadd.s32 $0xFFFFE000  }
0x223: {  	_ =	swait.ge [sflag:s15], $0x2000  }
0x224: {  	[sflag:s15] =	ssyncset.done $0x0  }
0x225: {  	[sflag:s15] =	ssyncadd.s32 $0xFFFFE000  }
0x226: {  	_ =	swait.ge [sflag:s13], $0x2000  }
0x227: {  	[sflag:s13] =	ssyncset.done $0x0  }
0x228: {  	[sflag:s13] =	ssyncadd.s32 $0xFFFFE000  }
0x229: {  	_ =	swait.ge [sflag:s14], $0x2000  }
0x22a: {  	[sflag:s14] =	ssyncset.done $0x0  }
0x22b: {  	[sflag:s14] =	ssyncadd.s32 $0xFFFFE000  }
0x22c: {  	_ =	swait.ge [sflag:s4], $0x2000  }
0x22d: {  	[sflag:s4] =	ssyncset.done $0x0  }
0x22e: {  	[sflag:s4] =	ssyncadd.s32 $0xFFFFE000  }
0x22f: {  	_ =	swait.ge [sflag:s24], $0x2000  }
0x230: {  	s30 =	sld [smem:$0x7EB]  }
0x231: {  	s31 =	sld [smem:$0x7F3];
	_ =	sdelay $0x1  }
0x232: {  	s6 =	sadd.s32 $0x1, s30  }
0x233: {  	p0 =	sne.s32 s6, s31  }
.Ltmp1:
0x234: {  	_ = 	snop;
	(pc) =	sbr.rel @p0 .LBB2_1-.Ltmp1, $3  }
0x235: {  	_ =	sdelay $0x1  }
0x236: {  	[sflag:s24] =	ssyncset.done $0x0  }
0x237: {  	[sflag:s24] =	ssyncadd.s32 $0xFFFFE000  }
0x238: {  	_ =	sfence.sel $0x180000  }
0x239: {  	[bflag:$0x0] =	sbarrier.arrive $0xFFFF  }
0x23a: {  	_ =	strace $0x90000047  }
0x23b: {  	s0 =	stileid.u32;
	[bflag:$0x2] =	sbarrier.arrive $0xFFFF  }
0x23c: {  	p0 =	sne.s32 s0, $0x0;
	s0 =	rddreg [dreg:$0x8]  }
0x23d: {  	s0 =	sadd.s32 @!p0 $0x100000, s0  }
0x23e: {  	[sflag:s0] =	ssyncadd.tile.s32 @!p0 $0x1;
	_ =	shalt  }
.Lfunc_end2:
_tile_overlayer_lowered:
.L_overlay_start_2:
0x23f: {  	(tag) =	ssettag $0x2  }
0x240: {  	s0 =	rddreg [dreg:$0x0];
	s2 =	stileid.u32  }
0x241: {  	s1 =	rddreg [dreg:$0x1];
	p0 =	sne.s32 s2, $0x0  }
0x242: {  	s3 =	rddreg [dreg:$0x2];
	[bflag:$0x3] =	sbarrier.arrive $0xFFFF;
	s2 =	simm.s32 @!p0 $0x1C15  }
0x243: {  	[timem:s3], [sflag:s2] =	dma.local @!p0 [hbm:s0], s1  }
0x244: {  	s0 =	simm.s32 @!p0 $0x15  }
0x245: {  	_ =	swait.ge @!p0 [sflag:s0], s1  }
0x246: {  	s1 =	ssub.s32 @!p0 $0x0, s1;
	[sflag:s0] =	ssyncset.done @!p0 $0x0  }
0x247: {  	[sflag:s0] =	ssyncadd.s32 @!p0 s1  }
0x248: {  	[bflag:$0x3] =	sbarrier.arrive $0xFFFF  }
0x249: {  	_ =	shalt  }

</sc_bundles>
